<compile_context>
chip_gen: v7x
topology: tpu7x:2x2x1
jax: 0.10.2.dev20260603
libtpu: 0.0.44.dev20260713+nightly
codegen_flags: <defaults>
</compile_context>

<pallas_src>
import functools

import jax
import jax.numpy as jnp
from jax import lax
from jax.experimental import pallas as pl
from jax.experimental.pallas import tpu as pltpu
from jax.experimental.pallas import tpu_sc as plsc

_INFO = plsc.get_sparse_core_info()
_NC, _NS = _INFO.num_cores, _INFO.num_subcores
_NW = _NC * _NS


@functools.partial(jax.jit, static_argnames=("h", "b", "d"))
def _gather_t(x_t, table, *, h, b, d):
    blk = b // _NW
    ch = blk // 2
    tc = ch // 128
    te = d // 8
    n = 2 * h
    mesh = plsc.VectorSubcoreMesh(core_axis_name="c", subcore_axis_name="s")

    @functools.partial(
        pl.kernel,
        out_type=jax.ShapeDtypeStruct((h, te, (b // 128) * 8, 128), jnp.float32),
        mesh=mesh,
        compiler_params=pltpu.CompilerParams(
            use_tc_tiling_on_sc=False, needs_layout_passes=False
        ),
        scratch_types=[
            pltpu.VMEM((h, blk), jnp.int32),
            [pltpu.VMEM((ch, d), jnp.float32) for _ in range(2)],
            [pltpu.VMEM((te, tc * 8, 128), jnp.float32) for _ in range(2)],
            [pltpu.SemaphoreType.DMA for _ in range(2)],
            [pltpu.SemaphoreType.DMA for _ in range(2)],
        ],
    )
    def k(table_hbm, xt_hbm, out_hbm, idx_v, rows, trans, gsems, osems):
        wid = lax.axis_index("s") * _NC + lax.axis_index("c")
        pltpu.sync_copy(xt_hbm.at[:, pl.ds(wid * blk, blk)], idx_v)
        iota = lax.iota(jnp.int32, 16)
        zv = jnp.zeros((16,), jnp.int32)
        mvecs = [(iota + kk) & 15 for kk in range(16)]
        dstat = [(m >> 3) * (tc * 8 * 128) + (m & 7) * 128 + iota for m in mvecs]

        def _idx(c):
            return idx_v.at[c >> 1, pl.ds((c & 1) * ch, ch)]

        def _out(c):
            row0 = wid * (2 * tc) * 8 + (c & 1) * tc * 8
            return out_hbm.at[c >> 1, :, pl.ds(row0, tc * 8)]

        def start_g(c, r):
            pltpu.async_copy(table_hbm.at[_idx(c)], rows[r], gsems[r])

        def wait_g(c, r):
            pltpu.make_async_copy(table_hbm.at[_idx(c)], rows[r], gsems[r]).wait()

        def start_o(c, r):
            pltpu.async_copy(trans[r], _out(c), osems[r])

        def wait_o(c, r):
            pltpu.make_async_copy(trans[r], _out(c), osems[r]).wait()

        def transpose(src, dst):
            @pl.loop(0, tc * 8)
            def _blk(j):
                t = j >> 3
                bi0 = (j & 7) << 4
                bvec = iota + (t * 128 + bi0)
                doff = t * 1024 + bi0

                @plsc.parallel_loop(0, d // 16, unroll=4)
                def _e0(eo4):
                    e0 = eo4 * 16
                    dbase = doff + eo4 * 2 * (tc * 8 * 128)
                    for kk in range(16):
                        v = plsc.load_gather(src, [bvec, mvecs[kk] + e0])
                        plsc.store_scatter(dst, [zv, zv, dstat[kk] + dbase], v)

        start_g(0, 0)
        start_g(1, 1)

        @pl.loop(0, n, step=2)
        def _pair(c):
            wait_g(c, 0)

            @pl.when(c > 1)
            def _():
                wait_o(c - 2, 0)

            transpose(rows[0], trans[0])
            start_o(c, 0)

            @pl.when(c + 2 < n)
            def _():
                start_g(c + 2, 0)

            wait_g(c + 1, 1)

            @pl.when(c > 1)
            def _():
                wait_o(c - 1, 1)

            transpose(rows[1], trans[1])
            start_o(c + 1, 1)

            @pl.when(c + 3 < n)
            def _():
                start_g(c + 3, 1)

        wait_o(n - 2, 0)
        wait_o(n - 1, 1)

    return k(table, x_t)


@functools.partial(jax.jit, static_argnames=("v", "d"))
def _detile(tview, *, v, d):
    nt = (v + 127) // 128
    per_w = -(-nt // _NW)
    per_w += per_w & 1
    mesh = plsc.VectorSubcoreMesh(core_axis_name="c", subcore_axis_name="s")

    @functools.partial(
        pl.kernel,
        out_type=jax.ShapeDtypeStruct((v // 2, 2 * d), jnp.float32),
        mesh=mesh,
        compiler_params=pltpu.CompilerParams(
            use_tc_tiling_on_sc=True,
            needs_layout_passes=False,
            disable_bounds_checks=True
        ),
        scratch_types=[
            [pltpu.VMEM((d, 128), jnp.float32) for _ in range(2)],
            [pltpu.VMEM((d, 128), jnp.float32) for _ in range(2)],
            [pltpu.SemaphoreType.DMA for _ in range(2)],
            [pltpu.SemaphoreType.DMA for _ in range(2)],
        ],
    )
    def k(tv_hbm, out_hbm, bufs, trans, isems, osems):
        wid = lax.axis_index("s") * _NC + lax.axis_index("c")
        iota = lax.iota(jnp.int32, 16)
        zv = jnp.zeros((16,), jnp.int32)
        mvecs = [(iota + kk) & 15 for kk in range(16)]
        sstat = [(m >> 3) * (16 * d) + (m & 7) * 128 + iota for m in mvecs]
        dstat = [iota * d + m for m in mvecs]

        def tj_of(i):
            return i * _NW + wid

        def start_i(i, r):
            pltpu.async_copy(
                tv_hbm.at[:, pl.ds(tj_of(i) * 128, 128)], bufs[r], isems[r]
            )

        def wait_i(i, r):
            pltpu.make_async_copy(
                tv_hbm.at[:, pl.ds(tj_of(i) * 128, 128)], bufs[r], isems[r]
            ).wait()

        def start_o(i, r):
            tj = tj_of(i)

            @pl.when(tj < nt - 1)
            def _():
                pltpu.async_copy(trans[r], out_hbm.at[pl.ds(tj * d, d)], osems[r])

            @pl.when(tj == nt - 1)
            def _():
                pltpu.async_copy(
                    trans[r].at[pl.ds(0, (v - (nt - 1) * 128) // 2)],
                    out_hbm.at[pl.ds(tj * d, (v - (nt - 1) * 128) // 2)],
                    osems[r],
                )

        def wait_o(i, r):
            tj = tj_of(i)

            @pl.when(tj < nt - 1)
            def _():
                pltpu.make_async_copy(
                    trans[r], out_hbm.at[pl.ds(tj * d, d)], osems[r]
                ).wait()

            @pl.when(tj == nt - 1)
            def _():
                pltpu.make_async_copy(
                    trans[r].at[pl.ds(0, (v - (nt - 1) * 128) // 2)],
                    out_hbm.at[pl.ds(tj * d, (v - (nt - 1) * 128) // 2)],
                    osems[r],
                ).wait()

        def transpose(src, dst):
            @plsc.parallel_loop(0, 32, unroll=4)
            def _b(j2):
                v0 = (j2 >> 2) << 4
                a = j2 & 3
                sbase = a * (2 * 16 * d) + v0
                dbase = v0 * d + a * 16
                for kk in range(16):
                    val = plsc.load_gather(src, [zv, sstat[kk] + sbase])
                    plsc.store_scatter(dst, [zv, dstat[kk] + dbase], val)

        def live(i):
            return tj_of(i) < nt

        @pl.when(live(0))
        def _():
            start_i(0, 0)

        @pl.when(live(1))
        def _():
            start_i(1, 1)

        @pl.loop(0, per_w, step=2)
        def _pair(i):
            for r in range(2):
                ii = i + r

                @pl.when(live(ii))
                def _():
                    wait_i(ii, r)

                    @pl.when((ii > 1) & live(ii - 2))
                    def _():
                        wait_o(ii - 2, r)

                    transpose(bufs[r], trans[r])
                    start_o(ii, r)

                    @pl.when(live(ii + 2))
                    def _():
                        start_i(ii + 2, r)

        n_live = lax.div(nt - wid + (_NW - 1), _NW)
        i_last = n_live - 1
        for back in range(2):
            il = i_last - back
            for r in range(2):

                @pl.when((il >= 0) & (lax.rem(il, 2) == r))
                def _():
                    wait_o(il, r)

    return k(tview)


def kernel(x, table):
    b, h = x.shape
    _, d = table.shape
    x_t = jnp.transpose(x.astype(jnp.int32))
    v = table.shape[0]
    lin = _detile(jnp.transpose(table), v=v, d=d)
    table_lin = lin.reshape(v, d)
    p4 = _gather_t(x_t, table_lin, h=h, b=b, d=d)
    p5 = p4.reshape(h, d // 8, b // 128, 8, 128)
    return p5.transpose(2, 4, 0, 1, 3).reshape(b, h, d)

# --- scband reference (transcript-rebuilt; emitter-appended) ---
"""Pipeline reference for scband-vocab-embedding-5025111736451 (READ-ONLY COPY).

The authoritative reference and input builder live on the scoring server;
editing this copy changes nothing except your own understanding.
"""

import jax, jax.numpy as jnp
import numpy as np

VOCAB = 1000000
EMBED_DIM = 64
BATCH = 16384
HIST = 50

def setup_inputs(seed: int = 0) -> dict:
    key = jax.random.key(seed)
    k_idx, k_tab = jax.random.split(key)
    x = jax.random.randint(k_idx, (BATCH, HIST), 0, VOCAB, dtype=jnp.int64)
    table = jax.random.normal(k_tab, (VOCAB, EMBED_DIM), dtype=jnp.float32) * 0.02
    return {"x": x, "table": table}

def reference(x, table):
    # nn.Embedding lookup: gather rows of the table by index
    return jnp.take(table, x, axis=0)

if __name__ == "__main__":
    import jax
    _d = setup_inputs()
    print(jax.jit(kernel)(*tuple(_d.values())))

</pallas_src>

<mosaic_0001>
#map = affine_map<(d0, d1) -> (0, 0)>
module attributes {stable_mosaic.version = 14 : i64} {
  func.func @k(%arg0: i32, %arg1: i32, %arg2: memref<64x1000000xf32, #tpu.memory_space<hbm>>, %arg3: memref<500000x128xf32, #tpu.memory_space<hbm>>, %arg4: memref<64x128xf32, #tpu.memory_space<vmem>>, %arg5: memref<64x128xf32, #tpu.memory_space<vmem>>, %arg6: memref<64x128xf32, #tpu.memory_space<vmem>>, %arg7: memref<64x128xf32, #tpu.memory_space<vmem>>, %arg8: memref<!tpu.dma_semaphore, #tpu.memory_space<semaphore_mem>>, %arg9: memref<!tpu.dma_semaphore, #tpu.memory_space<semaphore_mem>>, %arg10: memref<!tpu.dma_semaphore, #tpu.memory_space<semaphore_mem>>, %arg11: memref<!tpu.dma_semaphore, #tpu.memory_space<semaphore_mem>>) attributes {dimension_semantics = [#tpu.dimension_semantics<core_parallel>, #tpu.dimension_semantics<subcore_parallel>], iteration_bounds = array<i64: 2, 16>, scalar_prefetch = 0 : i64, scratch_operands = 8 : i64, tpu.core_type = #tpu.core_type<sc_vector_subcore>, window_params = [{transform_indices = #map}, {transform_indices = #map}]} {
    %mul3A = arith.constant 2 : i32
    %mul3A_0 = arith.muli %arg1, %mul3A : i32
    %add3A = arith.addi %mul3A_0, %arg0 : i32
    %iota3A = tpu.iota {dimensions = array<i32: 0>} : vector<16xi32>
    %broadcast_in_dim3A = arith.constant 0 : i32
    %broadcast_in_dim3A_1 = vector.broadcast %broadcast_in_dim3A : i32 to vector<16xi32>
    %add3A_2 = arith.constant 0 : i32
    %add3A_3 = vector.broadcast %add3A_2 : i32 to vector<16xi32>
    %add3A_4 = arith.addi %iota3A, %add3A_3 : vector<16xi32>
    %and3A = arith.constant 15 : i32
    %and3A_5 = vector.broadcast %and3A : i32 to vector<16xi32>
    %and3A_6 = arith.andi %add3A_4, %and3A_5 : vector<16xi32>
    %add3A_7 = arith.constant 1 : i32
    %add3A_8 = vector.broadcast %add3A_7 : i32 to vector<16xi32>
    %add3A_9 = arith.addi %iota3A, %add3A_8 : vector<16xi32>
    %and3A_10 = arith.constant 15 : i32
    %and3A_11 = vector.broadcast %and3A_10 : i32 to vector<16xi32>
    %and3A_12 = arith.andi %add3A_9, %and3A_11 : vector<16xi32>
    %add3A_13 = arith.constant 2 : i32
    %add3A_14 = vector.broadcast %add3A_13 : i32 to vector<16xi32>
    %add3A_15 = arith.addi %iota3A, %add3A_14 : vector<16xi32>
    %and3A_16 = arith.constant 15 : i32
    %and3A_17 = vector.broadcast %and3A_16 : i32 to vector<16xi32>
    %and3A_18 = arith.andi %add3A_15, %and3A_17 : vector<16xi32>
    %add3A_19 = arith.constant 3 : i32
    %add3A_20 = vector.broadcast %add3A_19 : i32 to vector<16xi32>
    %add3A_21 = arith.addi %iota3A, %add3A_20 : vector<16xi32>
    %and3A_22 = arith.constant 15 : i32
    %and3A_23 = vector.broadcast %and3A_22 : i32 to vector<16xi32>
    %and3A_24 = arith.andi %add3A_21, %and3A_23 : vector<16xi32>
    %add3A_25 = arith.constant 4 : i32
    %add3A_26 = vector.broadcast %add3A_25 : i32 to vector<16xi32>
    %add3A_27 = arith.addi %iota3A, %add3A_26 : vector<16xi32>
    %and3A_28 = arith.constant 15 : i32
    %and3A_29 = vector.broadcast %and3A_28 : i32 to vector<16xi32>
    %and3A_30 = arith.andi %add3A_27, %and3A_29 : vector<16xi32>
    %add3A_31 = arith.constant 5 : i32
    %add3A_32 = vector.broadcast %add3A_31 : i32 to vector<16xi32>
    %add3A_33 = arith.addi %iota3A, %add3A_32 : vector<16xi32>
    %and3A_34 = arith.constant 15 : i32
    %and3A_35 = vector.broadcast %and3A_34 : i32 to vector<16xi32>
    %and3A_36 = arith.andi %add3A_33, %and3A_35 : vector<16xi32>
    %add3A_37 = arith.constant 6 : i32
    %add3A_38 = vector.broadcast %add3A_37 : i32 to vector<16xi32>
    %add3A_39 = arith.addi %iota3A, %add3A_38 : vector<16xi32>
    %and3A_40 = arith.constant 15 : i32
    %and3A_41 = vector.broadcast %and3A_40 : i32 to vector<16xi32>
    %and3A_42 = arith.andi %add3A_39, %and3A_41 : vector<16xi32>
    %add3A_43 = arith.constant 7 : i32
    %add3A_44 = vector.broadcast %add3A_43 : i32 to vector<16xi32>
    %add3A_45 = arith.addi %iota3A, %add3A_44 : vector<16xi32>
    %and3A_46 = arith.constant 15 : i32
    %and3A_47 = vector.broadcast %and3A_46 : i32 to vector<16xi32>
    %and3A_48 = arith.andi %add3A_45, %and3A_47 : vector<16xi32>
    %add3A_49 = arith.constant 8 : i32
    %add3A_50 = vector.broadcast %add3A_49 : i32 to vector<16xi32>
    %add3A_51 = arith.addi %iota3A, %add3A_50 : vector<16xi32>
    %and3A_52 = arith.constant 15 : i32
    %and3A_53 = vector.broadcast %and3A_52 : i32 to vector<16xi32>
    %and3A_54 = arith.andi %add3A_51, %and3A_53 : vector<16xi32>
    %add3A_55 = arith.constant 9 : i32
    %add3A_56 = vector.broadcast %add3A_55 : i32 to vector<16xi32>
    %add3A_57 = arith.addi %iota3A, %add3A_56 : vector<16xi32>
    %and3A_58 = arith.constant 15 : i32
    %and3A_59 = vector.broadcast %and3A_58 : i32 to vector<16xi32>
    %and3A_60 = arith.andi %add3A_57, %and3A_59 : vector<16xi32>
    %add3A_61 = arith.constant 10 : i32
    %add3A_62 = vector.broadcast %add3A_61 : i32 to vector<16xi32>
    %add3A_63 = arith.addi %iota3A, %add3A_62 : vector<16xi32>
    %and3A_64 = arith.constant 15 : i32
    %and3A_65 = vector.broadcast %and3A_64 : i32 to vector<16xi32>
    %and3A_66 = arith.andi %add3A_63, %and3A_65 : vector<16xi32>
    %add3A_67 = arith.constant 11 : i32
    %add3A_68 = vector.broadcast %add3A_67 : i32 to vector<16xi32>
    %add3A_69 = arith.addi %iota3A, %add3A_68 : vector<16xi32>
    %and3A_70 = arith.constant 15 : i32
    %and3A_71 = vector.broadcast %and3A_70 : i32 to vector<16xi32>
    %and3A_72 = arith.andi %add3A_69, %and3A_71 : vector<16xi32>
    %add3A_73 = arith.constant 12 : i32
    %add3A_74 = vector.broadcast %add3A_73 : i32 to vector<16xi32>
    %add3A_75 = arith.addi %iota3A, %add3A_74 : vector<16xi32>
    %and3A_76 = arith.constant 15 : i32
    %and3A_77 = vector.broadcast %and3A_76 : i32 to vector<16xi32>
    %and3A_78 = arith.andi %add3A_75, %and3A_77 : vector<16xi32>
    %add3A_79 = arith.constant 13 : i32
    %add3A_80 = vector.broadcast %add3A_79 : i32 to vector<16xi32>
    %add3A_81 = arith.addi %iota3A, %add3A_80 : vector<16xi32>
    %and3A_82 = arith.constant 15 : i32
    %and3A_83 = vector.broadcast %and3A_82 : i32 to vector<16xi32>
    %and3A_84 = arith.andi %add3A_81, %and3A_83 : vector<16xi32>
    %add3A_85 = arith.constant 14 : i32
    %add3A_86 = vector.broadcast %add3A_85 : i32 to vector<16xi32>
    %add3A_87 = arith.addi %iota3A, %add3A_86 : vector<16xi32>
    %and3A_88 = arith.constant 15 : i32
    %and3A_89 = vector.broadcast %and3A_88 : i32 to vector<16xi32>
    %and3A_90 = arith.andi %add3A_87, %and3A_89 : vector<16xi32>
    %add3A_91 = arith.constant 15 : i32
    %add3A_92 = vector.broadcast %add3A_91 : i32 to vector<16xi32>
    %add3A_93 = arith.addi %iota3A, %add3A_92 : vector<16xi32>
    %and3A_94 = arith.constant 15 : i32
    %and3A_95 = vector.broadcast %and3A_94 : i32 to vector<16xi32>
    %and3A_96 = arith.andi %add3A_93, %and3A_95 : vector<16xi32>
    %shift_right_arithmetic3A = arith.constant 3 : i32
    %shift_right_arithmetic3A_97 = vector.broadcast %shift_right_arithmetic3A : i32 to vector<16xi32>
    %shift_right_arithmetic3A_98 = arith.shrsi %and3A_6, %shift_right_arithmetic3A_97 : vector<16xi32>
    %mul3A_99 = arith.constant 1024 : i32
    %mul3A_100 = vector.broadcast %mul3A_99 : i32 to vector<16xi32>
    %mul3A_101 = arith.muli %shift_right_arithmetic3A_98, %mul3A_100 : vector<16xi32>
    %and3A_102 = arith.constant 7 : i32
    %and3A_103 = vector.broadcast %and3A_102 : i32 to vector<16xi32>
    %and3A_104 = arith.andi %and3A_6, %and3A_103 : vector<16xi32>
    %mul3A_105 = arith.constant 128 : i32
    %mul3A_106 = vector.broadcast %mul3A_105 : i32 to vector<16xi32>
    %mul3A_107 = arith.muli %and3A_104, %mul3A_106 : vector<16xi32>
    %add3A_108 = arith.addi %mul3A_101, %mul3A_107 : vector<16xi32>
    %add3A_109 = arith.addi %add3A_108, %iota3A : vector<16xi32>
    %shift_right_arithmetic3A_110 = arith.constant 3 : i32
    %shift_right_arithmetic3A_111 = vector.broadcast %shift_right_arithmetic3A_110 : i32 to vector<16xi32>
    %shift_right_arithmetic3A_112 = arith.shrsi %and3A_12, %shift_right_arithmetic3A_111 : vector<16xi32>
    %mul3A_113 = arith.constant 1024 : i32
    %mul3A_114 = vector.broadcast %mul3A_113 : i32 to vector<16xi32>
    %mul3A_115 = arith.muli %shift_right_arithmetic3A_112, %mul3A_114 : vector<16xi32>
    %and3A_116 = arith.constant 7 : i32
    %and3A_117 = vector.broadcast %and3A_116 : i32 to vector<16xi32>
    %and3A_118 = arith.andi %and3A_12, %and3A_117 : vector<16xi32>
    %mul3A_119 = arith.constant 128 : i32
    %mul3A_120 = vector.broadcast %mul3A_119 : i32 to vector<16xi32>
    %mul3A_121 = arith.muli %and3A_118, %mul3A_120 : vector<16xi32>
    %add3A_122 = arith.addi %mul3A_115, %mul3A_121 : vector<16xi32>
    %add3A_123 = arith.addi %add3A_122, %iota3A : vector<16xi32>
    %shift_right_arithmetic3A_124 = arith.constant 3 : i32
    %shift_right_arithmetic3A_125 = vector.broadcast %shift_right_arithmetic3A_124 : i32 to vector<16xi32>
    %shift_right_arithmetic3A_126 = arith.shrsi %and3A_18, %shift_right_arithmetic3A_125 : vector<16xi32>
    %mul3A_127 = arith.constant 1024 : i32
    %mul3A_128 = vector.broadcast %mul3A_127 : i32 to vector<16xi32>
    %mul3A_129 = arith.muli %shift_right_arithmetic3A_126, %mul3A_128 : vector<16xi32>
    %and3A_130 = arith.constant 7 : i32
    %and3A_131 = vector.broadcast %and3A_130 : i32 to vector<16xi32>
    %and3A_132 = arith.andi %and3A_18, %and3A_131 : vector<16xi32>
    %mul3A_133 = arith.constant 128 : i32
    %mul3A_134 = vector.broadcast %mul3A_133 : i32 to vector<16xi32>
    %mul3A_135 = arith.muli %and3A_132, %mul3A_134 : vector<16xi32>
    %add3A_136 = arith.addi %mul3A_129, %mul3A_135 : vector<16xi32>
    %add3A_137 = arith.addi %add3A_136, %iota3A : vector<16xi32>
    %shift_right_arithmetic3A_138 = arith.constant 3 : i32
    %shift_right_arithmetic3A_139 = vector.broadcast %shift_right_arithmetic3A_138 : i32 to vector<16xi32>
    %shift_right_arithmetic3A_140 = arith.shrsi %and3A_24, %shift_right_arithmetic3A_139 : vector<16xi32>
    %mul3A_141 = arith.constant 1024 : i32
    %mul3A_142 = vector.broadcast %mul3A_141 : i32 to vector<16xi32>
    %mul3A_143 = arith.muli %shift_right_arithmetic3A_140, %mul3A_142 : vector<16xi32>
    %and3A_144 = arith.constant 7 : i32
    %and3A_145 = vector.broadcast %and3A_144 : i32 to vector<16xi32>
    %and3A_146 = arith.andi %and3A_24, %and3A_145 : vector<16xi32>
    %mul3A_147 = arith.constant 128 : i32
    %mul3A_148 = vector.broadcast %mul3A_147 : i32 to vector<16xi32>
    %mul3A_149 = arith.muli %and3A_146, %mul3A_148 : vector<16xi32>
    %add3A_150 = arith.addi %mul3A_143, %mul3A_149 : vector<16xi32>
    %add3A_151 = arith.addi %add3A_150, %iota3A : vector<16xi32>
    %shift_right_arithmetic3A_152 = arith.constant 3 : i32
    %shift_right_arithmetic3A_153 = vector.broadcast %shift_right_arithmetic3A_152 : i32 to vector<16xi32>
    %shift_right_arithmetic3A_154 = arith.shrsi %and3A_30, %shift_right_arithmetic3A_153 : vector<16xi32>
    %mul3A_155 = arith.constant 1024 : i32
    %mul3A_156 = vector.broadcast %mul3A_155 : i32 to vector<16xi32>
    %mul3A_157 = arith.muli %shift_right_arithmetic3A_154, %mul3A_156 : vector<16xi32>
    %and3A_158 = arith.constant 7 : i32
    %and3A_159 = vector.broadcast %and3A_158 : i32 to vector<16xi32>
    %and3A_160 = arith.andi %and3A_30, %and3A_159 : vector<16xi32>
    %mul3A_161 = arith.constant 128 : i32
    %mul3A_162 = vector.broadcast %mul3A_161 : i32 to vector<16xi32>
    %mul3A_163 = arith.muli %and3A_160, %mul3A_162 : vector<16xi32>
    %add3A_164 = arith.addi %mul3A_157, %mul3A_163 : vector<16xi32>
    %add3A_165 = arith.addi %add3A_164, %iota3A : vector<16xi32>
    %shift_right_arithmetic3A_166 = arith.constant 3 : i32
    %shift_right_arithmetic3A_167 = vector.broadcast %shift_right_arithmetic3A_166 : i32 to vector<16xi32>
    %shift_right_arithmetic3A_168 = arith.shrsi %and3A_36, %shift_right_arithmetic3A_167 : vector<16xi32>
    %mul3A_169 = arith.constant 1024 : i32
    %mul3A_170 = vector.broadcast %mul3A_169 : i32 to vector<16xi32>
    %mul3A_171 = arith.muli %shift_right_arithmetic3A_168, %mul3A_170 : vector<16xi32>
    %and3A_172 = arith.constant 7 : i32
    %and3A_173 = vector.broadcast %and3A_172 : i32 to vector<16xi32>
    %and3A_174 = arith.andi %and3A_36, %and3A_173 : vector<16xi32>
    %mul3A_175 = arith.constant 128 : i32
    %mul3A_176 = vector.broadcast %mul3A_175 : i32 to vector<16xi32>
    %mul3A_177 = arith.muli %and3A_174, %mul3A_176 : vector<16xi32>
    %add3A_178 = arith.addi %mul3A_171, %mul3A_177 : vector<16xi32>
    %add3A_179 = arith.addi %add3A_178, %iota3A : vector<16xi32>
    %shift_right_arithmetic3A_180 = arith.constant 3 : i32
    %shift_right_arithmetic3A_181 = vector.broadcast %shift_right_arithmetic3A_180 : i32 to vector<16xi32>
    %shift_right_arithmetic3A_182 = arith.shrsi %and3A_42, %shift_right_arithmetic3A_181 : vector<16xi32>
    %mul3A_183 = arith.constant 1024 : i32
    %mul3A_184 = vector.broadcast %mul3A_183 : i32 to vector<16xi32>
    %mul3A_185 = arith.muli %shift_right_arithmetic3A_182, %mul3A_184 : vector<16xi32>
    %and3A_186 = arith.constant 7 : i32
    %and3A_187 = vector.broadcast %and3A_186 : i32 to vector<16xi32>
    %and3A_188 = arith.andi %and3A_42, %and3A_187 : vector<16xi32>
    %mul3A_189 = arith.constant 128 : i32
    %mul3A_190 = vector.broadcast %mul3A_189 : i32 to vector<16xi32>
    %mul3A_191 = arith.muli %and3A_188, %mul3A_190 : vector<16xi32>
    %add3A_192 = arith.addi %mul3A_185, %mul3A_191 : vector<16xi32>
    %add3A_193 = arith.addi %add3A_192, %iota3A : vector<16xi32>
    %shift_right_arithmetic3A_194 = arith.constant 3 : i32
    %shift_right_arithmetic3A_195 = vector.broadcast %shift_right_arithmetic3A_194 : i32 to vector<16xi32>
    %shift_right_arithmetic3A_196 = arith.shrsi %and3A_48, %shift_right_arithmetic3A_195 : vector<16xi32>
    %mul3A_197 = arith.constant 1024 : i32
    %mul3A_198 = vector.broadcast %mul3A_197 : i32 to vector<16xi32>
    %mul3A_199 = arith.muli %shift_right_arithmetic3A_196, %mul3A_198 : vector<16xi32>
    %and3A_200 = arith.constant 7 : i32
    %and3A_201 = vector.broadcast %and3A_200 : i32 to vector<16xi32>
    %and3A_202 = arith.andi %and3A_48, %and3A_201 : vector<16xi32>
    %mul3A_203 = arith.constant 128 : i32
    %mul3A_204 = vector.broadcast %mul3A_203 : i32 to vector<16xi32>
    %mul3A_205 = arith.muli %and3A_202, %mul3A_204 : vector<16xi32>
    %add3A_206 = arith.addi %mul3A_199, %mul3A_205 : vector<16xi32>
    %add3A_207 = arith.addi %add3A_206, %iota3A : vector<16xi32>
    %shift_right_arithmetic3A_208 = arith.constant 3 : i32
    %shift_right_arithmetic3A_209 = vector.broadcast %shift_right_arithmetic3A_208 : i32 to vector<16xi32>
    %shift_right_arithmetic3A_210 = arith.shrsi %and3A_54, %shift_right_arithmetic3A_209 : vector<16xi32>
    %mul3A_211 = arith.constant 1024 : i32
    %mul3A_212 = vector.broadcast %mul3A_211 : i32 to vector<16xi32>
    %mul3A_213 = arith.muli %shift_right_arithmetic3A_210, %mul3A_212 : vector<16xi32>
    %and3A_214 = arith.constant 7 : i32
    %and3A_215 = vector.broadcast %and3A_214 : i32 to vector<16xi32>
    %and3A_216 = arith.andi %and3A_54, %and3A_215 : vector<16xi32>
    %mul3A_217 = arith.constant 128 : i32
    %mul3A_218 = vector.broadcast %mul3A_217 : i32 to vector<16xi32>
    %mul3A_219 = arith.muli %and3A_216, %mul3A_218 : vector<16xi32>
    %add3A_220 = arith.addi %mul3A_213, %mul3A_219 : vector<16xi32>
    %add3A_221 = arith.addi %add3A_220, %iota3A : vector<16xi32>
    %shift_right_arithmetic3A_222 = arith.constant 3 : i32
    %shift_right_arithmetic3A_223 = vector.broadcast %shift_right_arithmetic3A_222 : i32 to vector<16xi32>
    %shift_right_arithmetic3A_224 = arith.shrsi %and3A_60, %shift_right_arithmetic3A_223 : vector<16xi32>
    %mul3A_225 = arith.constant 1024 : i32
    %mul3A_226 = vector.broadcast %mul3A_225 : i32 to vector<16xi32>
    %mul3A_227 = arith.muli %shift_right_arithmetic3A_224, %mul3A_226 : vector<16xi32>
    %and3A_228 = arith.constant 7 : i32
    %and3A_229 = vector.broadcast %and3A_228 : i32 to vector<16xi32>
    %and3A_230 = arith.andi %and3A_60, %and3A_229 : vector<16xi32>
    %mul3A_231 = arith.constant 128 : i32
    %mul3A_232 = vector.broadcast %mul3A_231 : i32 to vector<16xi32>
    %mul3A_233 = arith.muli %and3A_230, %mul3A_232 : vector<16xi32>
    %add3A_234 = arith.addi %mul3A_227, %mul3A_233 : vector<16xi32>
    %add3A_235 = arith.addi %add3A_234, %iota3A : vector<16xi32>
    %shift_right_arithmetic3A_236 = arith.constant 3 : i32
    %shift_right_arithmetic3A_237 = vector.broadcast %shift_right_arithmetic3A_236 : i32 to vector<16xi32>
    %shift_right_arithmetic3A_238 = arith.shrsi %and3A_66, %shift_right_arithmetic3A_237 : vector<16xi32>
    %mul3A_239 = arith.constant 1024 : i32
    %mul3A_240 = vector.broadcast %mul3A_239 : i32 to vector<16xi32>
    %mul3A_241 = arith.muli %shift_right_arithmetic3A_238, %mul3A_240 : vector<16xi32>
    %and3A_242 = arith.constant 7 : i32
    %and3A_243 = vector.broadcast %and3A_242 : i32 to vector<16xi32>
    %and3A_244 = arith.andi %and3A_66, %and3A_243 : vector<16xi32>
    %mul3A_245 = arith.constant 128 : i32
    %mul3A_246 = vector.broadcast %mul3A_245 : i32 to vector<16xi32>
    %mul3A_247 = arith.muli %and3A_244, %mul3A_246 : vector<16xi32>
    %add3A_248 = arith.addi %mul3A_241, %mul3A_247 : vector<16xi32>
    %add3A_249 = arith.addi %add3A_248, %iota3A : vector<16xi32>
    %shift_right_arithmetic3A_250 = arith.constant 3 : i32
    %shift_right_arithmetic3A_251 = vector.broadcast %shift_right_arithmetic3A_250 : i32 to vector<16xi32>
    %shift_right_arithmetic3A_252 = arith.shrsi %and3A_72, %shift_right_arithmetic3A_251 : vector<16xi32>
    %mul3A_253 = arith.constant 1024 : i32
    %mul3A_254 = vector.broadcast %mul3A_253 : i32 to vector<16xi32>
    %mul3A_255 = arith.muli %shift_right_arithmetic3A_252, %mul3A_254 : vector<16xi32>
    %and3A_256 = arith.constant 7 : i32
    %and3A_257 = vector.broadcast %and3A_256 : i32 to vector<16xi32>
    %and3A_258 = arith.andi %and3A_72, %and3A_257 : vector<16xi32>
    %mul3A_259 = arith.constant 128 : i32
    %mul3A_260 = vector.broadcast %mul3A_259 : i32 to vector<16xi32>
    %mul3A_261 = arith.muli %and3A_258, %mul3A_260 : vector<16xi32>
    %add3A_262 = arith.addi %mul3A_255, %mul3A_261 : vector<16xi32>
    %add3A_263 = arith.addi %add3A_262, %iota3A : vector<16xi32>
    %shift_right_arithmetic3A_264 = arith.constant 3 : i32
    %shift_right_arithmetic3A_265 = vector.broadcast %shift_right_arithmetic3A_264 : i32 to vector<16xi32>
    %shift_right_arithmetic3A_266 = arith.shrsi %and3A_78, %shift_right_arithmetic3A_265 : vector<16xi32>
    %mul3A_267 = arith.constant 1024 : i32
    %mul3A_268 = vector.broadcast %mul3A_267 : i32 to vector<16xi32>
    %mul3A_269 = arith.muli %shift_right_arithmetic3A_266, %mul3A_268 : vector<16xi32>
    %and3A_270 = arith.constant 7 : i32
    %and3A_271 = vector.broadcast %and3A_270 : i32 to vector<16xi32>
    %and3A_272 = arith.andi %and3A_78, %and3A_271 : vector<16xi32>
    %mul3A_273 = arith.constant 128 : i32
    %mul3A_274 = vector.broadcast %mul3A_273 : i32 to vector<16xi32>
    %mul3A_275 = arith.muli %and3A_272, %mul3A_274 : vector<16xi32>
    %add3A_276 = arith.addi %mul3A_269, %mul3A_275 : vector<16xi32>
    %add3A_277 = arith.addi %add3A_276, %iota3A : vector<16xi32>
    %shift_right_arithmetic3A_278 = arith.constant 3 : i32
    %shift_right_arithmetic3A_279 = vector.broadcast %shift_right_arithmetic3A_278 : i32 to vector<16xi32>
    %shift_right_arithmetic3A_280 = arith.shrsi %and3A_84, %shift_right_arithmetic3A_279 : vector<16xi32>
    %mul3A_281 = arith.constant 1024 : i32
    %mul3A_282 = vector.broadcast %mul3A_281 : i32 to vector<16xi32>
    %mul3A_283 = arith.muli %shift_right_arithmetic3A_280, %mul3A_282 : vector<16xi32>
    %and3A_284 = arith.constant 7 : i32
    %and3A_285 = vector.broadcast %and3A_284 : i32 to vector<16xi32>
    %and3A_286 = arith.andi %and3A_84, %and3A_285 : vector<16xi32>
    %mul3A_287 = arith.constant 128 : i32
    %mul3A_288 = vector.broadcast %mul3A_287 : i32 to vector<16xi32>
    %mul3A_289 = arith.muli %and3A_286, %mul3A_288 : vector<16xi32>
    %add3A_290 = arith.addi %mul3A_283, %mul3A_289 : vector<16xi32>
    %add3A_291 = arith.addi %add3A_290, %iota3A : vector<16xi32>
    %shift_right_arithmetic3A_292 = arith.constant 3 : i32
    %shift_right_arithmetic3A_293 = vector.broadcast %shift_right_arithmetic3A_292 : i32 to vector<16xi32>
    %shift_right_arithmetic3A_294 = arith.shrsi %and3A_90, %shift_right_arithmetic3A_293 : vector<16xi32>
    %mul3A_295 = arith.constant 1024 : i32
    %mul3A_296 = vector.broadcast %mul3A_295 : i32 to vector<16xi32>
    %mul3A_297 = arith.muli %shift_right_arithmetic3A_294, %mul3A_296 : vector<16xi32>
    %and3A_298 = arith.constant 7 : i32
    %and3A_299 = vector.broadcast %and3A_298 : i32 to vector<16xi32>
    %and3A_300 = arith.andi %and3A_90, %and3A_299 : vector<16xi32>
    %mul3A_301 = arith.constant 128 : i32
    %mul3A_302 = vector.broadcast %mul3A_301 : i32 to vector<16xi32>
    %mul3A_303 = arith.muli %and3A_300, %mul3A_302 : vector<16xi32>
    %add3A_304 = arith.addi %mul3A_297, %mul3A_303 : vector<16xi32>
    %add3A_305 = arith.addi %add3A_304, %iota3A : vector<16xi32>
    %shift_right_arithmetic3A_306 = arith.constant 3 : i32
    %shift_right_arithmetic3A_307 = vector.broadcast %shift_right_arithmetic3A_306 : i32 to vector<16xi32>
    %shift_right_arithmetic3A_308 = arith.shrsi %and3A_96, %shift_right_arithmetic3A_307 : vector<16xi32>
    %mul3A_309 = arith.constant 1024 : i32
    %mul3A_310 = vector.broadcast %mul3A_309 : i32 to vector<16xi32>
    %mul3A_311 = arith.muli %shift_right_arithmetic3A_308, %mul3A_310 : vector<16xi32>
    %and3A_312 = arith.constant 7 : i32
    %and3A_313 = vector.broadcast %and3A_312 : i32 to vector<16xi32>
    %and3A_314 = arith.andi %and3A_96, %and3A_313 : vector<16xi32>
    %mul3A_315 = arith.constant 128 : i32
    %mul3A_316 = vector.broadcast %mul3A_315 : i32 to vector<16xi32>
    %mul3A_317 = arith.muli %and3A_314, %mul3A_316 : vector<16xi32>
    %add3A_318 = arith.addi %mul3A_311, %mul3A_317 : vector<16xi32>
    %add3A_319 = arith.addi %add3A_318, %iota3A : vector<16xi32>
    %mul3A_320 = arith.constant 64 : i32
    %mul3A_321 = vector.broadcast %mul3A_320 : i32 to vector<16xi32>
    %mul3A_322 = arith.muli %iota3A, %mul3A_321 : vector<16xi32>
    %add3A_323 = arith.addi %mul3A_322, %and3A_6 : vector<16xi32>
    %mul3A_324 = arith.constant 64 : i32
    %mul3A_325 = vector.broadcast %mul3A_324 : i32 to vector<16xi32>
    %mul3A_326 = arith.muli %iota3A, %mul3A_325 : vector<16xi32>
    %add3A_327 = arith.addi %mul3A_326, %and3A_12 : vector<16xi32>
    %mul3A_328 = arith.constant 64 : i32
    %mul3A_329 = vector.broadcast %mul3A_328 : i32 to vector<16xi32>
    %mul3A_330 = arith.muli %iota3A, %mul3A_329 : vector<16xi32>
    %add3A_331 = arith.addi %mul3A_330, %and3A_18 : vector<16xi32>
    %mul3A_332 = arith.constant 64 : i32
    %mul3A_333 = vector.broadcast %mul3A_332 : i32 to vector<16xi32>
    %mul3A_334 = arith.muli %iota3A, %mul3A_333 : vector<16xi32>
    %add3A_335 = arith.addi %mul3A_334, %and3A_24 : vector<16xi32>
    %mul3A_336 = arith.constant 64 : i32
    %mul3A_337 = vector.broadcast %mul3A_336 : i32 to vector<16xi32>
    %mul3A_338 = arith.muli %iota3A, %mul3A_337 : vector<16xi32>
    %add3A_339 = arith.addi %mul3A_338, %and3A_30 : vector<16xi32>
    %mul3A_340 = arith.constant 64 : i32
    %mul3A_341 = vector.broadcast %mul3A_340 : i32 to vector<16xi32>
    %mul3A_342 = arith.muli %iota3A, %mul3A_341 : vector<16xi32>
    %add3A_343 = arith.addi %mul3A_342, %and3A_36 : vector<16xi32>
    %mul3A_344 = arith.constant 64 : i32
    %mul3A_345 = vector.broadcast %mul3A_344 : i32 to vector<16xi32>
    %mul3A_346 = arith.muli %iota3A, %mul3A_345 : vector<16xi32>
    %add3A_347 = arith.addi %mul3A_346, %and3A_42 : vector<16xi32>
    %mul3A_348 = arith.constant 64 : i32
    %mul3A_349 = vector.broadcast %mul3A_348 : i32 to vector<16xi32>
    %mul3A_350 = arith.muli %iota3A, %mul3A_349 : vector<16xi32>
    %add3A_351 = arith.addi %mul3A_350, %and3A_48 : vector<16xi32>
    %mul3A_352 = arith.constant 64 : i32
    %mul3A_353 = vector.broadcast %mul3A_352 : i32 to vector<16xi32>
    %mul3A_354 = arith.muli %iota3A, %mul3A_353 : vector<16xi32>
    %add3A_355 = arith.addi %mul3A_354, %and3A_54 : vector<16xi32>
    %mul3A_356 = arith.constant 64 : i32
    %mul3A_357 = vector.broadcast %mul3A_356 : i32 to vector<16xi32>
    %mul3A_358 = arith.muli %iota3A, %mul3A_357 : vector<16xi32>
    %add3A_359 = arith.addi %mul3A_358, %and3A_60 : vector<16xi32>
    %mul3A_360 = arith.constant 64 : i32
    %mul3A_361 = vector.broadcast %mul3A_360 : i32 to vector<16xi32>
    %mul3A_362 = arith.muli %iota3A, %mul3A_361 : vector<16xi32>
    %add3A_363 = arith.addi %mul3A_362, %and3A_66 : vector<16xi32>
    %mul3A_364 = arith.constant 64 : i32
    %mul3A_365 = vector.broadcast %mul3A_364 : i32 to vector<16xi32>
    %mul3A_366 = arith.muli %iota3A, %mul3A_365 : vector<16xi32>
    %add3A_367 = arith.addi %mul3A_366, %and3A_72 : vector<16xi32>
    %mul3A_368 = arith.constant 64 : i32
    %mul3A_369 = vector.broadcast %mul3A_368 : i32 to vector<16xi32>
    %mul3A_370 = arith.muli %iota3A, %mul3A_369 : vector<16xi32>
    %add3A_371 = arith.addi %mul3A_370, %and3A_78 : vector<16xi32>
    %mul3A_372 = arith.constant 64 : i32
    %mul3A_373 = vector.broadcast %mul3A_372 : i32 to vector<16xi32>
    %mul3A_374 = arith.muli %iota3A, %mul3A_373 : vector<16xi32>
    %add3A_375 = arith.addi %mul3A_374, %and3A_84 : vector<16xi32>
    %mul3A_376 = arith.constant 64 : i32
    %mul3A_377 = vector.broadcast %mul3A_376 : i32 to vector<16xi32>
    %mul3A_378 = arith.muli %iota3A, %mul3A_377 : vector<16xi32>
    %add3A_379 = arith.addi %mul3A_378, %and3A_90 : vector<16xi32>
    %mul3A_380 = arith.constant 64 : i32
    %mul3A_381 = vector.broadcast %mul3A_380 : i32 to vector<16xi32>
    %mul3A_382 = arith.muli %iota3A, %mul3A_381 : vector<16xi32>
    %add3A_383 = arith.addi %mul3A_382, %and3A_96 : vector<16xi32>
    %add3A_384 = arith.constant 0 : i32
    %add3A_385 = arith.addi %add3A_384, %add3A : i32
    %lt3A = arith.constant 7813 : i32
    %lt3A_386 = arith.cmpi slt, %add3A_385, %lt3A : i32
    %convert_element_type3A = arith.extui %lt3A_386 : i1 to i32
    %cond3A = arith.constant 0 : i32
    %cond3A_387 = arith.cmpi ne, %convert_element_type3A, %cond3A : i32
    scf.if %cond3A_387 {
      %add3A_446 = arith.constant 0 : i32
      %add3A_447 = arith.addi %add3A_446, %add3A : i32
      %mul3A_448 = arith.constant 128 : i32
      %mul3A_449 = arith.muli %add3A_447, %mul3A_448 : i32
      %dma_start3A = arith.constant 0 : i32
      %dma_start3A_450 = tpu.memref_slice %arg2[%dma_start3A, %mul3A_449] : memref<64x1000000xf32, #tpu.memory_space<hbm>> -> memref<64x128xf32, #tpu.memory_space<hbm>>
      %dma_start3A_451 = arith.constant 0 : i32
      %dma_start3A_452 = tpu.memref_slice %arg2[%dma_start3A_451, %mul3A_449] : memref<64x1000000xf32, #tpu.memory_space<hbm>> -> memref<64x128xf32, #tpu.memory_space<hbm>>
      tpu.enqueue_dma source(%dma_start3A_452 : memref<64x128xf32, #tpu.memory_space<hbm>>) target(%arg4 : memref<64x128xf32, #tpu.memory_space<vmem>>) target_semaphore(%arg8 : memref<!tpu.dma_semaphore, #tpu.memory_space<semaphore_mem>>)
    } else {
    }
    %add3A_388 = arith.constant 32 : i32
    %add3A_389 = arith.addi %add3A_388, %add3A : i32
    %lt3A_390 = arith.constant 7813 : i32
    %lt3A_391 = arith.cmpi slt, %add3A_389, %lt3A_390 : i32
    %convert_element_type3A_392 = arith.extui %lt3A_391 : i1 to i32
    %cond3A_393 = arith.constant 0 : i32
    %cond3A_394 = arith.cmpi ne, %convert_element_type3A_392, %cond3A_393 : i32
    scf.if %cond3A_394 {
      %add3A_446 = arith.constant 32 : i32
      %add3A_447 = arith.addi %add3A_446, %add3A : i32
      %mul3A_448 = arith.constant 128 : i32
      %mul3A_449 = arith.muli %add3A_447, %mul3A_448 : i32
      %dma_start3A = arith.constant 0 : i32
      %dma_start3A_450 = tpu.memref_slice %arg2[%dma_start3A, %mul3A_449] : memref<64x1000000xf32, #tpu.memory_space<hbm>> -> memref<64x128xf32, #tpu.memory_space<hbm>>
      %dma_start3A_451 = arith.constant 0 : i32
      %dma_start3A_452 = tpu.memref_slice %arg2[%dma_start3A_451, %mul3A_449] : memref<64x1000000xf32, #tpu.memory_space<hbm>> -> memref<64x128xf32, #tpu.memory_space<hbm>>
      tpu.enqueue_dma source(%dma_start3A_452 : memref<64x128xf32, #tpu.memory_space<hbm>>) target(%arg5 : memref<64x128xf32, #tpu.memory_space<vmem>>) target_semaphore(%arg9 : memref<!tpu.dma_semaphore, #tpu.memory_space<semaphore_mem>>)
    } else {
    }
    %scan3A = arith.constant 0 : i32
    %scan3A_395 = arith.constant 123 : i32
    %scan3A_396 = arith.addi %scan3A, %scan3A_395 : i32
    %scan3A_397 = arith.constant 1 : i32
    scf.for %scan3A_446 = %scan3A to %scan3A_396 step %scan3A_397  : i32 {
      %mul3A_447 = arith.constant 2 : i32
      %mul3A_448 = arith.muli %scan3A_446, %mul3A_447 : i32
      %add3A_449 = arith.constant 0 : i32
      %add3A_450 = arith.addi %add3A_449, %mul3A_448 : i32
      %add3A_451 = arith.constant 0 : i32
      %add3A_452 = arith.addi %add3A_450, %add3A_451 : i32
      %mul3A_453 = arith.constant 32 : i32
      %mul3A_454 = arith.muli %add3A_452, %mul3A_453 : i32
      %add3A_455 = arith.addi %mul3A_454, %add3A : i32
      %lt3A_456 = arith.constant 7813 : i32
      %lt3A_457 = arith.cmpi slt, %add3A_455, %lt3A_456 : i32
      %convert_element_type3A_458 = arith.extui %lt3A_457 : i1 to i32
      %cond3A_459 = arith.constant 0 : i32
      %cond3A_460 = arith.cmpi ne, %convert_element_type3A_458, %cond3A_459 : i32
      scf.if %cond3A_460 {
        %mul3A_471 = arith.constant 32 : i32
        %mul3A_472 = arith.muli %add3A_452, %mul3A_471 : i32
        %add3A_473 = arith.addi %mul3A_472, %add3A : i32
        %mul3A_474 = arith.constant 128 : i32
        %mul3A_475 = arith.muli %add3A_473, %mul3A_474 : i32
        %dma_wait3A = arith.constant 0 : i32
        %dma_wait3A_476 = tpu.memref_slice %arg2[%dma_wait3A, %mul3A_475] : memref<64x1000000xf32, #tpu.memory_space<hbm>> -> memref<64x128xf32, #tpu.memory_space<hbm>>
        %dma_wait3A_477 = arith.constant 0 : i32
        %dma_wait3A_478 = tpu.memref_slice %arg2[%dma_wait3A_477, %mul3A_475] : memref<64x1000000xf32, #tpu.memory_space<hbm>> -> memref<64x128xf32, #tpu.memory_space<hbm>>
        tpu.wait_dma2 semaphore(%arg8 : memref<!tpu.dma_semaphore, #tpu.memory_space<semaphore_mem>>) src(%dma_wait3A_478 : memref<64x128xf32, #tpu.memory_space<hbm>>) dst(%arg4 : memref<64x128xf32, #tpu.memory_space<vmem>>)
        %gt3A = arith.constant 1 : i32
        %gt3A_479 = arith.cmpi sgt, %add3A_452, %gt3A : i32
        %sub3A_480 = arith.constant 2 : i32
        %sub3A_481 = arith.subi %add3A_452, %sub3A_480 : i32
        %mul3A_482 = arith.constant 32 : i32
        %mul3A_483 = arith.muli %sub3A_481, %mul3A_482 : i32
        %add3A_484 = arith.addi %mul3A_483, %add3A : i32
        %lt3A_485 = arith.constant 7813 : i32
        %lt3A_486 = arith.cmpi slt, %add3A_484, %lt3A_485 : i32
        %and3A_487 = arith.andi %gt3A_479, %lt3A_486 : i1
        %convert_element_type3A_488 = arith.extui %and3A_487 : i1 to i32
        %cond3A_489 = arith.constant 0 : i32
        %cond3A_490 = arith.cmpi ne, %convert_element_type3A_488, %cond3A_489 : i32
        scf.if %cond3A_490 {
          %sub3A_516 = arith.constant 2 : i32
          %sub3A_517 = arith.subi %add3A_452, %sub3A_516 : i32
          %mul3A_518 = arith.constant 32 : i32
          %mul3A_519 = arith.muli %sub3A_517, %mul3A_518 : i32
          %add3A_520 = arith.addi %mul3A_519, %add3A : i32
          %lt3A_521 = arith.constant 7812 : i32
          %lt3A_522 = arith.cmpi slt, %add3A_520, %lt3A_521 : i32
          %convert_element_type3A_523 = arith.extui %lt3A_522 : i1 to i32
          %cond3A_524 = arith.constant 0 : i32
          %cond3A_525 = arith.cmpi ne, %convert_element_type3A_523, %cond3A_524 : i32
          scf.if %cond3A_525 {
            %mul3A_531 = arith.constant 64 : i32
            %mul3A_532 = arith.muli %add3A_520, %mul3A_531 : i32
            %dma_wait3A_533 = arith.constant 0 : i32
            %dma_wait3A_534 = tpu.memref_slice %arg3[%mul3A_532, %dma_wait3A_533] : memref<500000x128xf32, #tpu.memory_space<hbm>> -> memref<64x128xf32, #tpu.memory_space<hbm>>
            %dma_wait3A_535 = arith.constant 0 : i32
            %dma_wait3A_536 = tpu.memref_slice %arg3[%mul3A_532, %dma_wait3A_535] : memref<500000x128xf32, #tpu.memory_space<hbm>> -> memref<64x128xf32, #tpu.memory_space<hbm>>
            tpu.wait_dma2 semaphore(%arg10 : memref<!tpu.dma_semaphore, #tpu.memory_space<semaphore_mem>>) src(%arg6 : memref<64x128xf32, #tpu.memory_space<vmem>>) dst(%dma_wait3A_536 : memref<64x128xf32, #tpu.memory_space<hbm>>)
          } else {
          }
          %eq3A_526 = arith.constant 7812 : i32
          %eq3A_527 = arith.cmpi eq, %add3A_520, %eq3A_526 : i32
          %convert_element_type3A_528 = arith.extui %eq3A_527 : i1 to i32
          %cond3A_529 = arith.constant 0 : i32
          %cond3A_530 = arith.cmpi ne, %convert_element_type3A_528, %cond3A_529 : i32
          scf.if %cond3A_530 {
            %mul3A_531 = arith.constant 64 : i32
            %mul3A_532 = arith.muli %add3A_520, %mul3A_531 : i32
            %dma_wait3A_533 = arith.constant 0 : i32
            %dma_wait3A_534 = arith.constant 0 : i32
            %dma_wait3A_535 = tpu.memref_slice %arg6[%dma_wait3A_533, %dma_wait3A_534] : memref<64x128xf32, #tpu.memory_space<vmem>> -> memref<32x128xf32, #tpu.memory_space<vmem>>
            %dma_wait3A_536 = arith.constant 0 : i32
            %dma_wait3A_537 = tpu.memref_slice %arg3[%mul3A_532, %dma_wait3A_536] : memref<500000x128xf32, #tpu.memory_space<hbm>> -> memref<32x128xf32, #tpu.memory_space<hbm>>
            %dma_wait3A_538 = arith.constant 0 : i32
            %dma_wait3A_539 = tpu.memref_slice %arg3[%mul3A_532, %dma_wait3A_538] : memref<500000x128xf32, #tpu.memory_space<hbm>> -> memref<32x128xf32, #tpu.memory_space<hbm>>
            %dma_wait3A_540 = arith.constant 0 : i32
            %dma_wait3A_541 = arith.constant 0 : i32
            %dma_wait3A_542 = tpu.memref_slice %arg6[%dma_wait3A_540, %dma_wait3A_541] : memref<64x128xf32, #tpu.memory_space<vmem>> -> memref<32x128xf32, #tpu.memory_space<vmem>>
            tpu.wait_dma2 semaphore(%arg10 : memref<!tpu.dma_semaphore, #tpu.memory_space<semaphore_mem>>) src(%dma_wait3A_542 : memref<32x128xf32, #tpu.memory_space<vmem>>) dst(%dma_wait3A_539 : memref<32x128xf32, #tpu.memory_space<hbm>>)
          } else {
          }
        } else {
        }
        %parallel_loop3A = arith.constant 0 : i32
        %parallel_loop3A_491 = arith.constant 32 : i32
        %parallel_loop3A_492 = arith.constant 1 : i32
        scf.for %parallel_loop3A_516 = %parallel_loop3A to %parallel_loop3A_491 step %parallel_loop3A_492  : i32 {
          %parallel_loop3A_517 = arith.constant 2 : i32
          %parallel_loop3A_518 = arith.shrsi %parallel_loop3A_516, %parallel_loop3A_517 : i32
          %parallel_loop3A_519 = arith.constant 4 : i32
          %parallel_loop3A_520 = arith.shli %parallel_loop3A_518, %parallel_loop3A_519 : i32
          %parallel_loop3A_521 = arith.constant 3 : i32
          %parallel_loop3A_522 = arith.andi %parallel_loop3A_516, %parallel_loop3A_521 : i32
          %parallel_loop3A_523 = arith.constant 2048 : i32
          %parallel_loop3A_524 = arith.muli %parallel_loop3A_522, %parallel_loop3A_523 : i32
          %parallel_loop3A_525 = arith.addi %parallel_loop3A_524, %parallel_loop3A_520 : i32
          %parallel_loop3A_526 = arith.constant 64 : i32
          %parallel_loop3A_527 = arith.muli %parallel_loop3A_520, %parallel_loop3A_526 : i32
          %parallel_loop3A_528 = arith.constant 16 : i32
          %parallel_loop3A_529 = arith.muli %parallel_loop3A_522, %parallel_loop3A_528 : i32
          %parallel_loop3A_530 = arith.addi %parallel_loop3A_527, %parallel_loop3A_529 : i32
          %parallel_loop3A_531 = vector.broadcast %parallel_loop3A_525 : i32 to vector<16xi32>
          %parallel_loop3A_532 = arith.addi %add3A_109, %parallel_loop3A_531 : vector<16xi32>
          %parallel_loop3A_533 = tpu.vector_load_idx %arg4[%broadcast_in_dim3A_1, %parallel_loop3A_532] : memref<64x128xf32, #tpu.memory_space<vmem>>[vector<16xi32>, vector<16xi32>], vector<16xf32>,
          %parallel_loop3A_534 = vector.broadcast %parallel_loop3A_530 : i32 to vector<16xi32>
          %parallel_loop3A_535 = arith.addi %add3A_323, %parallel_loop3A_534 : vector<16xi32>
          tpu.vector_store_idx %arg6[%broadcast_in_dim3A_1, %parallel_loop3A_535], %parallel_loop3A_533 : memref<64x128xf32, #tpu.memory_space<vmem>>[vector<16xi32>, vector<16xi32>], vector<16xf32>,
          %parallel_loop3A_536 = vector.broadcast %parallel_loop3A_525 : i32 to vector<16xi32>
          %parallel_loop3A_537 = arith.addi %add3A_123, %parallel_loop3A_536 : vector<16xi32>
          %parallel_loop3A_538 = tpu.vector_load_idx %arg4[%broadcast_in_dim3A_1, %parallel_loop3A_537] : memref<64x128xf32, #tpu.memory_space<vmem>>[vector<16xi32>, vector<16xi32>], vector<16xf32>,
          %parallel_loop3A_539 = vector.broadcast %parallel_loop3A_530 : i32 to vector<16xi32>
          %parallel_loop3A_540 = arith.addi %add3A_327, %parallel_loop3A_539 : vector<16xi32>
          tpu.vector_store_idx %arg6[%broadcast_in_dim3A_1, %parallel_loop3A_540], %parallel_loop3A_538 : memref<64x128xf32, #tpu.memory_space<vmem>>[vector<16xi32>, vector<16xi32>], vector<16xf32>,
          %parallel_loop3A_541 = vector.broadcast %parallel_loop3A_525 : i32 to vector<16xi32>
          %parallel_loop3A_542 = arith.addi %add3A_137, %parallel_loop3A_541 : vector<16xi32>
          %parallel_loop3A_543 = tpu.vector_load_idx %arg4[%broadcast_in_dim3A_1, %parallel_loop3A_542] : memref<64x128xf32, #tpu.memory_space<vmem>>[vector<16xi32>, vector<16xi32>], vector<16xf32>,
          %parallel_loop3A_544 = vector.broadcast %parallel_loop3A_530 : i32 to vector<16xi32>
          %parallel_loop3A_545 = arith.addi %add3A_331, %parallel_loop3A_544 : vector<16xi32>
          tpu.vector_store_idx %arg6[%broadcast_in_dim3A_1, %parallel_loop3A_545], %parallel_loop3A_543 : memref<64x128xf32, #tpu.memory_space<vmem>>[vector<16xi32>, vector<16xi32>], vector<16xf32>,
          %parallel_loop3A_546 = vector.broadcast %parallel_loop3A_525 : i32 to vector<16xi32>
          %parallel_loop3A_547 = arith.addi %add3A_151, %parallel_loop3A_546 : vector<16xi32>
          %parallel_loop3A_548 = tpu.vector_load_idx %arg4[%broadcast_in_dim3A_1, %parallel_loop3A_547] : memref<64x128xf32, #tpu.memory_space<vmem>>[vector<16xi32>, vector<16xi32>], vector<16xf32>,
          %parallel_loop3A_549 = vector.broadcast %parallel_loop3A_530 : i32 to vector<16xi32>
          %parallel_loop3A_550 = arith.addi %add3A_335, %parallel_loop3A_549 : vector<16xi32>
          tpu.vector_store_idx %arg6[%broadcast_in_dim3A_1, %parallel_loop3A_550], %parallel_loop3A_548 : memref<64x128xf32, #tpu.memory_space<vmem>>[vector<16xi32>, vector<16xi32>], vector<16xf32>,
          %parallel_loop3A_551 = vector.broadcast %parallel_loop3A_525 : i32 to vector<16xi32>
          %parallel_loop3A_552 = arith.addi %add3A_165, %parallel_loop3A_551 : vector<16xi32>
          %parallel_loop3A_553 = tpu.vector_load_idx %arg4[%broadcast_in_dim3A_1, %parallel_loop3A_552] : memref<64x128xf32, #tpu.memory_space<vmem>>[vector<16xi32>, vector<16xi32>], vector<16xf32>,
          %parallel_loop3A_554 = vector.broadcast %parallel_loop3A_530 : i32 to vector<16xi32>
          %parallel_loop3A_555 = arith.addi %add3A_339, %parallel_loop3A_554 : vector<16xi32>
          tpu.vector_store_idx %arg6[%broadcast_in_dim3A_1, %parallel_loop3A_555], %parallel_loop3A_553 : memref<64x128xf32, #tpu.memory_space<vmem>>[vector<16xi32>, vector<16xi32>], vector<16xf32>,
          %parallel_loop3A_556 = vector.broadcast %parallel_loop3A_525 : i32 to vector<16xi32>
          %parallel_loop3A_557 = arith.addi %add3A_179, %parallel_loop3A_556 : vector<16xi32>
          %parallel_loop3A_558 = tpu.vector_load_idx %arg4[%broadcast_in_dim3A_1, %parallel_loop3A_557] : memref<64x128xf32, #tpu.memory_space<vmem>>[vector<16xi32>, vector<16xi32>], vector<16xf32>,
          %parallel_loop3A_559 = vector.broadcast %parallel_loop3A_530 : i32 to vector<16xi32>
          %parallel_loop3A_560 = arith.addi %add3A_343, %parallel_loop3A_559 : vector<16xi32>
          tpu.vector_store_idx %arg6[%broadcast_in_dim3A_1, %parallel_loop3A_560], %parallel_loop3A_558 : memref<64x128xf32, #tpu.memory_space<vmem>>[vector<16xi32>, vector<16xi32>], vector<16xf32>,
          %parallel_loop3A_561 = vector.broadcast %parallel_loop3A_525 : i32 to vector<16xi32>
          %parallel_loop3A_562 = arith.addi %add3A_193, %parallel_loop3A_561 : vector<16xi32>
          %parallel_loop3A_563 = tpu.vector_load_idx %arg4[%broadcast_in_dim3A_1, %parallel_loop3A_562] : memref<64x128xf32, #tpu.memory_space<vmem>>[vector<16xi32>, vector<16xi32>], vector<16xf32>,
          %parallel_loop3A_564 = vector.broadcast %parallel_loop3A_530 : i32 to vector<16xi32>
          %parallel_loop3A_565 = arith.addi %add3A_347, %parallel_loop3A_564 : vector<16xi32>
          tpu.vector_store_idx %arg6[%broadcast_in_dim3A_1, %parallel_loop3A_565], %parallel_loop3A_563 : memref<64x128xf32, #tpu.memory_space<vmem>>[vector<16xi32>, vector<16xi32>], vector<16xf32>,
          %parallel_loop3A_566 = vector.broadcast %parallel_loop3A_525 : i32 to vector<16xi32>
          %parallel_loop3A_567 = arith.addi %add3A_207, %parallel_loop3A_566 : vector<16xi32>
          %parallel_loop3A_568 = tpu.vector_load_idx %arg4[%broadcast_in_dim3A_1, %parallel_loop3A_567] : memref<64x128xf32, #tpu.memory_space<vmem>>[vector<16xi32>, vector<16xi32>], vector<16xf32>,
          %parallel_loop3A_569 = vector.broadcast %parallel_loop3A_530 : i32 to vector<16xi32>
          %parallel_loop3A_570 = arith.addi %add3A_351, %parallel_loop3A_569 : vector<16xi32>
          tpu.vector_store_idx %arg6[%broadcast_in_dim3A_1, %parallel_loop3A_570], %parallel_loop3A_568 : memref<64x128xf32, #tpu.memory_space<vmem>>[vector<16xi32>, vector<16xi32>], vector<16xf32>,
          %parallel_loop3A_571 = vector.broadcast %parallel_loop3A_525 : i32 to vector<16xi32>
          %parallel_loop3A_572 = arith.addi %add3A_221, %parallel_loop3A_571 : vector<16xi32>
          %parallel_loop3A_573 = tpu.vector_load_idx %arg4[%broadcast_in_dim3A_1, %parallel_loop3A_572] : memref<64x128xf32, #tpu.memory_space<vmem>>[vector<16xi32>, vector<16xi32>], vector<16xf32>,
          %parallel_loop3A_574 = vector.broadcast %parallel_loop3A_530 : i32 to vector<16xi32>
          %parallel_loop3A_575 = arith.addi %add3A_355, %parallel_loop3A_574 : vector<16xi32>
          tpu.vector_store_idx %arg6[%broadcast_in_dim3A_1, %parallel_loop3A_575], %parallel_loop3A_573 : memref<64x128xf32, #tpu.memory_space<vmem>>[vector<16xi32>, vector<16xi32>], vector<16xf32>,
          %parallel_loop3A_576 = vector.broadcast %parallel_loop3A_525 : i32 to vector<16xi32>
          %parallel_loop3A_577 = arith.addi %add3A_235, %parallel_loop3A_576 : vector<16xi32>
          %parallel_loop3A_578 = tpu.vector_load_idx %arg4[%broadcast_in_dim3A_1, %parallel_loop3A_577] : memref<64x128xf32, #tpu.memory_space<vmem>>[vector<16xi32>, vector<16xi32>], vector<16xf32>,
          %parallel_loop3A_579 = vector.broadcast %parallel_loop3A_530 : i32 to vector<16xi32>
          %parallel_loop3A_580 = arith.addi %add3A_359, %parallel_loop3A_579 : vector<16xi32>
          tpu.vector_store_idx %arg6[%broadcast_in_dim3A_1, %parallel_loop3A_580], %parallel_loop3A_578 : memref<64x128xf32, #tpu.memory_space<vmem>>[vector<16xi32>, vector<16xi32>], vector<16xf32>,
          %parallel_loop3A_581 = vector.broadcast %parallel_loop3A_525 : i32 to vector<16xi32>
          %parallel_loop3A_582 = arith.addi %add3A_249, %parallel_loop3A_581 : vector<16xi32>
          %parallel_loop3A_583 = tpu.vector_load_idx %arg4[%broadcast_in_dim3A_1, %parallel_loop3A_582] : memref<64x128xf32, #tpu.memory_space<vmem>>[vector<16xi32>, vector<16xi32>], vector<16xf32>,
          %parallel_loop3A_584 = vector.broadcast %parallel_loop3A_530 : i32 to vector<16xi32>
          %parallel_loop3A_585 = arith.addi %add3A_363, %parallel_loop3A_584 : vector<16xi32>
          tpu.vector_store_idx %arg6[%broadcast_in_dim3A_1, %parallel_loop3A_585], %parallel_loop3A_583 : memref<64x128xf32, #tpu.memory_space<vmem>>[vector<16xi32>, vector<16xi32>], vector<16xf32>,
          %parallel_loop3A_586 = vector.broadcast %parallel_loop3A_525 : i32 to vector<16xi32>
          %parallel_loop3A_587 = arith.addi %add3A_263, %parallel_loop3A_586 : vector<16xi32>
          %parallel_loop3A_588 = tpu.vector_load_idx %arg4[%broadcast_in_dim3A_1, %parallel_loop3A_587] : memref<64x128xf32, #tpu.memory_space<vmem>>[vector<16xi32>, vector<16xi32>], vector<16xf32>,
          %parallel_loop3A_589 = vector.broadcast %parallel_loop3A_530 : i32 to vector<16xi32>
          %parallel_loop3A_590 = arith.addi %add3A_367, %parallel_loop3A_589 : vector<16xi32>
          tpu.vector_store_idx %arg6[%broadcast_in_dim3A_1, %parallel_loop3A_590], %parallel_loop3A_588 : memref<64x128xf32, #tpu.memory_space<vmem>>[vector<16xi32>, vector<16xi32>], vector<16xf32>,
          %parallel_loop3A_591 = vector.broadcast %parallel_loop3A_525 : i32 to vector<16xi32>
          %parallel_loop3A_592 = arith.addi %add3A_277, %parallel_loop3A_591 : vector<16xi32>
          %parallel_loop3A_593 = tpu.vector_load_idx %arg4[%broadcast_in_dim3A_1, %parallel_loop3A_592] : memref<64x128xf32, #tpu.memory_space<vmem>>[vector<16xi32>, vector<16xi32>], vector<16xf32>,
          %parallel_loop3A_594 = vector.broadcast %parallel_loop3A_530 : i32 to vector<16xi32>
          %parallel_loop3A_595 = arith.addi %add3A_371, %parallel_loop3A_594 : vector<16xi32>
          tpu.vector_store_idx %arg6[%broadcast_in_dim3A_1, %parallel_loop3A_595], %parallel_loop3A_593 : memref<64x128xf32, #tpu.memory_space<vmem>>[vector<16xi32>, vector<16xi32>], vector<16xf32>,
          %parallel_loop3A_596 = vector.broadcast %parallel_loop3A_525 : i32 to vector<16xi32>
          %parallel_loop3A_597 = arith.addi %add3A_291, %parallel_loop3A_596 : vector<16xi32>
          %parallel_loop3A_598 = tpu.vector_load_idx %arg4[%broadcast_in_dim3A_1, %parallel_loop3A_597] : memref<64x128xf32, #tpu.memory_space<vmem>>[vector<16xi32>, vector<16xi32>], vector<16xf32>,
          %parallel_loop3A_599 = vector.broadcast %parallel_loop3A_530 : i32 to vector<16xi32>
          %parallel_loop3A_600 = arith.addi %add3A_375, %parallel_loop3A_599 : vector<16xi32>
          tpu.vector_store_idx %arg6[%broadcast_in_dim3A_1, %parallel_loop3A_600], %parallel_loop3A_598 : memref<64x128xf32, #tpu.memory_space<vmem>>[vector<16xi32>, vector<16xi32>], vector<16xf32>,
          %parallel_loop3A_601 = vector.broadcast %parallel_loop3A_525 : i32 to vector<16xi32>
          %parallel_loop3A_602 = arith.addi %add3A_305, %parallel_loop3A_601 : vector<16xi32>
          %parallel_loop3A_603 = tpu.vector_load_idx %arg4[%broadcast_in_dim3A_1, %parallel_loop3A_602] : memref<64x128xf32, #tpu.memory_space<vmem>>[vector<16xi32>, vector<16xi32>], vector<16xf32>,
          %parallel_loop3A_604 = vector.broadcast %parallel_loop3A_530 : i32 to vector<16xi32>
          %parallel_loop3A_605 = arith.addi %add3A_379, %parallel_loop3A_604 : vector<16xi32>
          tpu.vector_store_idx %arg6[%broadcast_in_dim3A_1, %parallel_loop3A_605], %parallel_loop3A_603 : memref<64x128xf32, #tpu.memory_space<vmem>>[vector<16xi32>, vector<16xi32>], vector<16xf32>,
          %parallel_loop3A_606 = vector.broadcast %parallel_loop3A_525 : i32 to vector<16xi32>
          %parallel_loop3A_607 = arith.addi %add3A_319, %parallel_loop3A_606 : vector<16xi32>
          %parallel_loop3A_608 = tpu.vector_load_idx %arg4[%broadcast_in_dim3A_1, %parallel_loop3A_607] : memref<64x128xf32, #tpu.memory_space<vmem>>[vector<16xi32>, vector<16xi32>], vector<16xf32>,
          %parallel_loop3A_609 = vector.broadcast %parallel_loop3A_530 : i32 to vector<16xi32>
          %parallel_loop3A_610 = arith.addi %add3A_383, %parallel_loop3A_609 : vector<16xi32>
          tpu.vector_store_idx %arg6[%broadcast_in_dim3A_1, %parallel_loop3A_610], %parallel_loop3A_608 : memref<64x128xf32, #tpu.memory_space<vmem>>[vector<16xi32>, vector<16xi32>], vector<16xf32>,
        } {sc.loop_unroll_factor = 4 : i64, sc.parallel_access}
        %mul3A_493 = arith.constant 32 : i32
        %mul3A_494 = arith.muli %add3A_452, %mul3A_493 : i32
        %add3A_495 = arith.addi %mul3A_494, %add3A : i32
        %lt3A_496 = arith.constant 7812 : i32
        %lt3A_497 = arith.cmpi slt, %add3A_495, %lt3A_496 : i32
        %convert_element_type3A_498 = arith.extui %lt3A_497 : i1 to i32
        %cond3A_499 = arith.constant 0 : i32
        %cond3A_500 = arith.cmpi ne, %convert_element_type3A_498, %cond3A_499 : i32
        scf.if %cond3A_500 {
          %mul3A_516 = arith.constant 64 : i32
          %mul3A_517 = arith.muli %add3A_495, %mul3A_516 : i32
          %dma_start3A = arith.constant 0 : i32
          %dma_start3A_518 = tpu.memref_slice %arg3[%mul3A_517, %dma_start3A] : memref<500000x128xf32, #tpu.memory_space<hbm>> -> memref<64x128xf32, #tpu.memory_space<hbm>>
          %dma_start3A_519 = arith.constant 0 : i32
          %dma_start3A_520 = tpu.memref_slice %arg3[%mul3A_517, %dma_start3A_519] : memref<500000x128xf32, #tpu.memory_space<hbm>> -> memref<64x128xf32, #tpu.memory_space<hbm>>
          tpu.enqueue_dma source(%arg6 : memref<64x128xf32, #tpu.memory_space<vmem>>) target(%dma_start3A_520 : memref<64x128xf32, #tpu.memory_space<hbm>>) target_semaphore(%arg10 : memref<!tpu.dma_semaphore, #tpu.memory_space<semaphore_mem>>)
        } else {
        }
        %eq3A_501 = arith.constant 7812 : i32
        %eq3A_502 = arith.cmpi eq, %add3A_495, %eq3A_501 : i32
        %convert_element_type3A_503 = arith.extui %eq3A_502 : i1 to i32
        %cond3A_504 = arith.constant 0 : i32
        %cond3A_505 = arith.cmpi ne, %convert_element_type3A_503, %cond3A_504 : i32
        scf.if %cond3A_505 {
          %mul3A_516 = arith.constant 64 : i32
          %mul3A_517 = arith.muli %add3A_495, %mul3A_516 : i32
          %dma_start3A = arith.constant 0 : i32
          %dma_start3A_518 = arith.constant 0 : i32
          %dma_start3A_519 = tpu.memref_slice %arg6[%dma_start3A, %dma_start3A_518] : memref<64x128xf32, #tpu.memory_space<vmem>> -> memref<32x128xf32, #tpu.memory_space<vmem>>
          %dma_start3A_520 = arith.constant 0 : i32
          %dma_start3A_521 = tpu.memref_slice %arg3[%mul3A_517, %dma_start3A_520] : memref<500000x128xf32, #tpu.memory_space<hbm>> -> memref<32x128xf32, #tpu.memory_space<hbm>>
          %dma_start3A_522 = arith.constant 0 : i32
          %dma_start3A_523 = tpu.memref_slice %arg3[%mul3A_517, %dma_start3A_522] : memref<500000x128xf32, #tpu.memory_space<hbm>> -> memref<32x128xf32, #tpu.memory_space<hbm>>
          %dma_start3A_524 = arith.constant 0 : i32
          %dma_start3A_525 = arith.constant 0 : i32
          %dma_start3A_526 = tpu.memref_slice %arg6[%dma_start3A_524, %dma_start3A_525] : memref<64x128xf32, #tpu.memory_space<vmem>> -> memref<32x128xf32, #tpu.memory_space<vmem>>
          tpu.enqueue_dma source(%dma_start3A_526 : memref<32x128xf32, #tpu.memory_space<vmem>>) target(%dma_start3A_523 : memref<32x128xf32, #tpu.memory_space<hbm>>) target_semaphore(%arg10 : memref<!tpu.dma_semaphore, #tpu.memory_space<semaphore_mem>>)
        } else {
        }
        %add3A_506 = arith.constant 2 : i32
        %add3A_507 = arith.addi %add3A_452, %add3A_506 : i32
        %mul3A_508 = arith.constant 32 : i32
        %mul3A_509 = arith.muli %add3A_507, %mul3A_508 : i32
        %add3A_510 = arith.addi %mul3A_509, %add3A : i32
        %lt3A_511 = arith.constant 7813 : i32
        %lt3A_512 = arith.cmpi slt, %add3A_510, %lt3A_511 : i32
        %convert_element_type3A_513 = arith.extui %lt3A_512 : i1 to i32
        %cond3A_514 = arith.constant 0 : i32
        %cond3A_515 = arith.cmpi ne, %convert_element_type3A_513, %cond3A_514 : i32
        scf.if %cond3A_515 {
          %add3A_516 = arith.constant 2 : i32
          %add3A_517 = arith.addi %add3A_452, %add3A_516 : i32
          %mul3A_518 = arith.constant 32 : i32
          %mul3A_519 = arith.muli %add3A_517, %mul3A_518 : i32
          %add3A_520 = arith.addi %mul3A_519, %add3A : i32
          %mul3A_521 = arith.constant 128 : i32
          %mul3A_522 = arith.muli %add3A_520, %mul3A_521 : i32
          %dma_start3A = arith.constant 0 : i32
          %dma_start3A_523 = tpu.memref_slice %arg2[%dma_start3A, %mul3A_522] : memref<64x1000000xf32, #tpu.memory_space<hbm>> -> memref<64x128xf32, #tpu.memory_space<hbm>>
          %dma_start3A_524 = arith.constant 0 : i32
          %dma_start3A_525 = tpu.memref_slice %arg2[%dma_start3A_524, %mul3A_522] : memref<64x1000000xf32, #tpu.memory_space<hbm>> -> memref<64x128xf32, #tpu.memory_space<hbm>>
          tpu.enqueue_dma source(%dma_start3A_525 : memref<64x128xf32, #tpu.memory_space<hbm>>) target(%arg4 : memref<64x128xf32, #tpu.memory_space<vmem>>) target_semaphore(%arg8 : memref<!tpu.dma_semaphore, #tpu.memory_space<semaphore_mem>>)
        } else {
        }
      } else {
      }
      %add3A_461 = arith.constant 1 : i32
      %add3A_462 = arith.addi %add3A_450, %add3A_461 : i32
      %mul3A_463 = arith.constant 32 : i32
      %mul3A_464 = arith.muli %add3A_462, %mul3A_463 : i32
      %add3A_465 = arith.addi %mul3A_464, %add3A : i32
      %lt3A_466 = arith.constant 7813 : i32
      %lt3A_467 = arith.cmpi slt, %add3A_465, %lt3A_466 : i32
      %convert_element_type3A_468 = arith.extui %lt3A_467 : i1 to i32
      %cond3A_469 = arith.constant 0 : i32
      %cond3A_470 = arith.cmpi ne, %convert_element_type3A_468, %cond3A_469 : i32
      scf.if %cond3A_470 {
        %mul3A_471 = arith.constant 32 : i32
        %mul3A_472 = arith.muli %add3A_462, %mul3A_471 : i32
        %add3A_473 = arith.addi %mul3A_472, %add3A : i32
        %mul3A_474 = arith.constant 128 : i32
        %mul3A_475 = arith.muli %add3A_473, %mul3A_474 : i32
        %dma_wait3A = arith.constant 0 : i32
        %dma_wait3A_476 = tpu.memref_slice %arg2[%dma_wait3A, %mul3A_475] : memref<64x1000000xf32, #tpu.memory_space<hbm>> -> memref<64x128xf32, #tpu.memory_space<hbm>>
        %dma_wait3A_477 = arith.constant 0 : i32
        %dma_wait3A_478 = tpu.memref_slice %arg2[%dma_wait3A_477, %mul3A_475] : memref<64x1000000xf32, #tpu.memory_space<hbm>> -> memref<64x128xf32, #tpu.memory_space<hbm>>
        tpu.wait_dma2 semaphore(%arg9 : memref<!tpu.dma_semaphore, #tpu.memory_space<semaphore_mem>>) src(%dma_wait3A_478 : memref<64x128xf32, #tpu.memory_space<hbm>>) dst(%arg5 : memref<64x128xf32, #tpu.memory_space<vmem>>)
        %gt3A = arith.constant 1 : i32
        %gt3A_479 = arith.cmpi sgt, %add3A_462, %gt3A : i32
        %sub3A_480 = arith.constant 2 : i32
        %sub3A_481 = arith.subi %add3A_462, %sub3A_480 : i32
        %mul3A_482 = arith.constant 32 : i32
        %mul3A_483 = arith.muli %sub3A_481, %mul3A_482 : i32
        %add3A_484 = arith.addi %mul3A_483, %add3A : i32
        %lt3A_485 = arith.constant 7813 : i32
        %lt3A_486 = arith.cmpi slt, %add3A_484, %lt3A_485 : i32
        %and3A_487 = arith.andi %gt3A_479, %lt3A_486 : i1
        %convert_element_type3A_488 = arith.extui %and3A_487 : i1 to i32
        %cond3A_489 = arith.constant 0 : i32
        %cond3A_490 = arith.cmpi ne, %convert_element_type3A_488, %cond3A_489 : i32
        scf.if %cond3A_490 {
          %sub3A_516 = arith.constant 2 : i32
          %sub3A_517 = arith.subi %add3A_462, %sub3A_516 : i32
          %mul3A_518 = arith.constant 32 : i32
          %mul3A_519 = arith.muli %sub3A_517, %mul3A_518 : i32
          %add3A_520 = arith.addi %mul3A_519, %add3A : i32
          %lt3A_521 = arith.constant 7812 : i32
          %lt3A_522 = arith.cmpi slt, %add3A_520, %lt3A_521 : i32
          %convert_element_type3A_523 = arith.extui %lt3A_522 : i1 to i32
          %cond3A_524 = arith.constant 0 : i32
          %cond3A_525 = arith.cmpi ne, %convert_element_type3A_523, %cond3A_524 : i32
          scf.if %cond3A_525 {
            %mul3A_531 = arith.constant 64 : i32
            %mul3A_532 = arith.muli %add3A_520, %mul3A_531 : i32
            %dma_wait3A_533 = arith.constant 0 : i32
            %dma_wait3A_534 = tpu.memref_slice %arg3[%mul3A_532, %dma_wait3A_533] : memref<500000x128xf32, #tpu.memory_space<hbm>> -> memref<64x128xf32, #tpu.memory_space<hbm>>
            %dma_wait3A_535 = arith.constant 0 : i32
            %dma_wait3A_536 = tpu.memref_slice %arg3[%mul3A_532, %dma_wait3A_535] : memref<500000x128xf32, #tpu.memory_space<hbm>> -> memref<64x128xf32, #tpu.memory_space<hbm>>
            tpu.wait_dma2 semaphore(%arg11 : memref<!tpu.dma_semaphore, #tpu.memory_space<semaphore_mem>>) src(%arg7 : memref<64x128xf32, #tpu.memory_space<vmem>>) dst(%dma_wait3A_536 : memref<64x128xf32, #tpu.memory_space<hbm>>)
          } else {
          }
          %eq3A_526 = arith.constant 7812 : i32
          %eq3A_527 = arith.cmpi eq, %add3A_520, %eq3A_526 : i32
          %convert_element_type3A_528 = arith.extui %eq3A_527 : i1 to i32
          %cond3A_529 = arith.constant 0 : i32
          %cond3A_530 = arith.cmpi ne, %convert_element_type3A_528, %cond3A_529 : i32
          scf.if %cond3A_530 {
            %mul3A_531 = arith.constant 64 : i32
            %mul3A_532 = arith.muli %add3A_520, %mul3A_531 : i32
            %dma_wait3A_533 = arith.constant 0 : i32
            %dma_wait3A_534 = arith.constant 0 : i32
            %dma_wait3A_535 = tpu.memref_slice %arg7[%dma_wait3A_533, %dma_wait3A_534] : memref<64x128xf32, #tpu.memory_space<vmem>> -> memref<32x128xf32, #tpu.memory_space<vmem>>
            %dma_wait3A_536 = arith.constant 0 : i32
            %dma_wait3A_537 = tpu.memref_slice %arg3[%mul3A_532, %dma_wait3A_536] : memref<500000x128xf32, #tpu.memory_space<hbm>> -> memref<32x128xf32, #tpu.memory_space<hbm>>
            %dma_wait3A_538 = arith.constant 0 : i32
            %dma_wait3A_539 = tpu.memref_slice %arg3[%mul3A_532, %dma_wait3A_538] : memref<500000x128xf32, #tpu.memory_space<hbm>> -> memref<32x128xf32, #tpu.memory_space<hbm>>
            %dma_wait3A_540 = arith.constant 0 : i32
            %dma_wait3A_541 = arith.constant 0 : i32
            %dma_wait3A_542 = tpu.memref_slice %arg7[%dma_wait3A_540, %dma_wait3A_541] : memref<64x128xf32, #tpu.memory_space<vmem>> -> memref<32x128xf32, #tpu.memory_space<vmem>>
            tpu.wait_dma2 semaphore(%arg11 : memref<!tpu.dma_semaphore, #tpu.memory_space<semaphore_mem>>) src(%dma_wait3A_542 : memref<32x128xf32, #tpu.memory_space<vmem>>) dst(%dma_wait3A_539 : memref<32x128xf32, #tpu.memory_space<hbm>>)
          } else {
          }
        } else {
        }
        %parallel_loop3A = arith.constant 0 : i32
        %parallel_loop3A_491 = arith.constant 32 : i32
        %parallel_loop3A_492 = arith.constant 1 : i32
        scf.for %parallel_loop3A_516 = %parallel_loop3A to %parallel_loop3A_491 step %parallel_loop3A_492  : i32 {
          %parallel_loop3A_517 = arith.constant 2 : i32
          %parallel_loop3A_518 = arith.shrsi %parallel_loop3A_516, %parallel_loop3A_517 : i32
          %parallel_loop3A_519 = arith.constant 4 : i32
          %parallel_loop3A_520 = arith.shli %parallel_loop3A_518, %parallel_loop3A_519 : i32
          %parallel_loop3A_521 = arith.constant 3 : i32
          %parallel_loop3A_522 = arith.andi %parallel_loop3A_516, %parallel_loop3A_521 : i32
          %parallel_loop3A_523 = arith.constant 2048 : i32
          %parallel_loop3A_524 = arith.muli %parallel_loop3A_522, %parallel_loop3A_523 : i32
          %parallel_loop3A_525 = arith.addi %parallel_loop3A_524, %parallel_loop3A_520 : i32
          %parallel_loop3A_526 = arith.constant 64 : i32
          %parallel_loop3A_527 = arith.muli %parallel_loop3A_520, %parallel_loop3A_526 : i32
          %parallel_loop3A_528 = arith.constant 16 : i32
          %parallel_loop3A_529 = arith.muli %parallel_loop3A_522, %parallel_loop3A_528 : i32
          %parallel_loop3A_530 = arith.addi %parallel_loop3A_527, %parallel_loop3A_529 : i32
          %parallel_loop3A_531 = vector.broadcast %parallel_loop3A_525 : i32 to vector<16xi32>
          %parallel_loop3A_532 = arith.addi %add3A_109, %parallel_loop3A_531 : vector<16xi32>
          %parallel_loop3A_533 = tpu.vector_load_idx %arg5[%broadcast_in_dim3A_1, %parallel_loop3A_532] : memref<64x128xf32, #tpu.memory_space<vmem>>[vector<16xi32>, vector<16xi32>], vector<16xf32>,
          %parallel_loop3A_534 = vector.broadcast %parallel_loop3A_530 : i32 to vector<16xi32>
          %parallel_loop3A_535 = arith.addi %add3A_323, %parallel_loop3A_534 : vector<16xi32>
          tpu.vector_store_idx %arg7[%broadcast_in_dim3A_1, %parallel_loop3A_535], %parallel_loop3A_533 : memref<64x128xf32, #tpu.memory_space<vmem>>[vector<16xi32>, vector<16xi32>], vector<16xf32>,
          %parallel_loop3A_536 = vector.broadcast %parallel_loop3A_525 : i32 to vector<16xi32>
          %parallel_loop3A_537 = arith.addi %add3A_123, %parallel_loop3A_536 : vector<16xi32>
          %parallel_loop3A_538 = tpu.vector_load_idx %arg5[%broadcast_in_dim3A_1, %parallel_loop3A_537] : memref<64x128xf32, #tpu.memory_space<vmem>>[vector<16xi32>, vector<16xi32>], vector<16xf32>,
          %parallel_loop3A_539 = vector.broadcast %parallel_loop3A_530 : i32 to vector<16xi32>
          %parallel_loop3A_540 = arith.addi %add3A_327, %parallel_loop3A_539 : vector<16xi32>
          tpu.vector_store_idx %arg7[%broadcast_in_dim3A_1, %parallel_loop3A_540], %parallel_loop3A_538 : memref<64x128xf32, #tpu.memory_space<vmem>>[vector<16xi32>, vector<16xi32>], vector<16xf32>,
          %parallel_loop3A_541 = vector.broadcast %parallel_loop3A_525 : i32 to vector<16xi32>
          %parallel_loop3A_542 = arith.addi %add3A_137, %parallel_loop3A_541 : vector<16xi32>
          %parallel_loop3A_543 = tpu.vector_load_idx %arg5[%broadcast_in_dim3A_1, %parallel_loop3A_542] : memref<64x128xf32, #tpu.memory_space<vmem>>[vector<16xi32>, vector<16xi32>], vector<16xf32>,
          %parallel_loop3A_544 = vector.broadcast %parallel_loop3A_530 : i32 to vector<16xi32>
          %parallel_loop3A_545 = arith.addi %add3A_331, %parallel_loop3A_544 : vector<16xi32>
          tpu.vector_store_idx %arg7[%broadcast_in_dim3A_1, %parallel_loop3A_545], %parallel_loop3A_543 : memref<64x128xf32, #tpu.memory_space<vmem>>[vector<16xi32>, vector<16xi32>], vector<16xf32>,
          %parallel_loop3A_546 = vector.broadcast %parallel_loop3A_525 : i32 to vector<16xi32>
          %parallel_loop3A_547 = arith.addi %add3A_151, %parallel_loop3A_546 : vector<16xi32>
          %parallel_loop3A_548 = tpu.vector_load_idx %arg5[%broadcast_in_dim3A_1, %parallel_loop3A_547] : memref<64x128xf32, #tpu.memory_space<vmem>>[vector<16xi32>, vector<16xi32>], vector<16xf32>,
          %parallel_loop3A_549 = vector.broadcast %parallel_loop3A_530 : i32 to vector<16xi32>
          %parallel_loop3A_550 = arith.addi %add3A_335, %parallel_loop3A_549 : vector<16xi32>
          tpu.vector_store_idx %arg7[%broadcast_in_dim3A_1, %parallel_loop3A_550], %parallel_loop3A_548 : memref<64x128xf32, #tpu.memory_space<vmem>>[vector<16xi32>, vector<16xi32>], vector<16xf32>,
          %parallel_loop3A_551 = vector.broadcast %parallel_loop3A_525 : i32 to vector<16xi32>
          %parallel_loop3A_552 = arith.addi %add3A_165, %parallel_loop3A_551 : vector<16xi32>
          %parallel_loop3A_553 = tpu.vector_load_idx %arg5[%broadcast_in_dim3A_1, %parallel_loop3A_552] : memref<64x128xf32, #tpu.memory_space<vmem>>[vector<16xi32>, vector<16xi32>], vector<16xf32>,
          %parallel_loop3A_554 = vector.broadcast %parallel_loop3A_530 : i32 to vector<16xi32>
          %parallel_loop3A_555 = arith.addi %add3A_339, %parallel_loop3A_554 : vector<16xi32>
          tpu.vector_store_idx %arg7[%broadcast_in_dim3A_1, %parallel_loop3A_555], %parallel_loop3A_553 : memref<64x128xf32, #tpu.memory_space<vmem>>[vector<16xi32>, vector<16xi32>], vector<16xf32>,
          %parallel_loop3A_556 = vector.broadcast %parallel_loop3A_525 : i32 to vector<16xi32>
          %parallel_loop3A_557 = arith.addi %add3A_179, %parallel_loop3A_556 : vector<16xi32>
          %parallel_loop3A_558 = tpu.vector_load_idx %arg5[%broadcast_in_dim3A_1, %parallel_loop3A_557] : memref<64x128xf32, #tpu.memory_space<vmem>>[vector<16xi32>, vector<16xi32>], vector<16xf32>,
          %parallel_loop3A_559 = vector.broadcast %parallel_loop3A_530 : i32 to vector<16xi32>
          %parallel_loop3A_560 = arith.addi %add3A_343, %parallel_loop3A_559 : vector<16xi32>
          tpu.vector_store_idx %arg7[%broadcast_in_dim3A_1, %parallel_loop3A_560], %parallel_loop3A_558 : memref<64x128xf32, #tpu.memory_space<vmem>>[vector<16xi32>, vector<16xi32>], vector<16xf32>,
          %parallel_loop3A_561 = vector.broadcast %parallel_loop3A_525 : i32 to vector<16xi32>
          %parallel_loop3A_562 = arith.addi %add3A_193, %parallel_loop3A_561 : vector<16xi32>
          %parallel_loop3A_563 = tpu.vector_load_idx %arg5[%broadcast_in_dim3A_1, %parallel_loop3A_562] : memref<64x128xf32, #tpu.memory_space<vmem>>[vector<16xi32>, vector<16xi32>], vector<16xf32>,
          %parallel_loop3A_564 = vector.broadcast %parallel_loop3A_530 : i32 to vector<16xi32>
          %parallel_loop3A_565 = arith.addi %add3A_347, %parallel_loop3A_564 : vector<16xi32>
          tpu.vector_store_idx %arg7[%broadcast_in_dim3A_1, %parallel_loop3A_565], %parallel_loop3A_563 : memref<64x128xf32, #tpu.memory_space<vmem>>[vector<16xi32>, vector<16xi32>], vector<16xf32>,
          %parallel_loop3A_566 = vector.broadcast %parallel_loop3A_525 : i32 to vector<16xi32>
          %parallel_loop3A_567 = arith.addi %add3A_207, %parallel_loop3A_566 : vector<16xi32>
          %parallel_loop3A_568 = tpu.vector_load_idx %arg5[%broadcast_in_dim3A_1, %parallel_loop3A_567] : memref<64x128xf32, #tpu.memory_space<vmem>>[vector<16xi32>, vector<16xi32>], vector<16xf32>,
          %parallel_loop3A_569 = vector.broadcast %parallel_loop3A_530 : i32 to vector<16xi32>
          %parallel_loop3A_570 = arith.addi %add3A_351, %parallel_loop3A_569 : vector<16xi32>
          tpu.vector_store_idx %arg7[%broadcast_in_dim3A_1, %parallel_loop3A_570], %parallel_loop3A_568 : memref<64x128xf32, #tpu.memory_space<vmem>>[vector<16xi32>, vector<16xi32>], vector<16xf32>,
          %parallel_loop3A_571 = vector.broadcast %parallel_loop3A_525 : i32 to vector<16xi32>
          %parallel_loop3A_572 = arith.addi %add3A_221, %parallel_loop3A_571 : vector<16xi32>
          %parallel_loop3A_573 = tpu.vector_load_idx %arg5[%broadcast_in_dim3A_1, %parallel_loop3A_572] : memref<64x128xf32, #tpu.memory_space<vmem>>[vector<16xi32>, vector<16xi32>], vector<16xf32>,
          %parallel_loop3A_574 = vector.broadcast %parallel_loop3A_530 : i32 to vector<16xi32>
          %parallel_loop3A_575 = arith.addi %add3A_355, %parallel_loop3A_574 : vector<16xi32>
          tpu.vector_store_idx %arg7[%broadcast_in_dim3A_1, %parallel_loop3A_575], %parallel_loop3A_573 : memref<64x128xf32, #tpu.memory_space<vmem>>[vector<16xi32>, vector<16xi32>], vector<16xf32>,
          %parallel_loop3A_576 = vector.broadcast %parallel_loop3A_525 : i32 to vector<16xi32>
          %parallel_loop3A_577 = arith.addi %add3A_235, %parallel_loop3A_576 : vector<16xi32>
          %parallel_loop3A_578 = tpu.vector_load_idx %arg5[%broadcast_in_dim3A_1, %parallel_loop3A_577] : memref<64x128xf32, #tpu.memory_space<vmem>>[vector<16xi32>, vector<16xi32>], vector<16xf32>,
          %parallel_loop3A_579 = vector.broadcast %parallel_loop3A_530 : i32 to vector<16xi32>
          %parallel_loop3A_580 = arith.addi %add3A_359, %parallel_loop3A_579 : vector<16xi32>
          tpu.vector_store_idx %arg7[%broadcast_in_dim3A_1, %parallel_loop3A_580], %parallel_loop3A_578 : memref<64x128xf32, #tpu.memory_space<vmem>>[vector<16xi32>, vector<16xi32>], vector<16xf32>,
          %parallel_loop3A_581 = vector.broadcast %parallel_loop3A_525 : i32 to vector<16xi32>
          %parallel_loop3A_582 = arith.addi %add3A_249, %parallel_loop3A_581 : vector<16xi32>
          %parallel_loop3A_583 = tpu.vector_load_idx %arg5[%broadcast_in_dim3A_1, %parallel_loop3A_582] : memref<64x128xf32, #tpu.memory_space<vmem>>[vector<16xi32>, vector<16xi32>], vector<16xf32>,
          %parallel_loop3A_584 = vector.broadcast %parallel_loop3A_530 : i32 to vector<16xi32>
          %parallel_loop3A_585 = arith.addi %add3A_363, %parallel_loop3A_584 : vector<16xi32>
          tpu.vector_store_idx %arg7[%broadcast_in_dim3A_1, %parallel_loop3A_585], %parallel_loop3A_583 : memref<64x128xf32, #tpu.memory_space<vmem>>[vector<16xi32>, vector<16xi32>], vector<16xf32>,
          %parallel_loop3A_586 = vector.broadcast %parallel_loop3A_525 : i32 to vector<16xi32>
          %parallel_loop3A_587 = arith.addi %add3A_263, %parallel_loop3A_586 : vector<16xi32>
          %parallel_loop3A_588 = tpu.vector_load_idx %arg5[%broadcast_in_dim3A_1, %parallel_loop3A_587] : memref<64x128xf32, #tpu.memory_space<vmem>>[vector<16xi32>, vector<16xi32>], vector<16xf32>,
          %parallel_loop3A_589 = vector.broadcast %parallel_loop3A_530 : i32 to vector<16xi32>
          %parallel_loop3A_590 = arith.addi %add3A_367, %parallel_loop3A_589 : vector<16xi32>
          tpu.vector_store_idx %arg7[%broadcast_in_dim3A_1, %parallel_loop3A_590], %parallel_loop3A_588 : memref<64x128xf32, #tpu.memory_space<vmem>>[vector<16xi32>, vector<16xi32>], vector<16xf32>,
          %parallel_loop3A_591 = vector.broadcast %parallel_loop3A_525 : i32 to vector<16xi32>
          %parallel_loop3A_592 = arith.addi %add3A_277, %parallel_loop3A_591 : vector<16xi32>
          %parallel_loop3A_593 = tpu.vector_load_idx %arg5[%broadcast_in_dim3A_1, %parallel_loop3A_592] : memref<64x128xf32, #tpu.memory_space<vmem>>[vector<16xi32>, vector<16xi32>], vector<16xf32>,
          %parallel_loop3A_594 = vector.broadcast %parallel_loop3A_530 : i32 to vector<16xi32>
          %parallel_loop3A_595 = arith.addi %add3A_371, %parallel_loop3A_594 : vector<16xi32>
          tpu.vector_store_idx %arg7[%broadcast_in_dim3A_1, %parallel_loop3A_595], %parallel_loop3A_593 : memref<64x128xf32, #tpu.memory_space<vmem>>[vector<16xi32>, vector<16xi32>], vector<16xf32>,
          %parallel_loop3A_596 = vector.broadcast %parallel_loop3A_525 : i32 to vector<16xi32>
          %parallel_loop3A_597 = arith.addi %add3A_291, %parallel_loop3A_596 : vector<16xi32>
          %parallel_loop3A_598 = tpu.vector_load_idx %arg5[%broadcast_in_dim3A_1, %parallel_loop3A_597] : memref<64x128xf32, #tpu.memory_space<vmem>>[vector<16xi32>, vector<16xi32>], vector<16xf32>,
          %parallel_loop3A_599 = vector.broadcast %parallel_loop3A_530 : i32 to vector<16xi32>
          %parallel_loop3A_600 = arith.addi %add3A_375, %parallel_loop3A_599 : vector<16xi32>
          tpu.vector_store_idx %arg7[%broadcast_in_dim3A_1, %parallel_loop3A_600], %parallel_loop3A_598 : memref<64x128xf32, #tpu.memory_space<vmem>>[vector<16xi32>, vector<16xi32>], vector<16xf32>,
          %parallel_loop3A_601 = vector.broadcast %parallel_loop3A_525 : i32 to vector<16xi32>
          %parallel_loop3A_602 = arith.addi %add3A_305, %parallel_loop3A_601 : vector<16xi32>
          %parallel_loop3A_603 = tpu.vector_load_idx %arg5[%broadcast_in_dim3A_1, %parallel_loop3A_602] : memref<64x128xf32, #tpu.memory_space<vmem>>[vector<16xi32>, vector<16xi32>], vector<16xf32>,
          %parallel_loop3A_604 = vector.broadcast %parallel_loop3A_530 : i32 to vector<16xi32>
          %parallel_loop3A_605 = arith.addi %add3A_379, %parallel_loop3A_604 : vector<16xi32>
          tpu.vector_store_idx %arg7[%broadcast_in_dim3A_1, %parallel_loop3A_605], %parallel_loop3A_603 : memref<64x128xf32, #tpu.memory_space<vmem>>[vector<16xi32>, vector<16xi32>], vector<16xf32>,
          %parallel_loop3A_606 = vector.broadcast %parallel_loop3A_525 : i32 to vector<16xi32>
          %parallel_loop3A_607 = arith.addi %add3A_319, %parallel_loop3A_606 : vector<16xi32>
          %parallel_loop3A_608 = tpu.vector_load_idx %arg5[%broadcast_in_dim3A_1, %parallel_loop3A_607] : memref<64x128xf32, #tpu.memory_space<vmem>>[vector<16xi32>, vector<16xi32>], vector<16xf32>,
          %parallel_loop3A_609 = vector.broadcast %parallel_loop3A_530 : i32 to vector<16xi32>
          %parallel_loop3A_610 = arith.addi %add3A_383, %parallel_loop3A_609 : vector<16xi32>
          tpu.vector_store_idx %arg7[%broadcast_in_dim3A_1, %parallel_loop3A_610], %parallel_loop3A_608 : memref<64x128xf32, #tpu.memory_space<vmem>>[vector<16xi32>, vector<16xi32>], vector<16xf32>,
        } {sc.loop_unroll_factor = 4 : i64, sc.parallel_access}
        %mul3A_493 = arith.constant 32 : i32
        %mul3A_494 = arith.muli %add3A_462, %mul3A_493 : i32
        %add3A_495 = arith.addi %mul3A_494, %add3A : i32
        %lt3A_496 = arith.constant 7812 : i32
        %lt3A_497 = arith.cmpi slt, %add3A_495, %lt3A_496 : i32
        %convert_element_type3A_498 = arith.extui %lt3A_497 : i1 to i32
        %cond3A_499 = arith.constant 0 : i32
        %cond3A_500 = arith.cmpi ne, %convert_element_type3A_498, %cond3A_499 : i32
        scf.if %cond3A_500 {
          %mul3A_516 = arith.constant 64 : i32
          %mul3A_517 = arith.muli %add3A_495, %mul3A_516 : i32
          %dma_start3A = arith.constant 0 : i32
          %dma_start3A_518 = tpu.memref_slice %arg3[%mul3A_517, %dma_start3A] : memref<500000x128xf32, #tpu.memory_space<hbm>> -> memref<64x128xf32, #tpu.memory_space<hbm>>
          %dma_start3A_519 = arith.constant 0 : i32
          %dma_start3A_520 = tpu.memref_slice %arg3[%mul3A_517, %dma_start3A_519] : memref<500000x128xf32, #tpu.memory_space<hbm>> -> memref<64x128xf32, #tpu.memory_space<hbm>>
          tpu.enqueue_dma source(%arg7 : memref<64x128xf32, #tpu.memory_space<vmem>>) target(%dma_start3A_520 : memref<64x128xf32, #tpu.memory_space<hbm>>) target_semaphore(%arg11 : memref<!tpu.dma_semaphore, #tpu.memory_space<semaphore_mem>>)
        } else {
        }
        %eq3A_501 = arith.constant 7812 : i32
        %eq3A_502 = arith.cmpi eq, %add3A_495, %eq3A_501 : i32
        %convert_element_type3A_503 = arith.extui %eq3A_502 : i1 to i32
        %cond3A_504 = arith.constant 0 : i32
        %cond3A_505 = arith.cmpi ne, %convert_element_type3A_503, %cond3A_504 : i32
        scf.if %cond3A_505 {
          %mul3A_516 = arith.constant 64 : i32
          %mul3A_517 = arith.muli %add3A_495, %mul3A_516 : i32
          %dma_start3A = arith.constant 0 : i32
          %dma_start3A_518 = arith.constant 0 : i32
          %dma_start3A_519 = tpu.memref_slice %arg7[%dma_start3A, %dma_start3A_518] : memref<64x128xf32, #tpu.memory_space<vmem>> -> memref<32x128xf32, #tpu.memory_space<vmem>>
          %dma_start3A_520 = arith.constant 0 : i32
          %dma_start3A_521 = tpu.memref_slice %arg3[%mul3A_517, %dma_start3A_520] : memref<500000x128xf32, #tpu.memory_space<hbm>> -> memref<32x128xf32, #tpu.memory_space<hbm>>
          %dma_start3A_522 = arith.constant 0 : i32
          %dma_start3A_523 = tpu.memref_slice %arg3[%mul3A_517, %dma_start3A_522] : memref<500000x128xf32, #tpu.memory_space<hbm>> -> memref<32x128xf32, #tpu.memory_space<hbm>>
          %dma_start3A_524 = arith.constant 0 : i32
          %dma_start3A_525 = arith.constant 0 : i32
          %dma_start3A_526 = tpu.memref_slice %arg7[%dma_start3A_524, %dma_start3A_525] : memref<64x128xf32, #tpu.memory_space<vmem>> -> memref<32x128xf32, #tpu.memory_space<vmem>>
          tpu.enqueue_dma source(%dma_start3A_526 : memref<32x128xf32, #tpu.memory_space<vmem>>) target(%dma_start3A_523 : memref<32x128xf32, #tpu.memory_space<hbm>>) target_semaphore(%arg11 : memref<!tpu.dma_semaphore, #tpu.memory_space<semaphore_mem>>)
        } else {
        }
        %add3A_506 = arith.constant 2 : i32
        %add3A_507 = arith.addi %add3A_462, %add3A_506 : i32
        %mul3A_508 = arith.constant 32 : i32
        %mul3A_509 = arith.muli %add3A_507, %mul3A_508 : i32
        %add3A_510 = arith.addi %mul3A_509, %add3A : i32
        %lt3A_511 = arith.constant 7813 : i32
        %lt3A_512 = arith.cmpi slt, %add3A_510, %lt3A_511 : i32
        %convert_element_type3A_513 = arith.extui %lt3A_512 : i1 to i32
        %cond3A_514 = arith.constant 0 : i32
        %cond3A_515 = arith.cmpi ne, %convert_element_type3A_513, %cond3A_514 : i32
        scf.if %cond3A_515 {
          %add3A_516 = arith.constant 2 : i32
          %add3A_517 = arith.addi %add3A_462, %add3A_516 : i32
          %mul3A_518 = arith.constant 32 : i32
          %mul3A_519 = arith.muli %add3A_517, %mul3A_518 : i32
          %add3A_520 = arith.addi %mul3A_519, %add3A : i32
          %mul3A_521 = arith.constant 128 : i32
          %mul3A_522 = arith.muli %add3A_520, %mul3A_521 : i32
          %dma_start3A = arith.constant 0 : i32
          %dma_start3A_523 = tpu.memref_slice %arg2[%dma_start3A, %mul3A_522] : memref<64x1000000xf32, #tpu.memory_space<hbm>> -> memref<64x128xf32, #tpu.memory_space<hbm>>
          %dma_start3A_524 = arith.constant 0 : i32
          %dma_start3A_525 = tpu.memref_slice %arg2[%dma_start3A_524, %mul3A_522] : memref<64x1000000xf32, #tpu.memory_space<hbm>> -> memref<64x128xf32, #tpu.memory_space<hbm>>
          tpu.enqueue_dma source(%dma_start3A_525 : memref<64x128xf32, #tpu.memory_space<hbm>>) target(%arg5 : memref<64x128xf32, #tpu.memory_space<vmem>>) target_semaphore(%arg9 : memref<!tpu.dma_semaphore, #tpu.memory_space<semaphore_mem>>)
        } else {
        }
      } else {
      }
    }
    %scan3A_398 = arith.constant 123 : i32
    %sub3A = arith.constant 7813 : i32
    %sub3A_399 = arith.subi %sub3A, %add3A : i32
    %add3A_400 = arith.constant 31 : i32
    %add3A_401 = arith.addi %sub3A_399, %add3A_400 : i32
    %div3A = arith.constant 32 : i32
    %div3A_402 = arith.divsi %add3A_401, %div3A : i32
    %sub3A_403 = arith.constant 1 : i32
    %sub3A_404 = arith.subi %div3A_402, %sub3A_403 : i32
    %sub3A_405 = arith.constant 0 : i32
    %sub3A_406 = arith.subi %sub3A_404, %sub3A_405 : i32
    %ge3A = arith.constant 0 : i32
    %ge3A_407 = arith.cmpi sge, %sub3A_406, %ge3A : i32
    %rem3A = arith.constant 2 : i32
    %rem3A_408 = arith.remsi %sub3A_406, %rem3A : i32
    %eq3A = arith.constant 0 : i32
    %eq3A_409 = arith.cmpi eq, %rem3A_408, %eq3A : i32
    %and3A_410 = arith.andi %ge3A_407, %eq3A_409 : i1
    %convert_element_type3A_411 = arith.extui %and3A_410 : i1 to i32
    %cond3A_412 = arith.constant 0 : i32
    %cond3A_413 = arith.cmpi ne, %convert_element_type3A_411, %cond3A_412 : i32
    scf.if %cond3A_413 {
      %mul3A_446 = arith.constant 32 : i32
      %mul3A_447 = arith.muli %sub3A_406, %mul3A_446 : i32
      %add3A_448 = arith.addi %mul3A_447, %add3A : i32
      %lt3A_449 = arith.constant 7812 : i32
      %lt3A_450 = arith.cmpi slt, %add3A_448, %lt3A_449 : i32
      %convert_element_type3A_451 = arith.extui %lt3A_450 : i1 to i32
      %cond3A_452 = arith.constant 0 : i32
      %cond3A_453 = arith.cmpi ne, %convert_element_type3A_451, %cond3A_452 : i32
      scf.if %cond3A_453 {
        %mul3A_459 = arith.constant 64 : i32
        %mul3A_460 = arith.muli %add3A_448, %mul3A_459 : i32
        %dma_wait3A = arith.constant 0 : i32
        %dma_wait3A_461 = tpu.memref_slice %arg3[%mul3A_460, %dma_wait3A] : memref<500000x128xf32, #tpu.memory_space<hbm>> -> memref<64x128xf32, #tpu.memory_space<hbm>>
        %dma_wait3A_462 = arith.constant 0 : i32
        %dma_wait3A_463 = tpu.memref_slice %arg3[%mul3A_460, %dma_wait3A_462] : memref<500000x128xf32, #tpu.memory_space<hbm>> -> memref<64x128xf32, #tpu.memory_space<hbm>>
        tpu.wait_dma2 semaphore(%arg10 : memref<!tpu.dma_semaphore, #tpu.memory_space<semaphore_mem>>) src(%arg6 : memref<64x128xf32, #tpu.memory_space<vmem>>) dst(%dma_wait3A_463 : memref<64x128xf32, #tpu.memory_space<hbm>>)
      } else {
      }
      %eq3A_454 = arith.constant 7812 : i32
      %eq3A_455 = arith.cmpi eq, %add3A_448, %eq3A_454 : i32
      %convert_element_type3A_456 = arith.extui %eq3A_455 : i1 to i32
      %cond3A_457 = arith.constant 0 : i32
      %cond3A_458 = arith.cmpi ne, %convert_element_type3A_456, %cond3A_457 : i32
      scf.if %cond3A_458 {
        %mul3A_459 = arith.constant 64 : i32
        %mul3A_460 = arith.muli %add3A_448, %mul3A_459 : i32
        %dma_wait3A = arith.constant 0 : i32
        %dma_wait3A_461 = arith.constant 0 : i32
        %dma_wait3A_462 = tpu.memref_slice %arg6[%dma_wait3A, %dma_wait3A_461] : memref<64x128xf32, #tpu.memory_space<vmem>> -> memref<32x128xf32, #tpu.memory_space<vmem>>
        %dma_wait3A_463 = arith.constant 0 : i32
        %dma_wait3A_464 = tpu.memref_slice %arg3[%mul3A_460, %dma_wait3A_463] : memref<500000x128xf32, #tpu.memory_space<hbm>> -> memref<32x128xf32, #tpu.memory_space<hbm>>
        %dma_wait3A_465 = arith.constant 0 : i32
        %dma_wait3A_466 = tpu.memref_slice %arg3[%mul3A_460, %dma_wait3A_465] : memref<500000x128xf32, #tpu.memory_space<hbm>> -> memref<32x128xf32, #tpu.memory_space<hbm>>
        %dma_wait3A_467 = arith.constant 0 : i32
        %dma_wait3A_468 = arith.constant 0 : i32
        %dma_wait3A_469 = tpu.memref_slice %arg6[%dma_wait3A_467, %dma_wait3A_468] : memref<64x128xf32, #tpu.memory_space<vmem>> -> memref<32x128xf32, #tpu.memory_space<vmem>>
        tpu.wait_dma2 semaphore(%arg10 : memref<!tpu.dma_semaphore, #tpu.memory_space<semaphore_mem>>) src(%dma_wait3A_469 : memref<32x128xf32, #tpu.memory_space<vmem>>) dst(%dma_wait3A_466 : memref<32x128xf32, #tpu.memory_space<hbm>>)
      } else {
      }
    } else {
    }
    %ge3A_414 = arith.constant 0 : i32
    %ge3A_415 = arith.cmpi sge, %sub3A_406, %ge3A_414 : i32
    %rem3A_416 = arith.constant 2 : i32
    %rem3A_417 = arith.remsi %sub3A_406, %rem3A_416 : i32
    %eq3A_418 = arith.constant 1 : i32
    %eq3A_419 = arith.cmpi eq, %rem3A_417, %eq3A_418 : i32
    %and3A_420 = arith.andi %ge3A_415, %eq3A_419 : i1
    %convert_element_type3A_421 = arith.extui %and3A_420 : i1 to i32
    %cond3A_422 = arith.constant 0 : i32
    %cond3A_423 = arith.cmpi ne, %convert_element_type3A_421, %cond3A_422 : i32
    scf.if %cond3A_423 {
      %mul3A_446 = arith.constant 32 : i32
      %mul3A_447 = arith.muli %sub3A_406, %mul3A_446 : i32
      %add3A_448 = arith.addi %mul3A_447, %add3A : i32
      %lt3A_449 = arith.constant 7812 : i32
      %lt3A_450 = arith.cmpi slt, %add3A_448, %lt3A_449 : i32
      %convert_element_type3A_451 = arith.extui %lt3A_450 : i1 to i32
      %cond3A_452 = arith.constant 0 : i32
      %cond3A_453 = arith.cmpi ne, %convert_element_type3A_451, %cond3A_452 : i32
      scf.if %cond3A_453 {
        %mul3A_459 = arith.constant 64 : i32
        %mul3A_460 = arith.muli %add3A_448, %mul3A_459 : i32
        %dma_wait3A = arith.constant 0 : i32
        %dma_wait3A_461 = tpu.memref_slice %arg3[%mul3A_460, %dma_wait3A] : memref<500000x128xf32, #tpu.memory_space<hbm>> -> memref<64x128xf32, #tpu.memory_space<hbm>>
        %dma_wait3A_462 = arith.constant 0 : i32
        %dma_wait3A_463 = tpu.memref_slice %arg3[%mul3A_460, %dma_wait3A_462] : memref<500000x128xf32, #tpu.memory_space<hbm>> -> memref<64x128xf32, #tpu.memory_space<hbm>>
        tpu.wait_dma2 semaphore(%arg11 : memref<!tpu.dma_semaphore, #tpu.memory_space<semaphore_mem>>) src(%arg7 : memref<64x128xf32, #tpu.memory_space<vmem>>) dst(%dma_wait3A_463 : memref<64x128xf32, #tpu.memory_space<hbm>>)
      } else {
      }
      %eq3A_454 = arith.constant 7812 : i32
      %eq3A_455 = arith.cmpi eq, %add3A_448, %eq3A_454 : i32
      %convert_element_type3A_456 = arith.extui %eq3A_455 : i1 to i32
      %cond3A_457 = arith.constant 0 : i32
      %cond3A_458 = arith.cmpi ne, %convert_element_type3A_456, %cond3A_457 : i32
      scf.if %cond3A_458 {
        %mul3A_459 = arith.constant 64 : i32
        %mul3A_460 = arith.muli %add3A_448, %mul3A_459 : i32
        %dma_wait3A = arith.constant 0 : i32
        %dma_wait3A_461 = arith.constant 0 : i32
        %dma_wait3A_462 = tpu.memref_slice %arg7[%dma_wait3A, %dma_wait3A_461] : memref<64x128xf32, #tpu.memory_space<vmem>> -> memref<32x128xf32, #tpu.memory_space<vmem>>
        %dma_wait3A_463 = arith.constant 0 : i32
        %dma_wait3A_464 = tpu.memref_slice %arg3[%mul3A_460, %dma_wait3A_463] : memref<500000x128xf32, #tpu.memory_space<hbm>> -> memref<32x128xf32, #tpu.memory_space<hbm>>
        %dma_wait3A_465 = arith.constant 0 : i32
        %dma_wait3A_466 = tpu.memref_slice %arg3[%mul3A_460, %dma_wait3A_465] : memref<500000x128xf32, #tpu.memory_space<hbm>> -> memref<32x128xf32, #tpu.memory_space<hbm>>
        %dma_wait3A_467 = arith.constant 0 : i32
        %dma_wait3A_468 = arith.constant 0 : i32
        %dma_wait3A_469 = tpu.memref_slice %arg7[%dma_wait3A_467, %dma_wait3A_468] : memref<64x128xf32, #tpu.memory_space<vmem>> -> memref<32x128xf32, #tpu.memory_space<vmem>>
        tpu.wait_dma2 semaphore(%arg11 : memref<!tpu.dma_semaphore, #tpu.memory_space<semaphore_mem>>) src(%dma_wait3A_469 : memref<32x128xf32, #tpu.memory_space<vmem>>) dst(%dma_wait3A_466 : memref<32x128xf32, #tpu.memory_space<hbm>>)
      } else {
      }
    } else {
    }
    %sub3A_424 = arith.constant 1 : i32
    %sub3A_425 = arith.subi %sub3A_404, %sub3A_424 : i32
    %ge3A_426 = arith.constant 0 : i32
    %ge3A_427 = arith.cmpi sge, %sub3A_425, %ge3A_426 : i32
    %rem3A_428 = arith.constant 2 : i32
    %rem3A_429 = arith.remsi %sub3A_425, %rem3A_428 : i32
    %eq3A_430 = arith.constant 0 : i32
    %eq3A_431 = arith.cmpi eq, %rem3A_429, %eq3A_430 : i32
    %and3A_432 = arith.andi %ge3A_427, %eq3A_431 : i1
    %convert_element_type3A_433 = arith.extui %and3A_432 : i1 to i32
    %cond3A_434 = arith.constant 0 : i32
    %cond3A_435 = arith.cmpi ne, %convert_element_type3A_433, %cond3A_434 : i32
    scf.if %cond3A_435 {
      %mul3A_446 = arith.constant 32 : i32
      %mul3A_447 = arith.muli %sub3A_425, %mul3A_446 : i32
      %add3A_448 = arith.addi %mul3A_447, %add3A : i32
      %lt3A_449 = arith.constant 7812 : i32
      %lt3A_450 = arith.cmpi slt, %add3A_448, %lt3A_449 : i32
      %convert_element_type3A_451 = arith.extui %lt3A_450 : i1 to i32
      %cond3A_452 = arith.constant 0 : i32
      %cond3A_453 = arith.cmpi ne, %convert_element_type3A_451, %cond3A_452 : i32
      scf.if %cond3A_453 {
        %mul3A_459 = arith.constant 64 : i32
        %mul3A_460 = arith.muli %add3A_448, %mul3A_459 : i32
        %dma_wait3A = arith.constant 0 : i32
        %dma_wait3A_461 = tpu.memref_slice %arg3[%mul3A_460, %dma_wait3A] : memref<500000x128xf32, #tpu.memory_space<hbm>> -> memref<64x128xf32, #tpu.memory_space<hbm>>
        %dma_wait3A_462 = arith.constant 0 : i32
        %dma_wait3A_463 = tpu.memref_slice %arg3[%mul3A_460, %dma_wait3A_462] : memref<500000x128xf32, #tpu.memory_space<hbm>> -> memref<64x128xf32, #tpu.memory_space<hbm>>
        tpu.wait_dma2 semaphore(%arg10 : memref<!tpu.dma_semaphore, #tpu.memory_space<semaphore_mem>>) src(%arg6 : memref<64x128xf32, #tpu.memory_space<vmem>>) dst(%dma_wait3A_463 : memref<64x128xf32, #tpu.memory_space<hbm>>)
      } else {
      }
      %eq3A_454 = arith.constant 7812 : i32
      %eq3A_455 = arith.cmpi eq, %add3A_448, %eq3A_454 : i32
      %convert_element_type3A_456 = arith.extui %eq3A_455 : i1 to i32
      %cond3A_457 = arith.constant 0 : i32
      %cond3A_458 = arith.cmpi ne, %convert_element_type3A_456, %cond3A_457 : i32
      scf.if %cond3A_458 {
        %mul3A_459 = arith.constant 64 : i32
        %mul3A_460 = arith.muli %add3A_448, %mul3A_459 : i32
        %dma_wait3A = arith.constant 0 : i32
        %dma_wait3A_461 = arith.constant 0 : i32
        %dma_wait3A_462 = tpu.memref_slice %arg6[%dma_wait3A, %dma_wait3A_461] : memref<64x128xf32, #tpu.memory_space<vmem>> -> memref<32x128xf32, #tpu.memory_space<vmem>>
        %dma_wait3A_463 = arith.constant 0 : i32
        %dma_wait3A_464 = tpu.memref_slice %arg3[%mul3A_460, %dma_wait3A_463] : memref<500000x128xf32, #tpu.memory_space<hbm>> -> memref<32x128xf32, #tpu.memory_space<hbm>>
        %dma_wait3A_465 = arith.constant 0 : i32
        %dma_wait3A_466 = tpu.memref_slice %arg3[%mul3A_460, %dma_wait3A_465] : memref<500000x128xf32, #tpu.memory_space<hbm>> -> memref<32x128xf32, #tpu.memory_space<hbm>>
        %dma_wait3A_467 = arith.constant 0 : i32
        %dma_wait3A_468 = arith.constant 0 : i32
        %dma_wait3A_469 = tpu.memref_slice %arg6[%dma_wait3A_467, %dma_wait3A_468] : memref<64x128xf32, #tpu.memory_space<vmem>> -> memref<32x128xf32, #tpu.memory_space<vmem>>
        tpu.wait_dma2 semaphore(%arg10 : memref<!tpu.dma_semaphore, #tpu.memory_space<semaphore_mem>>) src(%dma_wait3A_469 : memref<32x128xf32, #tpu.memory_space<vmem>>) dst(%dma_wait3A_466 : memref<32x128xf32, #tpu.memory_space<hbm>>)
      } else {
      }
    } else {
    }
    %ge3A_436 = arith.constant 0 : i32
    %ge3A_437 = arith.cmpi sge, %sub3A_425, %ge3A_436 : i32
    %rem3A_438 = arith.constant 2 : i32
    %rem3A_439 = arith.remsi %sub3A_425, %rem3A_438 : i32
    %eq3A_440 = arith.constant 1 : i32
    %eq3A_441 = arith.cmpi eq, %rem3A_439, %eq3A_440 : i32
    %and3A_442 = arith.andi %ge3A_437, %eq3A_441 : i1
    %convert_element_type3A_443 = arith.extui %and3A_442 : i1 to i32
    %cond3A_444 = arith.constant 0 : i32
    %cond3A_445 = arith.cmpi ne, %convert_element_type3A_443, %cond3A_444 : i32
    scf.if %cond3A_445 {
      %mul3A_446 = arith.constant 32 : i32
      %mul3A_447 = arith.muli %sub3A_425, %mul3A_446 : i32
      %add3A_448 = arith.addi %mul3A_447, %add3A : i32
      %lt3A_449 = arith.constant 7812 : i32
      %lt3A_450 = arith.cmpi slt, %add3A_448, %lt3A_449 : i32
      %convert_element_type3A_451 = arith.extui %lt3A_450 : i1 to i32
      %cond3A_452 = arith.constant 0 : i32
      %cond3A_453 = arith.cmpi ne, %convert_element_type3A_451, %cond3A_452 : i32
      scf.if %cond3A_453 {
        %mul3A_459 = arith.constant 64 : i32
        %mul3A_460 = arith.muli %add3A_448, %mul3A_459 : i32
        %dma_wait3A = arith.constant 0 : i32
        %dma_wait3A_461 = tpu.memref_slice %arg3[%mul3A_460, %dma_wait3A] : memref<500000x128xf32, #tpu.memory_space<hbm>> -> memref<64x128xf32, #tpu.memory_space<hbm>>
        %dma_wait3A_462 = arith.constant 0 : i32
        %dma_wait3A_463 = tpu.memref_slice %arg3[%mul3A_460, %dma_wait3A_462] : memref<500000x128xf32, #tpu.memory_space<hbm>> -> memref<64x128xf32, #tpu.memory_space<hbm>>
        tpu.wait_dma2 semaphore(%arg11 : memref<!tpu.dma_semaphore, #tpu.memory_space<semaphore_mem>>) src(%arg7 : memref<64x128xf32, #tpu.memory_space<vmem>>) dst(%dma_wait3A_463 : memref<64x128xf32, #tpu.memory_space<hbm>>)
      } else {
      }
      %eq3A_454 = arith.constant 7812 : i32
      %eq3A_455 = arith.cmpi eq, %add3A_448, %eq3A_454 : i32
      %convert_element_type3A_456 = arith.extui %eq3A_455 : i1 to i32
      %cond3A_457 = arith.constant 0 : i32
      %cond3A_458 = arith.cmpi ne, %convert_element_type3A_456, %cond3A_457 : i32
      scf.if %cond3A_458 {
        %mul3A_459 = arith.constant 64 : i32
        %mul3A_460 = arith.muli %add3A_448, %mul3A_459 : i32
        %dma_wait3A = arith.constant 0 : i32
        %dma_wait3A_461 = arith.constant 0 : i32
        %dma_wait3A_462 = tpu.memref_slice %arg7[%dma_wait3A, %dma_wait3A_461] : memref<64x128xf32, #tpu.memory_space<vmem>> -> memref<32x128xf32, #tpu.memory_space<vmem>>
        %dma_wait3A_463 = arith.constant 0 : i32
        %dma_wait3A_464 = tpu.memref_slice %arg3[%mul3A_460, %dma_wait3A_463] : memref<500000x128xf32, #tpu.memory_space<hbm>> -> memref<32x128xf32, #tpu.memory_space<hbm>>
        %dma_wait3A_465 = arith.constant 0 : i32
        %dma_wait3A_466 = tpu.memref_slice %arg3[%mul3A_460, %dma_wait3A_465] : memref<500000x128xf32, #tpu.memory_space<hbm>> -> memref<32x128xf32, #tpu.memory_space<hbm>>
        %dma_wait3A_467 = arith.constant 0 : i32
        %dma_wait3A_468 = arith.constant 0 : i32
        %dma_wait3A_469 = tpu.memref_slice %arg7[%dma_wait3A_467, %dma_wait3A_468] : memref<64x128xf32, #tpu.memory_space<vmem>> -> memref<32x128xf32, #tpu.memory_space<vmem>>
        tpu.wait_dma2 semaphore(%arg11 : memref<!tpu.dma_semaphore, #tpu.memory_space<semaphore_mem>>) src(%dma_wait3A_469 : memref<32x128xf32, #tpu.memory_space<vmem>>) dst(%dma_wait3A_466 : memref<32x128xf32, #tpu.memory_space<hbm>>)
      } else {
      }
    } else {
    }
    return
  }
}

</mosaic_0001>

<sc_bundles>
// kernel: _detile.3.cloned.1.call-start
scs
__scs_entry_jumppad:
0x0: {  	(pc) =	sbr.rel $0x88, $3  }
0x1: {  	(tag) =	ssettag $0x0;
	lr =	simm.s32 $0x1  }
0x2: {  	[smem:$0x3FA0] =	sst lr;
	_ =	strace $0xD0000000  }
0x3: {  	_ = 	snop  }
0x4: {  	_ = 	snop  }
0x5: {  	_ = 	snop  }
0x6: {  	_ = 	snop  }
0x7: {  	_ = 	snop  }
__scs_overlays_trampoline_lowered:
0x8: {  	[smem:$0x3FAF] =	sst s0  }
0x9: {  	[smem:$0x3FB0] =	sst s1  }
0xa: {  	[smem:$0x3FB1] =	sst s2  }
0xb: {  	[smem:$0x3FB2] =	sst s3  }
0xc: {  	[smem:$0x3FB3] =	sst s4  }
0xd: {  	[smem:$0x3FB4] =	sst s5  }
0xe: {  	[smem:$0x3FB5] =	sst s6  }
0xf: {  	[smem:$0x3FB6] =	sst s7  }
0x10: {  	[smem:$0x3FB7] =	sst s8  }
0x11: {  	[smem:$0x3FB8] =	sst s9;
	s0 =	simm.s32 @!p0 $0x0  }
0x12: {  	s1 =	sld [smem:$0x3F9E];
	s0 =	simm.s32 @p0 $0x1  }
0x13: {  	[smem:$0x3FB9] =	sst s0;
	s0 =	simm.s32 @!p1 $0x0  }
0x14: {  	s2 =	sld [smem:$0x3F9D];
	s0 =	simm.s32 @p1 $0x1  }
0x15: {  	[smem:$0x3FBA] =	sst s0;
	s0 =	simm.s32 @!p2 $0x0  }
0x16: {  	s3 =	sld [smem:$0x3FDB];
	s0 =	simm.s32 @p2 $0x1  }
0x17: {  	s4 =	simm.s32 $0x1BF5;
	[smem:$0x3FBC] =	sst s0  }
0x18: {  	s0 =	sld [smem:$0x3F9F];
	_ =	swait.ge [sflag:s4], $0x0  }
0x19: {  	s7 =	sld [smem:$0x3FA0]  }
0x1a: {  	s8 =	sadd.s32 $0xFFFFE003, lr  }
0x1b: {  	s9 =	sadd.s32 $0xFFFFFEF7, lr;
	s5 =	simm.s32 $0xFFFFFFFF;
	p2 =	slt.u32 s8, $0xFFFFF086  }
0x1c: {  	p1 =	slt.u32 s9, $0xF7A;
	s5 =	simm.s32 @!p2 $0x0  }
0x1d: {  	s5 =	simm.s32 @p1 $0x1;
	p0 =	seq.s32 s7, s2  }
0x1e: {  	s7 =	smul.u32 @!p0 $0xF7A, s2;
	p2 =	seq.s32 @!p0 s5, $0x0  }
0x1f: {  	s9 =	smul.u32 $0xF7A, s1;
	s8 =	simm.s32 @!p0 $0x1BF5;
	p2 =	por !p2, p0  }
0x20: {  	[sflag:s8] =	ssyncset.s32 @!p0 $0xFFFFF086;
	s6 =	sadd.s32 @!p0 s3, s7;
	s7 =	simm.s32 @!p0 $0x108  }
0x21: {  	s3 =	sadd.s32 s3, s9;
	s6 =	sadd.s32 @!p0 $0x88, s6;
	s7 =	simm.s32 @p2 $0x1082  }
0x22: {  	[simem:s7], [sflag:s8] =	dma.local @!p0 [hbm:s6], $0xF7A  }
0x23: {  	s9 =	sor.u32 $0xD0000000, s2;
	s6 =	simm.s32 $0x108;
	_ =	swait.ge @!p0 [sflag:s8], $0x0  }
0x24: {  	s3 =	sadd.s32 $0x88, s3;
	s6 =	simm.s32 @!p1 $0x1082;
	[sflag:s4] =	ssyncset.s32 $0xFFFFF086  }
0x25: {  	[simem:s6], [sflag:s4] =	dma.local [hbm:s3], $0xF7A  }
0x26: {  	[smem:$0x3FA0] =	sst s1;
	(tag) =	ssettag s2;
	_ =	strace s9  }
0x27: {  	s1 =	sld [smem:$0x3FB0]  }
0x28: {  	s2 =	sld [smem:$0x3FB1]  }
0x29: {  	s4 =	sld [smem:$0x3FB3]  }
0x2a: {  	p0 =	seq.s32 s5, $0x0;
	s5 =	sld [smem:$0x3FB4]  }
0x2b: {  	s6 =	sld [smem:$0x3FB5]  }
0x2c: {  	s7 =	sld [smem:$0x3FB6]  }
0x2d: {  	s3 =	simm.s32 $0x108;
	s8 =	sld [smem:$0x3FB7]  }
0x2e: {  	s3 =	simm.s32 @!p0 $0x1082;
	s9 =	sld [smem:$0x3FB8]  }
0x2f: {  	lr =	sadd.s32 s0, s3;
	s0 =	sld [smem:$0x3FAF]  }
0x30: {  	s3 =	sld [smem:$0x3FB2]  }
0x31: {  	[smem:$0x3FBB] =	sst s10  }
0x32: {  	s10 =	sld [smem:$0x3FB9];
	_ =	sdelay $0x3  }
0x33: {  	p0 =	seq.s32 s10, $0x1;
	s10 =	sld [smem:$0x3FBB];
	_ =	sdelay $0x3  }
0x34: {  	[smem:$0x3FBB] =	sst s10  }
0x35: {  	s10 =	sld [smem:$0x3FBA];
	_ =	sdelay $0x3  }
0x36: {  	p1 =	seq.s32 s10, $0x1;
	s10 =	sld [smem:$0x3FBB];
	_ =	sdelay $0x3  }
0x37: {  	[smem:$0x3FBB] =	sst s10  }
0x38: {  	s10 =	sld [smem:$0x3FBC]  }
0x39: {  	_ = 	snop;
	(pc) =	sbr.ind lr, $3  }
0x3a: {  	_ = 	snop  }
0x3b: {  	_ = 	snop  }
0x3c: {  	p2 =	seq.s32 s10, $0x1;
	s10 =	sld [smem:$0x3FBB]  }
0x3d: {  	_ =	shalt  }
0x3e: {  	_ =	shalt  }
0x3f: {  	_ =	shalt  }
0x40: {  	_ =	shalt  }
0x41: {  	_ =	shalt  }
0x42: {  	_ =	shalt  }
0x43: {  	_ =	shalt  }
0x44: {  	_ =	shalt  }
0x45: {  	_ =	shalt  }
0x46: {  	_ =	shalt  }
0x47: {  	_ =	shalt  }
0x48: {  	_ =	shalt  }
0x49: {  	_ =	shalt  }
0x4a: {  	_ =	shalt  }
0x4b: {  	_ =	shalt  }
0x4c: {  	_ =	shalt  }
0x4d: {  	_ =	shalt  }
0x4e: {  	_ =	shalt  }
0x4f: {  	_ =	shalt  }
0x50: {  	_ =	shalt  }
0x51: {  	_ =	shalt  }
0x52: {  	_ =	shalt  }
0x53: {  	_ =	shalt  }
0x54: {  	_ =	shalt  }
0x55: {  	_ =	shalt  }
0x56: {  	_ =	shalt  }
0x57: {  	_ =	shalt  }
0x58: {  	_ =	shalt  }
0x59: {  	_ =	shalt  }
0x5a: {  	_ =	shalt  }
0x5b: {  	_ =	shalt  }
0x5c: {  	_ =	shalt  }
0x5d: {  	_ =	shalt  }
0x5e: {  	_ =	shalt  }
0x5f: {  	_ =	shalt  }
0x60: {  	_ =	shalt  }
0x61: {  	_ =	shalt  }
0x62: {  	_ =	shalt  }
0x63: {  	_ =	shalt  }
0x64: {  	_ =	shalt  }
0x65: {  	_ =	shalt  }
0x66: {  	_ =	shalt  }
0x67: {  	_ =	shalt  }
0x68: {  	_ =	shalt  }
0x69: {  	_ =	shalt  }
0x6a: {  	_ =	shalt  }
0x6b: {  	_ =	shalt  }
0x6c: {  	_ =	shalt  }
0x6d: {  	_ =	shalt  }
0x6e: {  	_ =	shalt  }
0x6f: {  	_ =	shalt  }
0x70: {  	_ =	shalt  }
0x71: {  	_ =	shalt  }
0x72: {  	_ =	shalt  }
0x73: {  	_ =	shalt  }
0x74: {  	_ =	shalt  }
0x75: {  	_ =	shalt  }
0x76: {  	_ =	shalt  }
0x77: {  	_ =	shalt  }
0x78: {  	_ =	shalt  }
0x79: {  	_ =	shalt  }
0x7a: {  	_ =	shalt  }
0x7b: {  	_ =	shalt  }
0x7c: {  	_ =	shalt  }
0x7d: {  	_ =	shalt  }
0x7e: {  	_ =	shalt  }
0x7f: {  	_ =	shalt  }
0x80: {  	_ =	shalt  }
0x81: {  	_ =	shalt  }
0x82: {  	_ =	shalt  }
0x83: {  	_ =	shalt  }
0x84: {  	_ =	shalt  }
0x85: {  	_ =	shalt  }
0x86: {  	_ =	shalt  }
0x87: {  	_ =	shalt  }
.Lfunc_end0:
.L_simem_size_0:
called_computation_lowered:
.L_overlay_start_0:
0x88: {  	s2 =	sld [smem:$0x3FD9]  }
0x89: {  	s3 =	sld [smem:$0x3FFE];
	_ =	sdelay $0x1  }
0x8a: {  	s1 =	srdreg.scid  }
0x8b: {  	s0 =	sand.u32 $0x1, s1  }
0x8c: {  	s18 =	sshll.u32 s0, $0xA;
	s2 =	sadd.s32 s3, s2  }
0x8d: {  	s2 =	sadd.s32 s2, s18  }
0x8e: {  	[smem:$0x3FC7] =	sst s2  }
0x8f: {  	_ = 	snop  }
0x90: {  	s2 =	sld [smem:$0x3FC9]  }
0x91: {  	s19 =	sld [smem:$0x3FD0];
	(tm) =	ssettm $0x1  }
0x92: {  	s4 =	sld [smem:$0x3FFB];
	_ =	sdelay $0x3  }
0x93: {  	_ =	strace s4  }
0x94: {  	s4 =	sld [smem:$0x3FFC];
	_ =	sdelay $0x3  }
0x95: {  	_ =	strace s4  }
0x96: {  	s4 =	sld [smem:$0x3FFD];
	_ =	sdelay $0x3  }
0x97: {  	_ =	strace s4  }
0x98: {  	_ =	strace $0x8FFFFFFF  }
0x99: {  	s20 =	sld [smem:$0x3FDB];
	_ =	sdelay $0x1  }
0x9a: {  	s5 =	simm.s32 $_scs_section_size  }
0x9b: {  	s6 =	simm.s32 $_size__tile_overlayer_lowered;
	s7 =	simm.s32 $_tile_overlayer_lowered  }
0x9c: {  	s23 =	simm.s32 $0x1BFF;
	s22 =	sshll.u32 s7, $0x1;
	s4 =	sadd.s32 s5, s20  }
0x9d: {  	s8 =	simm.s32 $0x0;
	s21 =	sshll.u32 s6, $0x1;
	s6 =	sadd.s32 s22, s4  }
0x9e: {  	[timem:s8], [sflag:s23] =	dma.local [hbm:s6], s21  }
0x9f: {  	_ =	swait.ge [sflag:s23], s21  }
0xa0: {  	s5 =	ssub.s32 $0x0, s21;
	[sflag:s23] =	ssyncset.done $0x0  }
0xa1: {  	[sflag:s23] =	ssyncadd.s32 s5;
	_ =	sdelay $0x1  }
0xa2: {  	s24 =	simm.s32 $0x1B8B  }
0xa3: {  	_ =	swait.ge [sflag:s24], $0x1  }
0xa4: {  	[sflag:s24] =	ssyncset.done $0x0  }
0xa5: {  	s25 =	simm.s32 $0x1B8E;
	[sflag:s24] =	ssyncadd.s32 $0xFFFFFFFF  }
0xa6: {  	s26 =	simm.s32 $execute0_lowered;
	[smem:$0x3FD2] =	sst s25  }
0xa7: {  	s5 =	sshll.u32 s26, $0x1;
	_ =	strace $0x80000046;
	[dreg:$0x1] =	wrdreg $0xFFFFFFFF  }
0xa8: {  	s28 =	simm.s32 $_size_execute0_lowered;
	s4 =	sadd.s32 s4, s5;
	[dreg:$0x0] =	wrdreg $0x0  }
0xa9: {  	s5 =	sshll.u32 s28, $0x1;
	[dreg:$0x2] =	wrdreg s4  }
0xaa: {  	[dreg:$0x3] =	wrdreg s5  }
0xab: {  	[dreg:$0x4] =	wrdreg $0xC0  }
0xac: {  	_ =	task [dreg:s8], $0x5FFFF  }
0xad: {  	[dreg:$0x1] =	wrdreg $0xFFFFFFFF  }
0xae: {  	[dreg:$0x0] =	wrdreg $0x60  }
0xaf: {  	[dreg:$0x2] =	wrdreg s2  }
0xb0: {  	[dreg:$0x3] =	wrdreg s19  }
0xb1: {  	[dreg:$0x4] =	wrdreg $0x9  }
0xb2: {  	_ =	task.clear_ibuf [dreg:s8], $0x5FFFF;
	_ =	strace $0x90000046  }
0xb3: {  	s29 =	simm.s32 $0x9;
	_ =	strace $0x80000048  }
0xb4: {  	_ =	swait.ge [sflag:s29], $0x1  }
0xb5: {  	[sflag:s29] =	ssyncadd.s32 $0xFFFFFFFF  }
0xb6: {  	_ =	strace $0x90000048  }
0xb7: {  	_ =	sfence  }
0xb8: {  	s30 =	sld [smem:$0x0];
	_ =	sdelay $0x2  }
0xb9: {  	s31 =	sshll.u32 s1, $0xD;
	s1 =	sshrl.u32 s1, $0x2  }
0xba: {  	s3 =	sand.u32 $0x4000, s31;
	s1 =	sadd.s32 s1, s30  }
0xbb: {  	s0 =	sor.u32 s3, s0;
	s1 =	sshll.u32 s1, $0x11  }
0xbc: {  	s0 =	sor.u32 s1, s0  }
0xbd: {  	s0 =	sadd.s32 $0x8F2B, s0  }
0xbe: {  	[sflag:s0] =	ssyncadd.remote.s32 $0x1  }
0xbf: {  	_ =	sfence.sel $0xFFFF  }
0xc0: {  	[dreg:$0x0] =	wrdreg $0xFFFFFFFF;
	(pc) =	sbr.abs _section_cstart, $3  }
0xc1: {  	[dreg:$0x1] =	wrdreg $0xFFFFFFFF  }
0xc2: {  	_ =	task.clear_ibuf [dreg:s8], $0x2FFFF;
	_ =	strace $0x9FFFFFFF  }
0xc3: {  	(tm) =	ssettm $0x7FFFFFFF  }
tec
execute0_lowered:
.L_overlay_start_1:
0x0: {  	(tag) =	ssettag $0x1  }
0x1: {  	v0 =	vimm.s32 $0xF  }
0x2: {  	vm14 =	vcmask $0x300;
	vm13 =	vcmask $0x704;
	vm12 =	vcmask $0xB08  }
0x3: {  	vm11 =	vcmask $0xF0C;
	vm10 =	vcmask $0x1310;
	v1 =	vlaneseq.u32  }
0x4: {  	vm9 =	vcmask $0x1714;
	vm8 =	vcmask $0x1B18;
	vm7 =	vcmask $0x1F1C  }
0x5: {  	v3 =	vimm.s32 $0xC4834201;
	vm6 =	vcmask $0x2320;
	vm3 =	vcmask $0x2724  }
0x6: {  	vm15 =	vcmask $0xF00;
	vm0 =	vcmask $0x2B28;
	v4 =	vimm.s32 $0x8F  }
0x7: {  	vm1 =	vcmask $0x2F2C;
	vm2 =	vcmask $0x3330;
	vm4 =	vcmask $0x3734  }
0x8: {  	vm5 =	vcmask $0x3B38;
	v5 =	vimm.s32 $0xC5844302;
	v6 =	vimm.s32 $0x10F  }
0x9: {  	v7 =	vimm.s32 $0xC6854403;
	v8 =	vimm.s32 $0x18F;
	v9 =	vimm.s32 $0xC7864504  }
0xa: {  	v10 =	vimm.s32 $0x20F;
	v11 =	vimm.s32 $0xC8874605;
	v12 =	vimm.s32 $0x28F  }
0xb: {  	v13 =	vimm.s32 $0xC9884706;
	v14 =	vimm.s32 $0x30F;
	v15 =	vimm.s32 $0xCA894807  }
0xc: {  	v16 =	vimm.s32 $0x38F;
	v17 =	vimm.s32 $0xCB8A4908;
	v18 =	vimm.s32 $0x40F  }
0xd: {  	v19 =	vimm.s32 $0xCC8B4A09;
	v20 =	vimm.s32 $0x48F;
	v21 =	vimm.s32 $0xCD8C4B0A  }
0xe: {  	v22 =	vimm.s32 $0x50F;
	v23 =	vimm.s32 $0xCE8D4C0B;
	v24 =	vimm.s32 $0x58F  }
0xf: {  	v25 =	vimm.s32 $0xCF8E4D0C;
	v26 =	vimm.s32 $0x60F;
	v27 =	vimm.s32 $0xC08F4E0D  }
0x10: {  	v28 =	vimm.s32 $0x68F;
	v29 =	vimm.s32 $0x70F;
	v30 =	vimm.s32 $0xC1804F0E  }
0x11: {  	v31 =	vimm.s32 $0xC281400F;
	v0 =	vsel vm14, $0x80, v0;
	v60 =	vmul.u32 $0x81, v1  }
0x12: {  	v3 =	vunpack.c.0.s8.s32 v3;
	v52 =	vmul.u32 $0x41, v1;
	v4 =	vsel vm14, $0x100, v4  }
0x13: {  	v5 =	vunpack.c.0.s8.s32 v5;
	v6 =	vsel vm14, $0x180, v6;
	v7 =	vunpack.c.0.s8.s32 v7  }
0x14: {  	v8 =	vsel vm14, $0x200, v8;
	v9 =	vunpack.c.0.s8.s32 v9;
	v10 =	vsel vm14, $0x280, v10  }
0x15: {  	v11 =	vunpack.c.0.s8.s32 v11;
	v12 =	vsel vm14, $0x300, v12;
	v13 =	vunpack.c.0.s8.s32 v13  }
0x16: {  	v14 =	vsel vm14, $0x380, v14;
	v15 =	vunpack.c.0.s8.s32 v15;
	v16 =	vsel vm14, $0x400, v16  }
0x17: {  	v17 =	vunpack.c.0.s8.s32 v17;
	v18 =	vsel vm14, $0x480, v18;
	v19 =	vunpack.c.0.s8.s32 v19  }
0x18: {  	v20 =	vsel vm14, $0x500, v20;
	v21 =	vunpack.c.0.s8.s32 v21;
	v22 =	vsel vm14, $0x580, v22  }
0x19: {  	v23 =	vunpack.c.0.s8.s32 v23;
	v24 =	vsel vm14, $0x600, v24;
	v25 =	vunpack.c.0.s8.s32 v25  }
0x1a: {  	v26 =	vsel vm14, $0x680, v26;
	v27 =	vunpack.c.0.s8.s32 v27;
	v28 =	vsel vm14, $0x700, v28  }
0x1b: {  	v29 =	vsel vm14, $0x780, v29;
	v30 =	vunpack.c.0.s8.s32 v30;
	v31 =	vunpack.c.0.s8.s32 v31  }
0x1c: {  	v0 =	vsel vm13, $0x101, v0;
	v4 =	vsel vm13, $0x181, v4;
	v6 =	vsel vm13, $0x201, v6  }
0x1d: {  	v8 =	vsel vm13, $0x281, v8;
	v10 =	vsel vm13, $0x301, v10;
	v12 =	vsel vm13, $0x381, v12  }
0x1e: {  	v14 =	vsel vm13, $0x401, v14;
	v16 =	vsel vm13, $0x481, v16;
	v18 =	vsel vm13, $0x501, v18  }
0x1f: {  	v20 =	vsel vm13, $0x581, v20;
	v22 =	vsel vm13, $0x601, v22;
	v24 =	vsel vm13, $0x681, v24  }
0x20: {  	v26 =	vsel vm13, $0x701, v26;
	v28 =	vsel vm13, $0x781, v28;
	v29 =	vsel vm13, $0x1, v29  }
0x21: {  	v0 =	vsel vm12, $0x182, v0;
	v3 =	vand.u32 $0xFF, v3;
	v4 =	vsel vm12, $0x202, v4  }
0x22: {  	v5 =	vand.u32 $0xFF, v5;
	v6 =	vsel vm12, $0x282, v6;
	v7 =	vand.u32 $0xFF, v7  }
0x23: {  	v8 =	vsel vm12, $0x302, v8;
	v9 =	vand.u32 $0xFF, v9;
	v10 =	vsel vm12, $0x382, v10  }
0x24: {  	v11 =	vand.u32 $0xFF, v11;
	v12 =	vsel vm12, $0x402, v12;
	v13 =	vand.u32 $0xFF, v13  }
0x25: {  	v14 =	vsel vm12, $0x482, v14;
	v15 =	vand.u32 $0xFF, v15;
	v16 =	vsel vm12, $0x502, v16  }
0x26: {  	v17 =	vand.u32 $0xFF, v17;
	v18 =	vsel vm12, $0x582, v18;
	v19 =	vand.u32 $0xFF, v19  }
0x27: {  	v20 =	vsel vm12, $0x602, v20;
	v21 =	vand.u32 $0xFF, v21;
	v22 =	vsel vm12, $0x682, v22  }
0x28: {  	v23 =	vand.u32 $0xFF, v23;
	v24 =	vsel vm12, $0x702, v24;
	v25 =	vand.u32 $0xFF, v25  }
0x29: {  	v26 =	vsel vm12, $0x782, v26;
	v27 =	vand.u32 $0xFF, v27;
	v28 =	vsel vm12, $0x2, v28  }
0x2a: {  	v30 =	vand.u32 $0xFF, v30;
	v29 =	vsel vm12, $0x82, v29;
	v31 =	vand.u32 $0xFF, v31  }
0x2b: {  	v0 =	vsel vm11, $0x203, v0;
	v3 =	vnsel vm15, $0x3C0, v3;
	v4 =	vsel vm11, $0x283, v4  }
0x2c: {  	v5 =	vnsel vm15, $0x3C1, v5;
	v6 =	vsel vm11, $0x303, v6;
	v7 =	vnsel vm15, $0x3C2, v7  }
0x2d: {  	v8 =	vsel vm11, $0x383, v8;
	v9 =	vnsel vm15, $0x3C3, v9;
	v10 =	vsel vm11, $0x403, v10  }
0x2e: {  	v11 =	vnsel vm15, $0x3C4, v11;
	v12 =	vsel vm11, $0x483, v12;
	v13 =	vnsel vm15, $0x3C5, v13  }
0x2f: {  	v14 =	vsel vm11, $0x503, v14;
	v15 =	vnsel vm15, $0x3C6, v15;
	v16 =	vsel vm11, $0x583, v16  }
0x30: {  	v17 =	vnsel vm15, $0x3C7, v17;
	v18 =	vsel vm11, $0x603, v18;
	v19 =	vnsel vm15, $0x3C8, v19  }
0x31: {  	v20 =	vsel vm11, $0x683, v20;
	v21 =	vnsel vm15, $0x3C9, v21;
	v22 =	vsel vm11, $0x703, v22  }
0x32: {  	v23 =	vnsel vm15, $0x3CA, v23;
	v24 =	vsel vm11, $0x783, v24;
	v25 =	vnsel vm15, $0x3CB, v25  }
0x33: {  	v26 =	vsel vm11, $0x3, v26;
	v27 =	vnsel vm15, $0x3CC, v27;
	v28 =	vsel vm11, $0x83, v28  }
0x34: {  	v30 =	vnsel vm15, $0x3CD, v30;
	v29 =	vsel vm11, $0x103, v29;
	v31 =	vnsel vm15, $0x3CE, v31  }
0x35: {  	v2 =	vsel vm10, $0x284, v0;
	v3 =	vsel vm10, $0x105, v3;
	v4 =	vsel vm10, $0x304, v4  }
0x36: {  	v5 =	vsel vm10, $0x106, v5;
	v6 =	vsel vm10, $0x384, v6;
	v7 =	vsel vm10, $0x107, v7  }
0x37: {  	v8 =	vsel vm10, $0x404, v8;
	v9 =	vsel vm10, $0x108, v9;
	v10 =	vsel vm10, $0x484, v10  }
0x38: {  	v11 =	vsel vm10, $0x109, v11;
	v12 =	vsel vm10, $0x504, v12;
	v13 =	vsel vm10, $0x10A, v13  }
0x39: {  	v14 =	vsel vm10, $0x584, v14;
	v15 =	vsel vm10, $0x10B, v15;
	v16 =	vsel vm10, $0x604, v16  }
0x3a: {  	v17 =	vsel vm10, $0x10C, v17;
	v18 =	vsel vm10, $0x684, v18;
	v19 =	vsel vm10, $0x10D, v19  }
0x3b: {  	v20 =	vsel vm10, $0x704, v20;
	v21 =	vsel vm10, $0x10E, v21;
	v22 =	vsel vm10, $0x784, v22  }
0x3c: {  	v23 =	vsel vm10, $0x10F, v23;
	v24 =	vsel vm10, $0x4, v24;
	v25 =	vsel vm10, $0x100, v25  }
0x3d: {  	v26 =	vsel vm10, $0x84, v26;
	v27 =	vsel vm10, $0x101, v27;
	v28 =	vsel vm10, $0x104, v28  }
0x3e: {  	v30 =	vsel vm10, $0x102, v30;
	v29 =	vsel vm10, $0x184, v29;
	v31 =	vsel vm10, $0x103, v31  }
0x3f: {  	v2 =	vsel vm9, $0x305, v2;
	v3 =	vsel vm9, $0x146, v3;
	v4 =	vsel vm9, $0x385, v4  }
0x40: {  	v5 =	vsel vm9, $0x147, v5;
	v6 =	vsel vm9, $0x405, v6;
	v7 =	vsel vm9, $0x148, v7  }
0x41: {  	v8 =	vsel vm9, $0x485, v8;
	v9 =	vsel vm9, $0x149, v9;
	v10 =	vsel vm9, $0x505, v10  }
0x42: {  	v11 =	vsel vm9, $0x14A, v11;
	v12 =	vsel vm9, $0x585, v12;
	v13 =	vsel vm9, $0x14B, v13  }
0x43: {  	v14 =	vsel vm9, $0x605, v14;
	v15 =	vsel vm9, $0x14C, v15;
	v16 =	vsel vm9, $0x685, v16  }
0x44: {  	v17 =	vsel vm9, $0x14D, v17;
	v18 =	vsel vm9, $0x705, v18;
	v19 =	vsel vm9, $0x14E, v19  }
0x45: {  	v20 =	vsel vm9, $0x785, v20;
	v21 =	vsel vm9, $0x14F, v21;
	v22 =	vsel vm9, $0x5, v22  }
0x46: {  	v23 =	vsel vm9, $0x140, v23;
	v24 =	vsel vm9, $0x85, v24;
	v25 =	vsel vm9, $0x141, v25  }
0x47: {  	v26 =	vsel vm9, $0x105, v26;
	v27 =	vsel vm9, $0x142, v27;
	v28 =	vsel vm9, $0x185, v28  }
0x48: {  	v30 =	vsel vm9, $0x143, v30;
	v29 =	vsel vm9, $0x205, v29;
	v31 =	vsel vm9, $0x144, v31  }
0x49: {  	v2 =	vsel vm8, $0x386, v2;
	v3 =	vsel vm8, $0x187, v3;
	v4 =	vsel vm8, $0x406, v4  }
0x4a: {  	v5 =	vsel vm8, $0x188, v5;
	v6 =	vsel vm8, $0x486, v6;
	v7 =	vsel vm8, $0x189, v7  }
0x4b: {  	v8 =	vsel vm8, $0x506, v8;
	v9 =	vsel vm8, $0x18A, v9;
	v10 =	vsel vm8, $0x586, v10  }
0x4c: {  	v11 =	vsel vm8, $0x18B, v11;
	v12 =	vsel vm8, $0x606, v12;
	v13 =	vsel vm8, $0x18C, v13  }
0x4d: {  	v14 =	vsel vm8, $0x686, v14;
	v15 =	vsel vm8, $0x18D, v15;
	v16 =	vsel vm8, $0x706, v16  }
0x4e: {  	v17 =	vsel vm8, $0x18E, v17;
	v18 =	vsel vm8, $0x786, v18;
	v19 =	vsel vm8, $0x18F, v19  }
0x4f: {  	v20 =	vsel vm8, $0x6, v20;
	v21 =	vsel vm8, $0x180, v21;
	v22 =	vsel vm8, $0x86, v22  }
0x50: {  	v23 =	vsel vm8, $0x181, v23;
	v24 =	vsel vm8, $0x106, v24;
	v25 =	vsel vm8, $0x182, v25  }
0x51: {  	v26 =	vsel vm8, $0x186, v26;
	v27 =	vsel vm8, $0x183, v27;
	v28 =	vsel vm8, $0x206, v28  }
0x52: {  	v30 =	vsel vm8, $0x184, v30;
	v29 =	vsel vm8, $0x286, v29;
	v31 =	vsel vm8, $0x185, v31  }
0x53: {  	v2 =	vsel vm7, $0x407, v2;
	v3 =	vsel vm7, $0x1C8, v3;
	v4 =	vsel vm7, $0x487, v4  }
0x54: {  	v5 =	vsel vm7, $0x1C9, v5;
	v6 =	vsel vm7, $0x507, v6;
	v7 =	vsel vm7, $0x1CA, v7  }
0x55: {  	v8 =	vsel vm7, $0x587, v8;
	v9 =	vsel vm7, $0x1CB, v9;
	v10 =	vsel vm7, $0x607, v10  }
0x56: {  	v11 =	vsel vm7, $0x1CC, v11;
	v12 =	vsel vm7, $0x687, v12;
	v13 =	vsel vm7, $0x1CD, v13  }
0x57: {  	v14 =	vsel vm7, $0x707, v14;
	v15 =	vsel vm7, $0x1CE, v15;
	v16 =	vsel vm7, $0x787, v16  }
0x58: {  	v17 =	vsel vm7, $0x1CF, v17;
	v18 =	vsel vm7, $0x7, v18;
	v19 =	vsel vm7, $0x1C0, v19  }
0x59: {  	v20 =	vsel vm7, $0x87, v20;
	v21 =	vsel vm7, $0x1C1, v21;
	v22 =	vsel vm7, $0x107, v22  }
0x5a: {  	v23 =	vsel vm7, $0x1C2, v23;
	v24 =	vsel vm7, $0x187, v24;
	v25 =	vsel vm7, $0x1C3, v25  }
0x5b: {  	v26 =	vsel vm7, $0x207, v26;
	v27 =	vsel vm7, $0x1C4, v27;
	v28 =	vsel vm7, $0x287, v28  }
0x5c: {  	v30 =	vsel vm7, $0x1C5, v30;
	v29 =	vsel vm7, $0x307, v29;
	v31 =	vsel vm7, $0x1C6, v31  }
0x5d: {  	v2 =	vsel vm6, $0x488, v2;
	v3 =	vsel vm6, $0x209, v3;
	v4 =	vsel vm6, $0x508, v4  }
0x5e: {  	v5 =	vsel vm6, $0x20A, v5;
	v6 =	vsel vm6, $0x588, v6;
	v7 =	vsel vm6, $0x20B, v7  }
0x5f: {  	v8 =	vsel vm6, $0x608, v8;
	v9 =	vsel vm6, $0x20C, v9;
	v10 =	vsel vm6, $0x688, v10  }
0x60: {  	v11 =	vsel vm6, $0x20D, v11;
	v12 =	vsel vm6, $0x708, v12;
	v13 =	vsel vm6, $0x20E, v13  }
0x61: {  	v14 =	vsel vm6, $0x788, v14;
	v15 =	vsel vm6, $0x20F, v15;
	v16 =	vsel vm6, $0x8, v16  }
0x62: {  	v17 =	vsel vm6, $0x200, v17;
	v18 =	vsel vm6, $0x88, v18;
	v19 =	vsel vm6, $0x201, v19  }
0x63: {  	v20 =	vsel vm6, $0x108, v20;
	v21 =	vsel vm6, $0x202, v21;
	v22 =	vsel vm6, $0x188, v22  }
0x64: {  	v23 =	vsel vm6, $0x203, v23;
	v24 =	vsel vm6, $0x208, v24;
	v25 =	vsel vm6, $0x204, v25  }
0x65: {  	v26 =	vsel vm6, $0x288, v26;
	v27 =	vsel vm6, $0x205, v27;
	v28 =	vsel vm6, $0x308, v28  }
0x66: {  	v30 =	vsel vm6, $0x206, v30;
	v29 =	vsel vm6, $0x388, v29;
	v31 =	vsel vm6, $0x207, v31  }
0x67: {  	v2 =	vsel vm3, $0x509, v2;
	v3 =	vsel vm3, $0x24A, v3;
	v4 =	vsel vm3, $0x589, v4  }
0x68: {  	v5 =	vsel vm3, $0x24B, v5;
	v6 =	vsel vm3, $0x609, v6;
	v7 =	vsel vm3, $0x24C, v7  }
0x69: {  	v8 =	vsel vm3, $0x689, v8;
	v9 =	vsel vm3, $0x24D, v9;
	v10 =	vsel vm3, $0x709, v10  }
0x6a: {  	v11 =	vsel vm3, $0x24E, v11;
	v12 =	vsel vm3, $0x789, v12;
	v13 =	vsel vm3, $0x24F, v13  }
0x6b: {  	v14 =	vsel vm3, $0x9, v14;
	v15 =	vsel vm3, $0x240, v15;
	v16 =	vsel vm3, $0x89, v16  }
0x6c: {  	v17 =	vsel vm3, $0x241, v17;
	v18 =	vsel vm3, $0x109, v18;
	v19 =	vsel vm3, $0x242, v19  }
0x6d: {  	v20 =	vsel vm3, $0x189, v20;
	v21 =	vsel vm3, $0x243, v21;
	v22 =	vsel vm3, $0x209, v22  }
0x6e: {  	v23 =	vsel vm3, $0x244, v23;
	v24 =	vsel vm3, $0x289, v24;
	v25 =	vsel vm3, $0x245, v25  }
0x6f: {  	v26 =	vsel vm3, $0x309, v26;
	v27 =	vsel vm3, $0x246, v27;
	v28 =	vsel vm3, $0x389, v28  }
0x70: {  	v30 =	vsel vm3, $0x247, v30;
	v29 =	vsel vm3, $0x409, v29;
	v31 =	vsel vm3, $0x248, v31  }
0x71: {  	v2 =	vsel vm0, $0x58A, v2;
	v3 =	vsel vm0, $0x28B, v3;
	v4 =	vsel vm0, $0x60A, v4  }
0x72: {  	v5 =	vsel vm0, $0x28C, v5;
	v6 =	vsel vm0, $0x68A, v6;
	v7 =	vsel vm0, $0x28D, v7  }
0x73: {  	v8 =	vsel vm0, $0x70A, v8;
	v9 =	vsel vm0, $0x28E, v9;
	v10 =	vsel vm0, $0x78A, v10  }
0x74: {  	v11 =	vsel vm0, $0x28F, v11;
	v12 =	vsel vm0, $0xA, v12;
	v13 =	vsel vm0, $0x280, v13  }
0x75: {  	v14 =	vsel vm0, $0x8A, v14;
	v15 =	vsel vm0, $0x281, v15;
	v16 =	vsel vm0, $0x10A, v16  }
0x76: {  	v17 =	vsel vm0, $0x282, v17;
	v18 =	vsel vm0, $0x18A, v18;
	v19 =	vsel vm0, $0x283, v19  }
0x77: {  	v20 =	vsel vm0, $0x20A, v20;
	v21 =	vsel vm0, $0x284, v21;
	v22 =	vsel vm0, $0x28A, v22  }
0x78: {  	v23 =	vsel vm0, $0x285, v23;
	v24 =	vsel vm0, $0x30A, v24;
	v25 =	vsel vm0, $0x286, v25  }
0x79: {  	v26 =	vsel vm0, $0x38A, v26;
	v27 =	vsel vm0, $0x287, v27;
	v28 =	vsel vm0, $0x40A, v28  }
0x7a: {  	v30 =	vsel vm0, $0x288, v30;
	v29 =	vsel vm0, $0x48A, v29;
	v31 =	vsel vm0, $0x289, v31  }
0x7b: {  	v2 =	vsel vm1, $0x60B, v2;
	v3 =	vsel vm1, $0x2CC, v3;
	v4 =	vsel vm1, $0x68B, v4  }
0x7c: {  	v5 =	vsel vm1, $0x2CD, v5;
	v6 =	vsel vm1, $0x70B, v6;
	v7 =	vsel vm1, $0x2CE, v7  }
0x7d: {  	v8 =	vsel vm1, $0x78B, v8;
	v9 =	vsel vm1, $0x2CF, v9;
	v10 =	vsel vm1, $0xB, v10  }
0x7e: {  	v11 =	vsel vm1, $0x2C0, v11;
	v12 =	vsel vm1, $0x8B, v12;
	v13 =	vsel vm1, $0x2C1, v13  }
0x7f: {  	v14 =	vsel vm1, $0x10B, v14;
	v15 =	vsel vm1, $0x2C2, v15;
	v16 =	vsel vm1, $0x18B, v16  }
0x80: {  	v17 =	vsel vm1, $0x2C3, v17;
	v18 =	vsel vm1, $0x20B, v18;
	v19 =	vsel vm1, $0x2C4, v19  }
0x81: {  	v20 =	vsel vm1, $0x28B, v20;
	v21 =	vsel vm1, $0x2C5, v21;
	v22 =	vsel vm1, $0x30B, v22  }
0x82: {  	v23 =	vsel vm1, $0x2C6, v23;
	v24 =	vsel vm1, $0x38B, v24;
	v25 =	vsel vm1, $0x2C7, v25  }
0x83: {  	v26 =	vsel vm1, $0x40B, v26;
	v27 =	vsel vm1, $0x2C8, v27;
	v28 =	vsel vm1, $0x48B, v28  }
0x84: {  	v30 =	vsel vm1, $0x2C9, v30;
	v29 =	vsel vm1, $0x50B, v29;
	v31 =	vsel vm1, $0x2CA, v31  }
0x85: {  	v2 =	vsel vm2, $0x68C, v2;
	v3 =	vsel vm2, $0x30D, v3;
	v4 =	vsel vm2, $0x70C, v4  }
0x86: {  	v5 =	vsel vm2, $0x30E, v5;
	v6 =	vsel vm2, $0x78C, v6;
	v7 =	vsel vm2, $0x30F, v7  }
0x87: {  	v8 =	vsel vm2, $0xC, v8;
	v9 =	vsel vm2, $0x300, v9;
	v10 =	vsel vm2, $0x8C, v10  }
0x88: {  	v11 =	vsel vm2, $0x301, v11;
	v12 =	vsel vm2, $0x10C, v12;
	v13 =	vsel vm2, $0x302, v13  }
0x89: {  	v14 =	vsel vm2, $0x18C, v14;
	v15 =	vsel vm2, $0x303, v15;
	v16 =	vsel vm2, $0x20C, v16  }
0x8a: {  	v17 =	vsel vm2, $0x304, v17;
	v18 =	vsel vm2, $0x28C, v18;
	v19 =	vsel vm2, $0x305, v19  }
0x8b: {  	v20 =	vsel vm2, $0x30C, v20;
	v21 =	vsel vm2, $0x306, v21;
	v22 =	vsel vm2, $0x38C, v22  }
0x8c: {  	v23 =	vsel vm2, $0x307, v23;
	v24 =	vsel vm2, $0x40C, v24;
	v25 =	vsel vm2, $0x308, v25  }
0x8d: {  	v26 =	vsel vm2, $0x48C, v26;
	v27 =	vsel vm2, $0x309, v27;
	v28 =	vsel vm2, $0x50C, v28  }
0x8e: {  	v30 =	vsel vm2, $0x30A, v30;
	v29 =	vsel vm2, $0x58C, v29;
	v31 =	vsel vm2, $0x30B, v31  }
0x8f: {  	v2 =	vsel vm4, $0x70D, v2;
	v3 =	vsel vm4, $0x34E, v3;
	v4 =	vsel vm4, $0x78D, v4  }
0x90: {  	s6 =	rddreg [dreg:$0x0];
	v5 =	vsel vm4, $0x34F, v5;
	v6 =	vsel vm4, $0xD, v6;
	v7 =	vsel vm4, $0x340, v7  }
0x91: {  	s7 =	rddreg [dreg:$0x1];
	s4 =	simm.s32 $0x0;
	v8 =	vsel vm4, $0x8D, v8;
	v9 =	vsel vm4, $0x341, v9;
	v10 =	vsel vm4, $0x10D, v10  }
0x92: {  	s0 =	srdreg.scid;
	s1 =	stileid.u32;
	s14 =	simm.s32 $0x2000;
	v11 =	vsel vm4, $0x342, v11;
	v12 =	vsel vm4, $0x18D, v12;
	v13 =	vsel vm4, $0x343, v13  }
0x93: {  	s16 =	simm.s32 $0x4000;
	s18 =	simm.s32 $0x6000;
	[smem:$0x7FF] =	sst s4;
	v14 =	vsel vm4, $0x20D, v14;
	v15 =	vsel vm4, $0x344, v15;
	v16 =	vsel vm4, $0x28D, v16  }
0x94: {  	s0 =	sand.u32 $0x1, s0;
	s1 =	sshll.u32 s1, $0x1;
	s28 =	sadd.s32 $0x7A1000, s7;
	v17 =	vsel vm4, $0x345, v17;
	v18 =	vsel vm4, $0x30D, v18;
	v19 =	vsel vm4, $0x346, v19  }
0x95: {  	_ =	strace $0x80000047;
	s2 =	ssub.s32 $0x2, s0;
	s8 =	sor.u32 s0, s1;
	v20 =	vsel vm4, $0x38D, v20;
	v21 =	vsel vm4, $0x347, v21;
	v22 =	vsel vm4, $0x40D, v22  }
0x96: {  	[dreg:$0x8] =	wrdreg s28;
	s22 =	sshrl.u32 s2, $0x1;
	s3 =	sshll.u32 s8, $0x7;
	v23 =	vsel vm4, $0x348, v23;
	v24 =	vsel vm4, $0x48D, v24;
	v25 =	vsel vm4, $0x349, v25  }
0x97: {  	s5 =	ssub.s32 $0x1EA4, s8;
	s24 =	sor.u32 $0x40, s8;
	[dreg:$0x3] =	wrdreg s8;
	v26 =	vsel vm4, $0x50D, v26;
	v27 =	vsel vm4, $0x34A, v27;
	v28 =	vsel vm4, $0x58D, v28  }
0x98: {  	s26 =	sor.u32 $0x60, s8;
	s0 =	ssub.s32 s2, s22;
	[dreg:$0x6] =	wrdreg s24;
	v30 =	vsel vm4, $0x34B, v30;
	v32 =	vsel vm4, $0x60D, v29;
	v31 =	vsel vm4, $0x34C, v31  }
0x99: {  	s3 =	sadd.s32 s6, s3;
	s23 =	sshrl.u32 s5, $0x5;
	[dreg:$0x7] =	wrdreg s26;
	v2 =	vsel vm5, $0x78E, v2;
	v63 =	vsel vm5, $0x38F, v3;
	v3 =	vsel vm5, $0xE, v4  }
0x9a: {  	s31 =	sand.u32 $0x20, s5;
	s2 =	simm.s32 $0x0;
	s25 =	sadd.s32 $0xFFFFFFFF, s23;
	v4 =	vsel vm5, $0x380, v5;
	v61 =	vsel vm5, $0x8E, v6;
	v7 =	vsel vm5, $0x381, v7  }
0x9b: {  	[dreg:$0x4] =	wrdreg s3;
	s3 =	sadd.s32 $0x1000, s3;
	s29 =	sshll.u32 s25, $0x5;
	v8 =	vsel vm5, $0x10E, v8;
	v62 =	vsel vm5, $0x382, v9;
	v10 =	vsel vm5, $0x18E, v10  }
0x9c: {  	[dreg:$0x5] =	wrdreg s3;
	s3 =	sand.u32 $0x1, s25;
	s7 =	sor.u32 s8, s29;
	v11 =	vsel vm5, $0x383, v11;
	v12 =	vsel vm5, $0x20E, v12;
	v13 =	vsel vm5, $0x384, v13  }
0x9d: {  	s1 =	sor.u32 s1, s29;
	p1 =	seq.s32 s3, $0x1;
	p3 =	sne.s32 s3, $0x0;
	v14 =	vsel vm5, $0x28E, v14;
	v15 =	vsel vm5, $0x385, v15;
	v16 =	vsel vm5, $0x30E, v16  }
.Ltmp0:
0x9e: {  	p2 =	slt.u32 s1, $0x1E84;
	p4 =	sgt.u32 @!p3 s7, $0x1E83;
	v17 =	vsel vm5, $0x386, v17;
	v18 =	vsel vm5, $0x38E, v18;
	v19 =	vsel vm5, $0x387, v19;
	(pc) =	sbr.rel .LBB2_1-.Ltmp0, $4  }
0x9f: {  	s30 =	sand.u32 $0x1, s23;
	p1 =	por !p1, !p2;
	p2 =	por !p4, p3;
	v20 =	vsel vm5, $0x40E, v20;
	v21 =	vsel vm5, $0x388, v21;
	v22 =	vsel vm5, $0x48E, v22  }
0xa0: {  	s0 =	smax.u32 s0, $0x1;
	p0 =	seq.s32 s30, $0x1;
	p2 =	sne.s32 @!p2 s7, $0x1E84;
	v23 =	vsel vm5, $0x389, v23;
	v24 =	vsel vm5, $0x50E, v24;
	v25 =	vsel vm5, $0x38A, v25  }
0xa1: {  	[tilespmem:$0x1FFE0] =	vst v60;
	[dreg:$0x9] =	wrdreg s0;
	p1 =	por !p1, !p1;
	p2 =	por @!p3 p2, !p4;
	v26 =	vsel vm5, $0x58E, v26;
	v27 =	vsel vm5, $0x38B, v27;
	v28 =	vsel vm5, $0x60E, v28  }
0xa2: {  	p2 =	por p2, p3;
	p3 =	por p4, p3;
	p4 =	sne.s32 s31, $0x0;
	v29 =	vsel vm5, $0x38C, v30;
	v30 =	vsel vm5, $0x68E, v32;
	v31 =	vsel vm5, $0x38D, v31;
	[tilespmem:$0x1FFF0] =	vst v62  }
.LBB2_11:
0xa3: {  	s0 =	simm.s32 @!p2 $0x3  }
0xa4: {  	_ =	swait.ge @!p2 [sflag:s0], $0x1000  }
0xa5: {  	[sflag:s0] =	ssyncset.done @!p2 $0x0  }
0xa6: {  	[sflag:s0] =	ssyncadd.s32 @!p2 $0xFFFFF000;
	s0 =	simm.s32 @!p3 $0x3  }
0xa7: {  	_ =	swait.ge @!p3 [sflag:s0], $0x2000  }
0xa8: {  	[sflag:s0] =	ssyncset.done @!p3 $0x0  }
0xa9: {  	[sflag:s0] =	ssyncadd.s32 @!p3 $0xFFFFE000;
	s0 =	simm.s32 @p1 $0x4  }
0xaa: {  	_ =	swait.ge @p1 [sflag:s0], $0x2000  }
0xab: {  	[sflag:s0] =	ssyncset.done @p1 $0x0  }
0xac: {  	[sflag:s0] =	ssyncadd.s32 @p1 $0xFFFFE000;
	s0 =	simm.s32 @!p4 $0x3  }
0xad: {  	_ =	swait.ge @!p4 [sflag:s0], $0x2000  }
0xae: {  	[sflag:s0] =	ssyncset.done @!p4 $0x0  }
0xaf: {  	[sflag:s0] =	ssyncadd.s32 @!p4 $0xFFFFE000;
	s0 =	simm.s32 @p0 $0x4  }
0xb0: {  	_ =	swait.ge @p0 [sflag:s0], $0x2000  }
0xb1: {  	s2 =	rddreg [dreg:$0xa]  }
0xb2: {  	s1 =	rddreg [dreg:$0x9];
	s2 =	sadd.s32 $0x1, s2  }
0xb3: {  	p5 =	sne.s32 s2, s1  }
.Ltmp1:
0xb4: {  	_ = 	snop;
	(pc) =	sbr.rel @!p5 .LBB2_12-.Ltmp1, $3  }
0xb5: {  	_ =	sdelay $0x1  }
0xb6: {  	[sflag:s0] =	ssyncset.done @p0 $0x0  }
0xb7: {  	[sflag:s0] =	ssyncadd.s32 @p0 $0xFFFFE000  }
.LBB2_1:
.Ltmp2:
0xb8: {  	[dreg:$0xa] =	wrdreg s2;
	(pc) =	sbr.rel .LBB2_2-.Ltmp2, $4  }
0xb9: {  	s0 =	rddreg [dreg:$0x4];
	s1 =	simm.s32 $0x7A1400;
	s30 =	simm.s32 $0x400  }
0xba: {  	[tilespmem:s4], [sflag:$0x1] =	stream.strided.gather [hbm4b:s0+s30], $0x2000, s1, s30, $0x38;
	[tilespmem:$0x8000] =	vst v63  }
0xbb: {  	s31 =	rddreg [dreg:$0x5];
	s20 =	simm.s32 $0x0  }
0xbc: {  	[tilespmem:s14], [sflag:$0x2] =	stream.strided.gather [hbm4b:s31+s30], $0x2000, s1, s30, $0x38;
	[tilespmem:$0x8000] =	vst v63  }
.LBB2_10:
0xbd: {  	s20 =	sadd.s32 $0x1, s20  }
0xbe: {  	p5 =	sne.s32 s20, $0x7B  }
.Ltmp3:
0xbf: {  	_ = 	snop;
	(pc) =	sbr.rel @!p5 .LBB2_11-.Ltmp3, $1  }
0xc0: {  	_ =	sdelay $0x3  }
.LBB2_2:
0xc1: {  	s1 =	sshll.u32 s20, $0x6;
	s0 =	rddreg [dreg:$0x3]  }
0xc2: {  	s22 =	sor.u32 s0, s1  }
0xc3: {  	p6 =	sgt.u32 s22, $0x1E84  }
.Ltmp4:
0xc4: {  	_ = 	snop;
	(pc) =	sbr.rel @p6 .LBB2_6-.Ltmp4, $2  }
0xc5: {  	_ =	sdelay $0x2  }
0xc6: {  	p5 =	seq.s32 s20, $0x0;
	[dreg:$0xb] =	wrdreg s1  }
0xc7: {  	s0 =	simm.s32 $0x1  }
0xc8: {  	s5 =	simm.s32 $0x1800;
	_ =	swait.ge [sflag:s0], $0x2000  }
0xc9: {  	v32 =	vor.u32 s5, v60;
	[sflag:s0] =	ssyncset.done $0x0  }
0xca: {  	[sflag:s0] =	ssyncadd.s32 $0xFFFFE000;
	s0 =	simm.s32 @!p5 $0x3  }
0xcb: {  	_ =	swait.ge @!p5 [sflag:s0], $0x2000  }
0xcc: {  	s2 =	simm.s32 $0x800;
	[sflag:s0] =	ssyncset.done @!p5 $0x0  }
0xcd: {  	s9 =	simm.s32 $0x0;
	s17 =	simm.s32 $0x30;
	v33 =	vor.u32 s2, v60;
	[sflag:s0] =	ssyncadd.s32 @!p5 $0xFFFFE000  }
0xce: {  	v34 =	vor.u32 s9, v60;
	v35 =	vor.u32 s17, v52;
	v32 =	vld.idx.msk [tilespmem:v32+s4+$0x0], $0xffff  }
0xcf: {  	v36 =	vor.u32 s5, v2;
	_ =	sdelay $0x1  }
0xd0: {  	s12 =	simm.s32 $0x10  }
0xd1: {  	s3 =	simm.s32 $0x0;
	v37 =	vor.u32 s12, v52;
	v33 =	vld.idx.msk [tilespmem:v33+s4+$0x0], $0xffff  }
0xd2: {  	v38 =	vor.u32 s3, v52;
	v39 =	vor.u32 s2, v2;
	v34 =	vld.idx.msk [tilespmem:v34+s4+$0x0], $0xffff;
	[tilespmem:v35+s16+$0x0] =	vst.idx.msk $0xffff, v32  }
0xd3: {  	v40 =	vor.u32 s9, v2;
	v47 =	vor.u32 s17, v63;
	v35 =	vld.idx.msk [tilespmem:v36+s4+$0x0], $0xffff  }
0xd4: {  	v48 =	vor.u32 s5, v3;
	_ =	sdelay $0x1  }
0xd5: {  	[tilespmem:v37+s16+$0x0] =	vst.idx.msk $0xffff, v33  }
0xd6: {  	v49 =	vor.u32 s12, v63;
	[tilespmem:v38+s16+$0x0] =	vst.idx.msk $0xffff, v34;
	v37 =	vld.idx.msk [tilespmem:v39+s4+$0x0], $0xffff  }
0xd7: {  	v50 =	vor.u32 s3, v63;
	v51 =	vor.u32 s2, v3;
	v53 =	vld.idx.msk [tilespmem:v40+s4+$0x0], $0xffff;
	[tilespmem:v47+s16+$0x0] =	vst.idx.msk $0xffff, v35  }
0xd8: {  	v54 =	vor.u32 s9, v3;
	v55 =	vor.u32 s17, v4;
	v35 =	vld.idx.msk [tilespmem:v48+s4+$0x0], $0xffff  }
0xd9: {  	v56 =	vor.u32 s5, v61;
	_ =	sdelay $0x1  }
0xda: {  	[tilespmem:v49+s16+$0x0] =	vst.idx.msk $0xffff, v37  }
0xdb: {  	v57 =	vor.u32 s12, v4;
	[tilespmem:v50+s16+$0x0] =	vst.idx.msk $0xffff, v53;
	v37 =	vld.idx.msk [tilespmem:v51+s4+$0x0], $0xffff  }
0xdc: {  	v58 =	vor.u32 s3, v4;
	v44 =	vor.u32 s2, v61;
	v59 =	vld.idx.msk [tilespmem:v54+s4+$0x0], $0xffff;
	[tilespmem:v55+s16+$0x0] =	vst.idx.msk $0xffff, v35  }
0xdd: {  	v45 =	vor.u32 s9, v61;
	v46 =	vor.u32 s17, v7;
	v32 =	vld.idx.msk [tilespmem:v56+s4+$0x0], $0xffff  }
0xde: {  	v47 =	vor.u32 s5, v8  }
0xdf: {  	s10 =	simm.s32 $0x1000  }
0xe0: {  	v48 =	vor.u32 s10, v60;
	[tilespmem:v57+s16+$0x0] =	vst.idx.msk $0xffff, v37  }
0xe1: {  	v49 =	vor.u32 s12, v7;
	[tilespmem:v58+s16+$0x0] =	vst.idx.msk $0xffff, v59;
	v37 =	vld.idx.msk [tilespmem:v44+s4+$0x0], $0xffff  }
0xe2: {  	v50 =	vor.u32 s2, v8;
	v51 =	vor.u32 s3, v7;
	v40 =	vld.idx.msk [tilespmem:v45+s4+$0x0], $0xffff;
	[tilespmem:v46+s16+$0x0] =	vst.idx.msk $0xffff, v32  }
0xe3: {  	v41 =	vor.u32 s9, v8;
	v53 =	vor.u32 s17, v62;
	v32 =	vld.idx.msk [tilespmem:v47+s4+$0x0], $0xffff  }
0xe4: {  	s15 =	simm.s32 $0x20;
	v54 =	vor.u32 s5, v10  }
0xe5: {  	v42 =	vor.u32 s15, v52;
	v33 =	vld.idx.msk [tilespmem:v48+s4+$0x0], $0xffff  }
0xe6: {  	v55 =	vor.u32 s10, v2;
	[tilespmem:v49+s16+$0x0] =	vst.idx.msk $0xffff, v37  }
0xe7: {  	v56 =	vor.u32 s12, v62;
	[tilespmem:v51+s16+$0x0] =	vst.idx.msk $0xffff, v40;
	v37 =	vld.idx.msk [tilespmem:v50+s4+$0x0], $0xffff  }
0xe8: {  	v57 =	vor.u32 s2, v10;
	v58 =	vor.u32 s3, v62;
	v40 =	vld.idx.msk [tilespmem:v41+s4+$0x0], $0xffff;
	[tilespmem:v53+s16+$0x0] =	vst.idx.msk $0xffff, v32  }
0xe9: {  	v43 =	vor.u32 s9, v10;
	v59 =	vor.u32 s17, v11;
	v32 =	vld.idx.msk [tilespmem:v54+s4+$0x0], $0xffff  }
0xea: {  	s23 =	simm.s32 $0x810;
	v48 =	vor.u32 s5, v12;
	[tilespmem:v42+s16+$0x0] =	vst.idx.msk $0xffff, v33  }
0xeb: {  	v49 =	vor.u32 s15, v63;
	v34 =	vld.idx.msk [tilespmem:v55+s4+$0x0], $0xffff;
	v50 =	vor.u32 s23, v60  }
0xec: {  	s26 =	simm.s32 $0x10;
	v51 =	vor.u32 s10, v3;
	[tilespmem:v56+s16+$0x0] =	vst.idx.msk $0xffff, v37  }
0xed: {  	v53 =	vor.u32 s12, v11;
	[tilespmem:v58+s16+$0x0] =	vst.idx.msk $0xffff, v40;
	v56 =	vor.u32 s26, v60;
	v39 =	vld.idx.msk [tilespmem:v57+s4+$0x0], $0xffff  }
0xee: {  	v55 =	vor.u32 s3, v11;
	v54 =	vor.u32 s2, v12;
	v41 =	vld.idx.msk [tilespmem:v43+s4+$0x0], $0xffff;
	[tilespmem:v59+s16+$0x0] =	vst.idx.msk $0xffff, v32  }
0xef: {  	s24 =	simm.s32 $0x410;
	v44 =	vor.u32 s9, v12;
	v45 =	vor.u32 s17, v13;
	v33 =	vld.idx.msk [tilespmem:v48+s4+$0x0], $0xffff  }
0xf0: {  	[tilespmem:v49+s16+$0x0] =	vst.idx.msk $0xffff, v34;
	v49 =	vor.u32 s5, v14;
	v57 =	vor.u32 s24, v52;
	v48 =	vld.idx.msk [tilespmem:v50+s4+$0x0], $0xffff  }
0xf1: {  	s6 =	simm.s32 $0x1810;
	v38 =	vld.idx.msk [tilespmem:v51+s4+$0x0], $0xffff;
	v50 =	vor.u32 s23, v2  }
0xf2: {  	s29 =	simm.s32 $0x1010;
	s25 =	simm.s32 $0x400;
	v51 =	vor.u32 s6, v60;
	v35 =	vld.idx.msk [tilespmem:v56+s4+$0x0], $0xffff;
	[tilespmem:v53+s16+$0x0] =	vst.idx.msk $0xffff, v39  }
0xf3: {  	[tilespmem:v55+s16+$0x0] =	vst.idx.msk $0xffff, v41;
	v41 =	vor.u32 s29, v60;
	v59 =	vor.u32 s25, v52;
	v32 =	vld.idx.msk [tilespmem:v54+s4+$0x0], $0xffff  }
0xf4: {  	v58 =	vor.u32 s3, v13;
	v53 =	vor.u32 s26, v2;
	v42 =	vld.idx.msk [tilespmem:v44+s4+$0x0], $0xffff;
	[tilespmem:v45+s16+$0x0] =	vst.idx.msk $0xffff, v33  }
0xf5: {  	v46 =	vor.u32 s9, v14;
	v55 =	vor.u32 s17, v15;
	[tilespmem:v57+s16+$0x0] =	vst.idx.msk $0xffff, v48;
	v54 =	vld.idx.msk [tilespmem:v49+s4+$0x0], $0xffff  }
0xf6: {  	s13 =	simm.s32 $0x430;
	v56 =	vor.u32 s24, v63;
	v57 =	vor.u32 s5, v16;
	v39 =	vld.idx.msk [tilespmem:v50+s4+$0x0], $0xffff  }
0xf7: {  	s28 =	simm.s32 $0x420;
	v47 =	vor.u32 s13, v52;
	v40 =	vld.idx.msk [tilespmem:v51+s4+$0x0], $0xffff;
	v48 =	vor.u32 s23, v3  }
0xf8: {  	v41 =	vld.idx.msk [tilespmem:v41+s4+$0x0], $0xffff;
	[tilespmem:v59+s16+$0x0] =	vst.idx.msk $0xffff, v35;
	v49 =	vor.u32 s28, v52;
	v50 =	vor.u32 s6, v2  }
0xf9: {  	v43 =	vor.u32 s29, v2;
	[tilespmem:v58+s16+$0x0] =	vst.idx.msk $0xffff, v42;
	v42 =	vor.u32 s15, v4;
	v33 =	vld.idx.msk [tilespmem:v53+s4+$0x0], $0xffff  }
0xfa: {  	v44 =	vor.u32 s25, v63;
	v58 =	vor.u32 s10, v61;
	v46 =	vld.idx.msk [tilespmem:v46+s4+$0x0], $0xffff;
	[tilespmem:v55+s16+$0x0] =	vst.idx.msk $0xffff, v54  }
0xfb: {  	v34 =	vor.u32 s26, v3;
	v59 =	vor.u32 s17, v17;
	[tilespmem:v56+s16+$0x0] =	vst.idx.msk $0xffff, v39;
	v36 =	vld.idx.msk [tilespmem:v57+s4+$0x0], $0xffff  }
0xfc: {  	[tilespmem:v47+s16+$0x0] =	vst.idx.msk $0xffff, v40;
	v39 =	vor.u32 s24, v4;
	v54 =	vor.u32 s5, v18;
	v53 =	vld.idx.msk [tilespmem:v48+s4+$0x0], $0xffff  }
0xfd: {  	v55 =	vor.u32 s13, v63;
	v56 =	vld.idx.msk [tilespmem:v50+s4+$0x0], $0xffff;
	[tilespmem:v49+s16+$0x0] =	vst.idx.msk $0xffff, v41;
	v57 =	vor.u32 s23, v61  }
0xfe: {  	[tilespmem:v42+s16+$0x0] =	vst.idx.msk $0xffff, v38;
	v38 =	vor.u32 s28, v63;
	v41 =	vor.u32 s6, v3;
	v42 =	vld.idx.msk [tilespmem:v43+s4+$0x0], $0xffff  }
0xff: {  	[tilespmem:v44+s16+$0x0] =	vst.idx.msk $0xffff, v33;
	v35 =	vld.idx.msk [tilespmem:v58+s4+$0x0], $0xffff;
	v58 =	vor.u32 s29, v3;
	v43 =	vor.u32 s15, v7  }
0x100: {  	v33 =	vor.u32 s25, v4;
	v34 =	vld.idx.msk [tilespmem:v34+s4+$0x0], $0xffff;
	[tilespmem:v59+s16+$0x0] =	vst.idx.msk $0xffff, v36;
	v59 =	vor.u32 s10, v8  }
0x101: {  	v37 =	vor.u32 s26, v61;
	[tilespmem:v39+s16+$0x0] =	vst.idx.msk $0xffff, v53;
	v53 =	vor.u32 s17, v19;
	v39 =	vld.idx.msk [tilespmem:v54+s4+$0x0], $0xffff  }
0x102: {  	[tilespmem:v55+s16+$0x0] =	vst.idx.msk $0xffff, v56;
	v55 =	vor.u32 s5, v20;
	v44 =	vld.idx.msk [tilespmem:v57+s4+$0x0], $0xffff;
	v54 =	vor.u32 s24, v7  }
0x103: {  	v56 =	vor.u32 s3, v15;
	[tilespmem:v38+s16+$0x0] =	vst.idx.msk $0xffff, v42;
	v38 =	vld.idx.msk [tilespmem:v41+s4+$0x0], $0xffff;
	v57 =	vor.u32 s23, v8  }
0x104: {  	v41 =	vor.u32 s13, v4;
	[tilespmem:v43+s16+$0x0] =	vst.idx.msk $0xffff, v35;
	v42 =	vld.idx.msk [tilespmem:v58+s4+$0x0], $0xffff;
	v58 =	vor.u32 s9, v16  }
0x105: {  	[tilespmem:v33+s16+$0x0] =	vst.idx.msk $0xffff, v34;
	v34 =	vor.u32 s15, v62;
	v35 =	vor.u32 s6, v61;
	v33 =	vld.idx.msk [tilespmem:v59+s4+$0x0], $0xffff  }
0x106: {  	v37 =	vld.idx.msk [tilespmem:v37+s4+$0x0], $0xffff;
	v59 =	vor.u32 s25, v7;
	[tilespmem:v53+s16+$0x0] =	vst.idx.msk $0xffff, v39;
	v53 =	vor.u32 s10, v10  }
0x107: {  	v40 =	vor.u32 s26, v8;
	[tilespmem:v54+s16+$0x0] =	vst.idx.msk $0xffff, v44;
	v54 =	vor.u32 s17, v21;
	v43 =	vld.idx.msk [tilespmem:v55+s4+$0x0], $0xffff  }
0x108: {  	[tilespmem:v56+s16+$0x0] =	vst.idx.msk $0xffff, v46;
	v56 =	vor.u32 s5, v22;
	v45 =	vld.idx.msk [tilespmem:v57+s4+$0x0], $0xffff;
	v55 =	vor.u32 s24, v62  }
0x109: {  	[tilespmem:v41+s16+$0x0] =	vst.idx.msk $0xffff, v38;
	v49 =	vld.idx.msk [tilespmem:v58+s4+$0x0], $0xffff;
	v58 =	vor.u32 s3, v17;
	v57 =	vor.u32 s23, v10  }
0x10a: {  	v38 =	vor.u32 s9, v18;
	v35 =	vld.idx.msk [tilespmem:v35+s4+$0x0], $0xffff;
	[tilespmem:v34+s16+$0x0] =	vst.idx.msk $0xffff, v33;
	v33 =	vor.u32 s13, v7  }
0x10b: {  	[tilespmem:v59+s16+$0x0] =	vst.idx.msk $0xffff, v37;
	v59 =	vor.u32 s6, v8;
	v34 =	vld.idx.msk [tilespmem:v53+s4+$0x0], $0xffff;
	v53 =	vor.u32 s15, v11  }
0x10c: {  	v41 =	vor.u32 s10, v12;
	v39 =	vld.idx.msk [tilespmem:v40+s4+$0x0], $0xffff;
	v40 =	vor.u32 s25, v62;
	[tilespmem:v54+s16+$0x0] =	vst.idx.msk $0xffff, v43  }
0x10d: {  	v44 =	vor.u32 s26, v10;
	[tilespmem:v55+s16+$0x0] =	vst.idx.msk $0xffff, v45;
	v54 =	vor.u32 s17, v23;
	v43 =	vld.idx.msk [tilespmem:v56+s4+$0x0], $0xffff  }
0x10e: {  	[tilespmem:v58+s16+$0x0] =	vst.idx.msk $0xffff, v49;
	v55 =	vor.u32 s24, v11;
	v46 =	vld.idx.msk [tilespmem:v57+s4+$0x0], $0xffff;
	v56 =	vor.u32 s5, v24  }
0x10f: {  	v58 =	vor.u32 s12, v13;
	v38 =	vld.idx.msk [tilespmem:v38+s4+$0x0], $0xffff;
	v57 =	vor.u32 s23, v12;
	[tilespmem:v33+s16+$0x0] =	vst.idx.msk $0xffff, v35  }
0x110: {  	v35 =	vor.u32 s2, v14;
	v36 =	vld.idx.msk [tilespmem:v59+s4+$0x0], $0xffff;
	[tilespmem:v53+s16+$0x0] =	vst.idx.msk $0xffff, v34;
	v59 =	vor.u32 s13, v62  }
0x111: {  	v51 =	vor.u32 s6, v10;
	v37 =	vor.u32 s15, v13;
	[tilespmem:v40+s16+$0x0] =	vst.idx.msk $0xffff, v39;
	v39 =	vld.idx.msk [tilespmem:v41+s4+$0x0], $0xffff  }
0x112: {  	v40 =	vld.idx.msk [tilespmem:v44+s4+$0x0], $0xffff;
	v41 =	vor.u32 s10, v14;
	[tilespmem:v54+s16+$0x0] =	vst.idx.msk $0xffff, v43;
	v54 =	vor.u32 s25, v11  }
0x113: {  	s31 =	simm.s32 $0x1820;
	[tilespmem:v55+s16+$0x0] =	vst.idx.msk $0xffff, v46;
	v55 =	vor.u32 s26, v12;
	v45 =	vld.idx.msk [tilespmem:v56+s4+$0x0], $0xffff  }
0x114: {  	[tilespmem:v58+s16+$0x0] =	vst.idx.msk $0xffff, v32;
	v58 =	vor.u32 s31, v60;
	v44 =	vor.u32 s17, v25;
	v33 =	vld.idx.msk [tilespmem:v57+s4+$0x0], $0xffff  }
0x115: {  	v56 =	vor.u32 s5, v26;
	v57 =	vor.u32 s3, v19;
	v35 =	vld.idx.msk [tilespmem:v35+s4+$0x0], $0xffff;
	[tilespmem:v59+s16+$0x0] =	vst.idx.msk $0xffff, v36  }
0x116: {  	s30 =	simm.s32 $0x20;
	v53 =	vor.u32 s9, v20;
	v59 =	vor.u32 s28, v4;
	v36 =	vld.idx.msk [tilespmem:v51+s4+$0x0], $0xffff;
	[tilespmem:v37+s16+$0x0] =	vst.idx.msk $0xffff, v39  }
0x117: {  	s1 =	simm.s32 $0x820;
	v37 =	vor.u32 s30, v60;
	v39 =	vor.u32 s13, v11;
	[tilespmem:v54+s16+$0x0] =	vst.idx.msk $0xffff, v40;
	v40 =	vld.idx.msk [tilespmem:v41+s4+$0x0], $0xffff  }
0x118: {  	v54 =	vor.u32 s1, v60;
	v43 =	vld.idx.msk [tilespmem:v55+s4+$0x0], $0xffff;
	v55 =	vor.u32 s15, v15  }
0x119: {  	s8 =	simm.s32 $0x830;
	v48 =	vld.idx.msk [tilespmem:v58+s4+$0x0], $0xffff;
	[tilespmem:v44+s16+$0x0] =	vst.idx.msk $0xffff, v45;
	v44 =	vor.u32 s10, v16;
	v45 =	vor.u32 s12, v15  }
0x11a: {  	v34 =	vor.u32 s8, v52;
	[tilespmem:v57+s16+$0x0] =	vst.idx.msk $0xffff, v38;
	v32 =	vld.idx.msk [tilespmem:v56+s4+$0x0], $0xffff;
	v56 =	vor.u32 s2, v16  }
0x11b: {  	v58 =	vor.u32 s6, v12;
	v57 =	vor.u32 s17, v27;
	v49 =	vld.idx.msk [tilespmem:v53+s4+$0x0], $0xffff;
	[tilespmem:v59+s16+$0x0] =	vst.idx.msk $0xffff, v42  }
0x11c: {  	v50 =	vor.u32 s5, v28;
	v59 =	vor.u32 s25, v13;
	v37 =	vld.idx.msk [tilespmem:v37+s4+$0x0], $0xffff;
	[tilespmem:v39+s16+$0x0] =	vst.idx.msk $0xffff, v36  }
0x11d: {  	s11 =	simm.s32 $0x810;
	v36 =	vor.u32 s3, v21;
	v39 =	vld.idx.msk [tilespmem:v54+s4+$0x0], $0xffff;
	v54 =	vor.u32 s26, v14;
	[tilespmem:v55+s16+$0x0] =	vst.idx.msk $0xffff, v40  }
0x11e: {  	v40 =	vor.u32 s29, v61;
	v55 =	vor.u32 s11, v52;
	[tilespmem:v45+s16+$0x0] =	vst.idx.msk $0xffff, v35;
	v35 =	vld.idx.msk [tilespmem:v44+s4+$0x0], $0xffff  }
0x11f: {  	s7 =	simm.s32 $0x800;
	[tilespmem:v34+s16+$0x0] =	vst.idx.msk $0xffff, v48;
	v44 =	vor.u32 s1, v2;
	v38 =	vld.idx.msk [tilespmem:v56+s4+$0x0], $0xffff;
	v56 =	vor.u32 s15, v17  }
0x120: {  	v34 =	vld.idx.msk [tilespmem:v58+s4+$0x0], $0xffff;
	[tilespmem:v57+s16+$0x0] =	vst.idx.msk $0xffff, v32;
	v32 =	vor.u32 s7, v52;
	v57 =	vor.u32 s10, v18  }
0x121: {  	s19 =	simm.s32 $0x1020;
	v42 =	vor.u32 s30, v2;
	v58 =	vor.u32 s13, v13;
	[tilespmem:v59+s16+$0x0] =	vst.idx.msk $0xffff, v43;
	v48 =	vld.idx.msk [tilespmem:v50+s4+$0x0], $0xffff  }
0x122: {  	v50 =	vor.u32 s19, v60;
	v59 =	vor.u32 s17, v29;
	[tilespmem:v36+s16+$0x0] =	vst.idx.msk $0xffff, v49;
	v41 =	vld.idx.msk [tilespmem:v54+s4+$0x0], $0xffff  }
0x123: {  	v36 =	vor.u32 s6, v14;
	v54 =	vor.u32 s12, v17;
	[tilespmem:v55+s16+$0x0] =	vst.idx.msk $0xffff, v39;
	v39 =	vld.idx.msk [tilespmem:v40+s4+$0x0], $0xffff  }
0x124: {  	v46 =	vor.u32 s2, v18;
	v55 =	vor.u32 s25, v15;
	v44 =	vld.idx.msk [tilespmem:v44+s4+$0x0], $0xffff;
	[tilespmem:v56+s16+$0x0] =	vst.idx.msk $0xffff, v35  }
0x125: {  	v35 =	vor.u32 s31, v2;
	v56 =	vor.u32 s11, v63;
	[tilespmem:v32+s16+$0x0] =	vst.idx.msk $0xffff, v37;
	v32 =	vld.idx.msk [tilespmem:v57+s4+$0x0], $0xffff  }
0x126: {  	[tilespmem:v58+s16+$0x0] =	vst.idx.msk $0xffff, v34;
	v58 =	vor.u32 s15, v19;
	v57 =	vor.u32 s1, v3;
	v42 =	vld.idx.msk [tilespmem:v42+s4+$0x0], $0xffff  }
0x127: {  	s0 =	simm.s32 $0x820;
	v43 =	vor.u32 s7, v63;
	v47 =	vld.idx.msk [tilespmem:v50+s4+$0x0], $0xffff;
	v50 =	vor.u32 s10, v20;
	[tilespmem:v59+s16+$0x0] =	vst.idx.msk $0xffff, v48  }
0x128: {  	v48 =	vor.u32 s0, v52;
	v59 =	vor.u32 s30, v3;
	v36 =	vld.idx.msk [tilespmem:v36+s4+$0x0], $0xffff;
	[tilespmem:v54+s16+$0x0] =	vst.idx.msk $0xffff, v38  }
0x129: {  	v54 =	vor.u32 s19, v2;
	[tilespmem:v55+s16+$0x0] =	vst.idx.msk $0xffff, v41;
	v55 =	vor.u32 s13, v15;
	v41 =	vld.idx.msk [tilespmem:v46+s4+$0x0], $0xffff  }
0x12a: {  	v46 =	vor.u32 s12, v19;
	[tilespmem:v56+s16+$0x0] =	vst.idx.msk $0xffff, v44;
	v35 =	vld.idx.msk [tilespmem:v35+s4+$0x0], $0xffff;
	v44 =	vor.u32 s6, v16  }
0x12b: {  	v56 =	vor.u32 s8, v63;
	v37 =	vld.idx.msk [tilespmem:v57+s4+$0x0], $0xffff;
	v57 =	vor.u32 s2, v20;
	[tilespmem:v58+s16+$0x0] =	vst.idx.msk $0xffff, v32  }
0x12c: {  	v32 =	vor.u32 s5, v30;
	v58 =	vor.u32 s11, v4;
	[tilespmem:v43+s16+$0x0] =	vst.idx.msk $0xffff, v42;
	v42 =	vld.idx.msk [tilespmem:v50+s4+$0x0], $0xffff  }
0x12d: {  	v51 =	vor.u32 s1, v61;
	v43 =	vor.u32 s15, v21;
	[tilespmem:v48+s16+$0x0] =	vst.idx.msk $0xffff, v47;
	v50 =	vld.idx.msk [tilespmem:v59+s4+$0x0], $0xffff  }
0x12e: {  	v59 =	vor.u32 s7, v4;
	v38 =	vld.idx.msk [tilespmem:v54+s4+$0x0], $0xffff;
	v54 =	vor.u32 s10, v22;
	[tilespmem:v55+s16+$0x0] =	vst.idx.msk $0xffff, v36  }
0x12f: {  	v40 =	vor.u32 s0, v63;
	v55 =	vor.u32 s31, v3;
	[tilespmem:v46+s16+$0x0] =	vst.idx.msk $0xffff, v41;
	v44 =	vld.idx.msk [tilespmem:v44+s4+$0x0], $0xffff  }
0x130: {  	v41 =	vor.u32 s19, v3;
	[tilespmem:v56+s16+$0x0] =	vst.idx.msk $0xffff, v35;
	v35 =	vor.u32 s13, v17;
	v45 =	vld.idx.msk [tilespmem:v57+s4+$0x0], $0xffff  }
0x131: {  	v48 =	vor.u32 s28, v7;
	[tilespmem:v58+s16+$0x0] =	vst.idx.msk $0xffff, v37;
	v57 =	vor.u32 s6, v18;
	v32 =	vld.idx.msk [tilespmem:v32+s4+$0x0], $0xffff  }
0x132: {  	v56 =	vor.u32 s12, v21;
	v58 =	vor.u32 s9, v22;
	v51 =	vld.idx.msk [tilespmem:v51+s4+$0x0], $0xffff;
	[tilespmem:v43+s16+$0x0] =	vst.idx.msk $0xffff, v42  }
0x133: {  	v53 =	vor.u32 s2, v22;
	[tilespmem:v59+s16+$0x0] =	vst.idx.msk $0xffff, v50;
	v59 =	vor.u32 s11, v7;
	v36 =	vld.idx.msk [tilespmem:v54+s4+$0x0], $0xffff  }
0x134: {  	v37 =	vor.u32 s17, v31;
	v54 =	vor.u32 s1, v8;
	[tilespmem:v40+s16+$0x0] =	vst.idx.msk $0xffff, v38;
	v38 =	vld.idx.msk [tilespmem:v55+s4+$0x0], $0xffff  }
0x135: {  	v55 =	vor.u32 s15, v23;
	v41 =	vld.idx.msk [tilespmem:v41+s4+$0x0], $0xffff;
	[tilespmem:v35+s16+$0x0] =	vst.idx.msk $0xffff, v44  }
0x136: {  	[tilespmem:v48+s16+$0x0] =	vst.idx.msk $0xffff, v39;
	v35 =	vor.u32 s10, v24;
	v44 =	vor.u32 s0, v4;
	v34 =	vld.idx.msk [tilespmem:v57+s4+$0x0], $0xffff  }
0x137: {  	v50 =	vor.u32 s26, v16;
	[tilespmem:v56+s16+$0x0] =	vst.idx.msk $0xffff, v45;
	v57 =	vor.u32 s13, v19;
	v49 =	vld.idx.msk [tilespmem:v58+s4+$0x0], $0xffff  }
0x138: {  	v56 =	vor.u32 s29, v8;
	[tilespmem:v59+s16+$0x0] =	vst.idx.msk $0xffff, v51;
	v59 =	vor.u32 s3, v23;
	v42 =	vld.idx.msk [tilespmem:v53+s4+$0x0], $0xffff  }
0x139: {  	[tilespmem:v37+s16+$0x0] =	vst.idx.msk $0xffff, v32;
	v58 =	vor.u32 s30, v61;
	v47 =	vld.idx.msk [tilespmem:v54+s4+$0x0], $0xffff;
	v54 =	vor.u32 s12, v23  }
0x13a: {  	v43 =	vor.u32 s9, v24;
	[tilespmem:v55+s16+$0x0] =	vst.idx.msk $0xffff, v36;
	v55 =	vor.u32 s11, v62  }
0x13b: {  	v39 =	vor.u32 s2, v24;
	v35 =	vld.idx.msk [tilespmem:v35+s4+$0x0], $0xffff;
	[tilespmem:v44+s16+$0x0] =	vst.idx.msk $0xffff, v41;
	v44 =	vor.u32 s15, v25  }
0x13c: {  	v5 =	vmovc v3;
	v3 =	vmov v2;
	v48 =	vor.u32 s25, v17;
	v53 =	vor.u32 s1, v10;
	v41 =	vld.idx.msk [tilespmem:v50+s4+$0x0], $0xffff;
	[tilespmem:v57+s16+$0x0] =	vst.idx.msk $0xffff, v34  }
0x13d: {  	v2 =	vmovc v52;
	v52 =	vor.u32 s6, v22;
	v45 =	vld.idx.msk [tilespmem:v56+s4+$0x0], $0xffff;
	v56 =	vor.u32 s6, v20;
	v57 =	vor.u32 s8, v4;
	[tilespmem:v59+s16+$0x0] =	vst.idx.msk $0xffff, v49  }
0x13e: {  	v32 =	vld.idx.msk [tilespmem:v58+s4+$0x0], $0xffff;
	v58 =	vor.u32 s10, v26;
	v59 =	vor.u32 s7, v7;
	[tilespmem:v54+s16+$0x0] =	vst.idx.msk $0xffff, v42  }
0x13f: {  	v49 =	vor.u32 s31, v61;
	v43 =	vld.idx.msk [tilespmem:v43+s4+$0x0], $0xffff;
	[tilespmem:v55+s16+$0x0] =	vst.idx.msk $0xffff, v47;
	v55 =	vor.u32 s3, v25  }
0x140: {  	v46 =	vor.u32 s12, v27;
	v51 =	vor.u32 s12, v25;
	v54 =	vor.u32 s30, v8;
	v39 =	vld.idx.msk [tilespmem:v39+s4+$0x0], $0xffff;
	[tilespmem:v44+s16+$0x0] =	vst.idx.msk $0xffff, v35  }
0x141: {  	v47 =	vor.u32 s9, v26;
	v40 =	vld.idx.msk [tilespmem:v53+s4+$0x0], $0xffff;
	[tilespmem:v48+s16+$0x0] =	vst.idx.msk $0xffff, v41;
	v35 =	vor.u32 s28, v62  }
0x142: {  	v41 =	vor.u32 s2, v26;
	v34 =	vld.idx.msk [tilespmem:v56+s4+$0x0], $0xffff;
	[tilespmem:v57+s16+$0x0] =	vst.idx.msk $0xffff, v38;
	v57 =	vor.u32 s13, v21  }
0x143: {  	v56 =	vor.u32 s29, v10;
	v37 =	vld.idx.msk [tilespmem:v58+s4+$0x0], $0xffff;
	v58 =	vor.u32 s11, v11;
	[tilespmem:v59+s16+$0x0] =	vst.idx.msk $0xffff, v32  }
0x144: {  	v36 =	vor.u32 s15, v27;
	v48 =	vld.idx.msk [tilespmem:v49+s4+$0x0], $0xffff;
	v59 =	vor.u32 s26, v18;
	[tilespmem:v55+s16+$0x0] =	vst.idx.msk $0xffff, v43  }
0x145: {  	v42 =	vor.u32 s1, v12;
	v50 =	vld.idx.msk [tilespmem:v54+s4+$0x0], $0xffff;
	v54 =	vor.u32 s8, v7;
	[tilespmem:v51+s16+$0x0] =	vst.idx.msk $0xffff, v39  }
0x146: {  	v49 =	vor.u32 s2, v28;
	v43 =	vor.u32 s24, v13;
	v47 =	vld.idx.msk [tilespmem:v47+s4+$0x0], $0xffff;
	[tilespmem:v35+s16+$0x0] =	vst.idx.msk $0xffff, v45  }
0x147: {  	v39 =	vor.u32 s3, v27;
	v45 =	vld.idx.msk [tilespmem:v41+s4+$0x0], $0xffff;
	v41 =	vor.u32 s10, v28;
	[tilespmem:v57+s16+$0x0] =	vst.idx.msk $0xffff, v34  }
0x148: {  	v38 =	vor.u32 s9, v30;
	v51 =	vor.u32 s9, v28;
	v55 =	vor.u32 s31, v8;
	v53 =	vld.idx.msk [tilespmem:v56+s4+$0x0], $0xffff;
	[tilespmem:v58+s16+$0x0] =	vst.idx.msk $0xffff, v40  }
0x149: {  	v35 =	vor.u32 s28, v13;
	v56 =	vor.u32 s28, v11;
	[tilespmem:v36+s16+$0x0] =	vst.idx.msk $0xffff, v37;
	v58 =	vor.u32 s7, v62;
	v57 =	vld.idx.msk [tilespmem:v59+s4+$0x0], $0xffff  }
0x14a: {  	v34 =	vor.u32 s31, v10;
	v37 =	vor.u32 s19, v61;
	v32 =	vld.idx.msk [tilespmem:v42+s4+$0x0], $0xffff;
	[tilespmem:v54+s16+$0x0] =	vst.idx.msk $0xffff, v48  }
0x14b: {  	v40 =	vor.u32 s23, v14;
	v42 =	vld.idx.msk [tilespmem:v52+s4+$0x0], $0xffff;
	v59 =	vor.u32 s30, v10;
	[tilespmem:v43+s16+$0x0] =	vst.idx.msk $0xffff, v33  }
0x14c: {  	v43 =	vor.u32 s29, v12;
	[tilespmem:v39+s16+$0x0] =	vst.idx.msk $0xffff, v47;
	v44 =	vld.idx.msk [tilespmem:v41+s4+$0x0], $0xffff;
	v39 =	vor.u32 s25, v19  }
0x14d: {  	v52 =	vor.u32 s12, v29;
	v54 =	vor.u32 s15, v29;
	[tilespmem:v46+s16+$0x0] =	vst.idx.msk $0xffff, v45;
	v47 =	vld.idx.msk [tilespmem:v55+s4+$0x0], $0xffff  }
0x14e: {  	v36 =	vor.u32 s0, v7;
	v33 =	vor.u32 s0, v13;
	v41 =	vld.idx.msk [tilespmem:v51+s4+$0x0], $0xffff;
	v51 =	vor.u32 s13, v23;
	[tilespmem:v56+s16+$0x0] =	vst.idx.msk $0xffff, v53  }
0x14f: {  	v55 =	vor.u32 s3, v29;
	v48 =	vld.idx.msk [tilespmem:v49+s4+$0x0], $0xffff;
	v49 =	vor.u32 s6, v24;
	[tilespmem:v58+s16+$0x0] =	vst.idx.msk $0xffff, v50  }
0x150: {  	v50 =	vor.u32 s10, v30;
	v53 =	vor.u32 s2, v30;
	v56 =	vor.u32 s8, v62;
	v46 =	vld.idx.msk [tilespmem:v59+s4+$0x0], $0xffff  }
0x151: {  	v6 =	vmovc v4;
	v4 =	vmov v63;
	s9 =	simm.s32 $0x8;
	s10 =	simm.s32 $0x1830;
	s2 =	simm.s32 $0x830;
	v45 =	vld.idx.msk [tilespmem:v43+s4+$0x0], $0xffff;
	v43 =	vor.u32 s13, v25;
	[tilespmem:v39+s16+$0x0] =	vst.idx.msk $0xffff, v57;
	v39 =	vor.u32 s15, v31  }
.LBB2_4:
0x152: {  	_ = 	snop  }
0x153: {  	[tilespmem:v51+s16+$0x0] =	vst.idx.msk $0xffff, v42  }
0x154: {  	v40 =	vld.idx.msk [tilespmem:v40+s4+$0x0], $0xffff;
	[tilespmem:v54+s16+$0x0] =	vst.idx.msk $0xffff, v44  }
0x155: {  	v59 =	vor.u32 s29, v14;
	v51 =	vor.u32 s7, v11;
	[tilespmem:v55+s16+$0x0] =	vst.idx.msk $0xffff, v41;
	v49 =	vld.idx.msk [tilespmem:v49+s4+$0x0], $0xffff  }
0x156: {  	v54 =	vor.u32 s30, v12;
	[tilespmem:v52+s16+$0x0] =	vst.idx.msk $0xffff, v48;
	v48 =	vld.idx.msk [tilespmem:v50+s4+$0x0], $0xffff  }
0x157: {  	[tilespmem:v56+s16+$0x0] =	vst.idx.msk $0xffff, v47;
	v38 =	vld.idx.msk [tilespmem:v38+s4+$0x0], $0xffff;
	v56 =	vor.u32 s26, v20  }
0x158: {  	v52 =	vor.u32 s6, v26;
	v47 =	vor.u32 s3, v31;
	v41 =	vld.idx.msk [tilespmem:v53+s4+$0x0], $0xffff  }
0x159: {  	[tilespmem:v35+s16+$0x0] =	vst.idx.msk $0xffff, v45;
	v53 =	vor.u32 s12, v31;
	v55 =	vld.idx.msk [tilespmem:v34+s4+$0x0], $0xffff  }
0x15a: {  	s17 =	sadd.s32 $0xFFFFE800, s10;
	v57 =	vor.u32 s10, v60;
	v45 =	vor.u32 s2, v11;
	[tilespmem:v51+s16+$0x0] =	vst.idx.msk $0xffff, v46;
	v46 =	vld.idx.msk [tilespmem:v59+s4+$0x0], $0xffff  }
0x15b: {  	s5 =	sadd.s32 $0xFFFFF000, s10;
	v42 =	vor.u32 s17, v60;
	s12 =	smov.u32 s24;
	v59 =	vor.u32 s28, v15;
	v54 =	vld.idx.msk [tilespmem:v54+s4+$0x0], $0xffff;
	[tilespmem:v43+s16+$0x0] =	vst.idx.msk $0xffff, v49  }
0x15c: {  	v9 =	vmov v8;
	v44 =	vor.u32 s5, v60;
	v49 =	vor.u32 s12, v15;
	[tilespmem:v39+s16+$0x0] =	vst.idx.msk $0xffff, v48;
	v56 =	vld.idx.msk [tilespmem:v56+s4+$0x0], $0xffff  }
0x15d: {  	s15 =	sadd.s32 $0xFFFFF800, s10;
	v8 =	vmovc v7;
	v7 =	vmov v61;
	v61 =	vor.u32 s13, v27;
	s3 =	smov.u32 s25;
	s25 =	smov.u32 s7;
	v51 =	vor.u32 s29, v16;
	[tilespmem:v47+s16+$0x0] =	vst.idx.msk $0xffff, v38;
	v52 =	vld.idx.msk [tilespmem:v52+s4+$0x0], $0xffff  }
0x15e: {  	s8 =	sadd.s32 $0x400, s8;
	v50 =	vor.u32 s15, v60;
	v60 =	vor.u32 s23, v16;
	[tilespmem:v53+s16+$0x0] =	vst.idx.msk $0xffff, v41;
	v53 =	vor.u32 s25, v13  }
0x15f: {  	v43 =	vor.u32 s8, v2;
	v48 =	vld.idx.msk [tilespmem:v57+s4+$0x0], $0xffff;
	[tilespmem:v45+s16+$0x0] =	vst.idx.msk $0xffff, v55;
	v55 =	vor.u32 s30, v14  }
0x160: {  	v63 =	vor.u32 s3, v21;
	v38 =	vld.idx.msk [tilespmem:v42+s4+$0x0], $0xffff;
	[tilespmem:v59+s16+$0x0] =	vst.idx.msk $0xffff, v46  }
0x161: {  	v58 =	vor.u32 s10, v10;
	s24 =	smov.u32 s11;
	s11 =	sadd.s32 $0xFFFFFFE0, s8;
	v57 =	vor.u32 s31, v12;
	v44 =	vld.idx.msk [tilespmem:v44+s4+$0x0], $0xffff;
	[tilespmem:v49+s16+$0x0] =	vst.idx.msk $0xffff, v40  }
0x162: {  	v62 =	vor.u32 s6, v28;
	s7 =	sadd.s32 $0xFFFFFFD0, s8;
	v41 =	vor.u32 s11, v2;
	v40 =	vld.idx.msk [tilespmem:v51+s4+$0x0], $0xffff;
	[tilespmem:v61+s16+$0x0] =	vst.idx.msk $0xffff, v52  }
0x163: {  	v34 =	vmov v58;
	v58 =	vor.u32 s7, v2;
	v42 =	vor.u32 s5, v3;
	v49 =	vld.idx.msk [tilespmem:v60+s4+$0x0], $0xffff;
	[tilespmem:v53+s16+$0x0] =	vst.idx.msk $0xffff, v54  }
0x164: {  	v39 =	vor.u32 s17, v3;
	v51 =	vor.u32 s28, v17;
	[tilespmem:v43+s16+$0x0] =	vst.idx.msk $0xffff, v48;
	v55 =	vld.idx.msk [tilespmem:v55+s4+$0x0], $0xffff  }
0x165: {  	v59 =	vor.u32 s29, v18;
	[tilespmem:v63+s16+$0x0] =	vst.idx.msk $0xffff, v56;
	v56 =	vor.u32 s12, v17;
	v63 =	vld.idx.msk [tilespmem:v37+s4+$0x0], $0xffff  }
0x166: {  	v53 =	vor.u32 s2, v13;
	v43 =	vld.idx.msk [tilespmem:v57+s4+$0x0], $0xffff  }
0x167: {  	[tilespmem:v41+s16+$0x0] =	vst.idx.msk $0xffff, v44;
	v37 =	vor.u32 s23, v18;
	v54 =	vld.idx.msk [tilespmem:v62+s4+$0x0], $0xffff;
	v62 =	vor.u32 s25, v15  }
0x168: {  	v60 =	vor.u32 s13, v29;
	v42 =	vld.idx.msk [tilespmem:v42+s4+$0x0], $0xffff;
	[tilespmem:v58+s16+$0x0] =	vst.idx.msk $0xffff, v38  }
0x169: {  	v61 =	vor.u32 s11, v4;
	v48 =	vor.u32 s31, v14;
	v39 =	vld.idx.msk [tilespmem:v39+s4+$0x0], $0xffff;
	[tilespmem:v51+s16+$0x0] =	vst.idx.msk $0xffff, v40  }
0x16a: {  	v46 =	vor.u32 s10, v3;
	v52 =	vor.u32 s7, v4;
	v38 =	vld.idx.msk [tilespmem:v59+s4+$0x0], $0xffff;
	[tilespmem:v56+s16+$0x0] =	vst.idx.msk $0xffff, v49  }
0x16b: {  	v41 =	vor.u32 s5, v5;
	v50 =	vld.idx.msk [tilespmem:v50+s4+$0x0], $0xffff;
	[tilespmem:v53+s16+$0x0] =	vst.idx.msk $0xffff, v43;
	v43 =	vor.u32 s28, v19  }
0x16c: {  	s21 =	sadd.s32 $0xFFFFFFF0, s8;
	v56 =	vor.u32 s12, v19;
	v53 =	vor.u32 s29, v20;
	[tilespmem:v62+s16+$0x0] =	vst.idx.msk $0xffff, v55;
	v55 =	vld.idx.msk [tilespmem:v37+s4+$0x0], $0xffff  }
0x16d: {  	v47 =	vor.u32 s21, v2;
	v57 =	vor.u32 s17, v5;
	v62 =	vld [tilespmem:$0x1FFF0];
	[tilespmem:v60+s16+$0x0] =	vst.idx.msk $0xffff, v54  }
0x16e: {  	v45 =	vor.u32 s15, v3;
	[tilespmem:v61+s16+$0x0] =	vst.idx.msk $0xffff, v42;
	v54 =	vor.u32 s2, v15;
	v48 =	vld.idx.msk [tilespmem:v48+s4+$0x0], $0xffff  }
0x16f: {  	v1 =	vor.u32 s8, v4;
	v58 =	vor.u32 s31, v16;
	[tilespmem:v52+s16+$0x0] =	vst.idx.msk $0xffff, v39;
	v46 =	vld.idx.msk [tilespmem:v46+s4+$0x0], $0xffff  }
0x170: {  	v49 =	vor.u32 s11, v6;
	v41 =	vld.idx.msk [tilespmem:v41+s4+$0x0], $0xffff;
	v60 =	vor.u32 s23, v20;
	[tilespmem:v43+s16+$0x0] =	vst.idx.msk $0xffff, v38  }
0x171: {  	v59 =	vor.u32 s6, v30;
	v61 =	vmov v7;
	v38 =	vor.u32 s28, v21;
	[tilespmem:v56+s16+$0x0] =	vst.idx.msk $0xffff, v55;
	v43 =	vld.idx.msk [tilespmem:v53+s4+$0x0], $0xffff  }
0x172: {  	v51 =	vor.u32 s7, v6;
	v52 =	vld.idx.msk [tilespmem:v57+s4+$0x0], $0xffff;
	v53 =	vor.u32 s5, v61;
	[tilespmem:v47+s16+$0x0] =	vst.idx.msk $0xffff, v50  }
0x173: {  	v44 =	vor.u32 s21, v4;
	v45 =	vld.idx.msk [tilespmem:v45+s4+$0x0], $0xffff;
	[tilespmem:v54+s16+$0x0] =	vst.idx.msk $0xffff, v48;
	v48 =	vor.u32 s29, v22  }
0x174: {  	v40 =	vor.u32 s10, v5;
	v50 =	vld.idx.msk [tilespmem:v58+s4+$0x0], $0xffff;
	[tilespmem:v1+s16+$0x0] =	vst.idx.msk $0xffff, v46;
	v1 =	vor.u32 s2, v17  }
0x175: {  	v0 =	vor.u32 s15, v5;
	s6 =	smov.u32 s31;
	v54 =	vor.u32 s12, v21;
	v46 =	vld.idx.msk [tilespmem:v60+s4+$0x0], $0xffff;
	[tilespmem:v49+s16+$0x0] =	vst.idx.msk $0xffff, v41  }
0x176: {  	v7 =	vmov v8;
	v41 =	vor.u32 s6, v18;
	v56 =	vld.idx.msk [tilespmem:v59+s4+$0x0], $0xffff;
	[tilespmem:v38+s16+$0x0] =	vst.idx.msk $0xffff, v43;
	v38 =	vor.u32 s13, v31  }
0x177: {  	[tilespmem:v51+s16+$0x0] =	vst.idx.msk $0xffff, v52;
	v49 =	vor.u32 s26, v22;
	v53 =	vld.idx.msk [tilespmem:v53+s4+$0x0], $0xffff;
	v43 =	vor.u32 s11, v7  }
0x178: {  	v60 =	vor.u32 s23, v22;
	v48 =	vld.idx.msk [tilespmem:v48+s4+$0x0], $0xffff;
	[tilespmem:v44+s16+$0x0] =	vst.idx.msk $0xffff, v45  }
0x179: {  	v58 =	vor.u32 s5, v9;
	v40 =	vld.idx.msk [tilespmem:v40+s4+$0x0], $0xffff;
	v59 =	vor.u32 s28, v23;
	[tilespmem:v1+s16+$0x0] =	vst.idx.msk $0xffff, v50  }
0x17a: {  	v55 =	vor.u32 s17, v61;
	v0 =	vld.idx.msk [tilespmem:v0+s4+$0x0], $0xffff;
	[tilespmem:v54+s16+$0x0] =	vst.idx.msk $0xffff, v46  }
0x17b: {  	v42 =	vor.u32 s21, v6;
	v1 =	vor.u32 s29, v24;
	v41 =	vld.idx.msk [tilespmem:v41+s4+$0x0], $0xffff;
	[tilespmem:v38+s16+$0x0] =	vst.idx.msk $0xffff, v56  }
0x17c: {  	v45 =	vor.u32 s30, v16;
	v49 =	vld.idx.msk [tilespmem:v49+s4+$0x0], $0xffff;
	[tilespmem:v43+s16+$0x0] =	vst.idx.msk $0xffff, v53;
	v38 =	vor.u32 s3, v23  }
0x17d: {  	v57 =	vor.u32 s21, v7;
	v46 =	vor.u32 s19, v9;
	v51 =	vld.idx.msk [tilespmem:v60+s4+$0x0], $0xffff;
	v60 =	vor.u32 s12, v23  }
0x17e: {  	s13 =	smov.u32 s2;
	v44 =	vor.u32 s11, v62;
	v43 =	vor.u32 s26, v24;
	v52 =	vld.idx.msk [tilespmem:v58+s4+$0x0], $0xffff;
	[tilespmem:v59+s16+$0x0] =	vst.idx.msk $0xffff, v48  }
0x17f: {  	v50 =	vor.u32 s13, v19;
	v48 =	vor.u32 s23, v24;
	v58 =	vld.idx.msk [tilespmem:v55+s4+$0x0], $0xffff;
	[tilespmem:v36+s16+$0x0] =	vst.idx.msk $0xffff, v63  }
0x180: {  	v56 =	vor.u32 s5, v10;
	v1 =	vld.idx.msk [tilespmem:v1+s4+$0x0], $0xffff;
	[tilespmem:v42+s16+$0x0] =	vst.idx.msk $0xffff, v0;
	v42 =	vor.u32 s28, v25  }
0x181: {  	v36 =	vmov v57;
	v57 =	vor.u32 s6, v20;
	v0 =	vld.idx.msk [tilespmem:v45+s4+$0x0], $0xffff;
	v45 =	vor.u32 s25, v17;
	[tilespmem:v38+s16+$0x0] =	vst.idx.msk $0xffff, v49  }
0x182: {  	v39 =	vor.u32 s8, v6;
	v59 =	vor.u32 s29, v26;
	v46 =	vld.idx.msk [tilespmem:v46+s4+$0x0], $0xffff;
	[tilespmem:v60+s16+$0x0] =	vst.idx.msk $0xffff, v51  }
0x183: {  	v47 =	vor.u32 s10, v61;
	v53 =	vor.u32 s7, v7;
	v43 =	vld.idx.msk [tilespmem:v43+s4+$0x0], $0xffff;
	[tilespmem:v44+s16+$0x0] =	vst.idx.msk $0xffff, v52  }
0x184: {  	v63 =	vor.u32 s3, v25;
	[tilespmem:v50+s16+$0x0] =	vst.idx.msk $0xffff, v41;
	v60 =	vor.u32 s17, v9;
	v48 =	vld.idx.msk [tilespmem:v48+s4+$0x0], $0xffff  }
0x185: {  	v54 =	vor.u32 s12, v25;
	v52 =	vor.u32 s26, v26;
	v51 =	vld.idx.msk [tilespmem:v56+s4+$0x0], $0xffff;
	[tilespmem:v42+s16+$0x0] =	vst.idx.msk $0xffff, v1  }
0x186: {  	v41 =	vor.u32 s23, v26;
	[tilespmem:v45+s16+$0x0] =	vst.idx.msk $0xffff, v0;
	v0 =	vor.u32 s0, v62;
	v1 =	vld.idx.msk [tilespmem:v57+s4+$0x0], $0xffff  }
0x187: {  	[tilespmem:v39+s16+$0x0] =	vst.idx.msk $0xffff, v40;
	v56 =	vor.u32 s19, v10;
	v57 =	vor.u32 s13, v21;
	v38 =	vld.idx.msk [tilespmem:v59+s4+$0x0], $0xffff  }
0x188: {  	[tilespmem:v53+s16+$0x0] =	vst.idx.msk $0xffff, v58;
	v58 =	vor.u32 s11, v11;
	v45 =	vld.idx.msk [tilespmem:v47+s4+$0x0], $0xffff;
	v59 =	vor.u32 s30, v18  }
0x189: {  	v49 =	vor.u32 s5, v12;
	v53 =	vld.idx.msk [tilespmem:v60+s4+$0x0], $0xffff;
	[tilespmem:v63+s16+$0x0] =	vst.idx.msk $0xffff, v43;
	v43 =	vor.u32 s28, v27  }
0x18a: {  	v60 =	vor.u32 s24, v13;
	v63 =	vor.u32 s6, v22;
	v52 =	vld.idx.msk [tilespmem:v52+s4+$0x0], $0xffff;
	[tilespmem:v54+s16+$0x0] =	vst.idx.msk $0xffff, v48  }
0x18b: {  	[tilespmem:v0+s16+$0x0] =	vst.idx.msk $0xffff, v46;
	v0 =	vor.u32 s3, v27;
	v46 =	vld.idx.msk [tilespmem:v41+s4+$0x0], $0xffff;
	v41 =	vor.u32 s29, v28  }
0x18c: {  	[tilespmem:v57+s16+$0x0] =	vst.idx.msk $0xffff, v1;
	v1 =	vor.u32 s26, v28;
	v48 =	vor.u32 s12, v27;
	v39 =	vld.idx.msk [tilespmem:v56+s4+$0x0], $0xffff  }
0x18d: {  	v47 =	vor.u32 s23, v28;
	v54 =	vor.u32 s8, v7;
	[tilespmem:v58+s16+$0x0] =	vst.idx.msk $0xffff, v51;
	v57 =	vld.idx.msk [tilespmem:v59+s4+$0x0], $0xffff  }
0x18e: {  	v55 =	vor.u32 s10, v9;
	v58 =	vor.u32 s0, v11;
	v56 =	vld.idx.msk [tilespmem:v49+s4+$0x0], $0xffff;
	[tilespmem:v43+s16+$0x0] =	vst.idx.msk $0xffff, v38  }
0x18f: {  	v43 =	vor.u32 s7, v62;
	[tilespmem:v60+s16+$0x0] =	vst.idx.msk $0xffff, v32;
	v32 =	vor.u32 s19, v12;
	v42 =	vld.idx.msk [tilespmem:v63+s4+$0x0], $0xffff  }
0x190: {  	s9 =	sadd.s32 $0x4, s9;
	v35 =	vmov v33;
	v33 =	vor.u32 s21, v13;
	v59 =	vor.u32 s17, v10;
	[tilespmem:v0+s16+$0x0] =	vst.idx.msk $0xffff, v52;
	v44 =	vld.idx.msk [tilespmem:v41+s4+$0x0], $0xffff  }
0x191: {  	p6 =	slt.u32 s9, $0x1C;
	v37 =	vor.u32 s15, v61;
	v60 =	vor.u32 s25, v19;
	v41 =	vld.idx.msk [tilespmem:v1+s4+$0x0], $0xffff;
	[tilespmem:v48+s16+$0x0] =	vst.idx.msk $0xffff, v46  }
.Ltmp5:
0x192: {  	v50 =	vor.u32 s29, v30;
	v40 =	vor.u32 s1, v14;
	[tilespmem:v54+s16+$0x0] =	vst.idx.msk $0xffff, v45;
	v48 =	vld.idx.msk [tilespmem:v47+s4+$0x0], $0xffff;
	(pc) =	sbr.rel @p6 .LBB2_4-.Ltmp5, $4  }
0x193: {  	s31 =	smov.u32 s10;
	s2 =	smov.u32 s8;
	v51 =	vor.u32 s13, v23;
	v49 =	vor.u32 s6, v24;
	[tilespmem:v58+s16+$0x0] =	vst.idx.msk $0xffff, v39;
	v47 =	vld.idx.msk [tilespmem:v55+s4+$0x0], $0xffff  }
0x194: {  	s10 =	sadd.s32 $0x10, s10;
	s29 =	smov.u32 s19;
	v38 =	vor.u32 s26, v30;
	s26 =	smov.u32 s30;
	v54 =	vor.u32 s28, v29;
	[tilespmem:v43+s16+$0x0] =	vst.idx.msk $0xffff, v53;
	v45 =	vld.idx.msk [tilespmem:v32+s4+$0x0], $0xffff  }
0x195: {  	s30 =	smov.u32 s17;
	s19 =	smov.u32 s15;
	v52 =	vor.u32 s12, v29;
	v39 =	vor.u32 s28, v31;
	s28 =	smov.u32 s0;
	v55 =	vor.u32 s3, v29;
	v46 =	vld.idx.msk [tilespmem:v59+s4+$0x0], $0xffff  }
0x196: {  	v8 =	vmovc v9;
	s0 =	smov.u32 s21;
	v53 =	vor.u32 s23, v30;
	v32 =	vmovc v56;
	s23 =	smov.u32 s1;
	s1 =	smov.u32 s5;
	v56 =	vor.u32 s8, v62;
	v43 =	vor.u32 s13, v25;
	[tilespmem:v60+s16+$0x0] =	vst.idx.msk $0xffff, v57;
	v60 =	vld [tilespmem:$0x1FFE0]  }
0x197: {  	_ =	sdelay $0x3  }
0x198: {  	[tilespmem:v51+s16+$0x0] =	vst.idx.msk $0xffff, v42  }
0x199: {  	v0 =	vor.u32 s7, v11;
	[tilespmem:v54+s16+$0x0] =	vst.idx.msk $0xffff, v44  }
0x19a: {  	v1 =	vor.u32 s29, v14;
	[tilespmem:v52+s16+$0x0] =	vst.idx.msk $0xffff, v48;
	v37 =	vld.idx.msk [tilespmem:v37+s4+$0x0], $0xffff  }
0x19b: {  	[tilespmem:v55+s16+$0x0] =	vst.idx.msk $0xffff, v41;
	v57 =	vor.u32 s19, v8;
	v42 =	vld.idx.msk [tilespmem:v49+s4+$0x0], $0xffff  }
0x19c: {  	v44 =	vld.idx.msk [tilespmem:v50+s4+$0x0], $0xffff;
	[tilespmem:v56+s16+$0x0] =	vst.idx.msk $0xffff, v47  }
0x19d: {  	v58 =	vor.u32 s12, v31;
	v47 =	vld.idx.msk [tilespmem:v53+s4+$0x0], $0xffff;
	[tilespmem:v35+s16+$0x0] =	vst.idx.msk $0xffff, v45  }
0x19e: {  	v59 =	vor.u32 s6, v26;
	v63 =	vor.u32 s3, v31;
	v38 =	vld.idx.msk [tilespmem:v38+s4+$0x0], $0xffff;
	[tilespmem:v0+s16+$0x0] =	vst.idx.msk $0xffff, v46  }
0x19f: {  	v0 =	vor.u32 s30, v12;
	v1 =	vld.idx.msk [tilespmem:v1+s4+$0x0], $0xffff;
	v46 =	vor.u32 s28, v15;
	[tilespmem:v36+s16+$0x0] =	vst.idx.msk $0xffff, v37  }
0x1a0: {  	v52 =	vor.u32 s29, v16;
	v53 =	vor.u32 s0, v62;
	[tilespmem:v43+s16+$0x0] =	vst.idx.msk $0xffff, v42;
	v37 =	vld.idx.msk [tilespmem:v57+s4+$0x0], $0xffff  }
0x1a1: {  	v54 =	vor.u32 s2, v11;
	v55 =	vor.u32 s19, v10;
	v34 =	vld.idx.msk [tilespmem:v34+s4+$0x0], $0xffff;
	[tilespmem:v39+s16+$0x0] =	vst.idx.msk $0xffff, v44  }
0x1a2: {  	v40 =	vld.idx.msk [tilespmem:v40+s4+$0x0], $0xffff;
	v56 =	vor.u32 s26, v20;
	v57 =	vor.u32 s24, v15;
	[tilespmem:v58+s16+$0x0] =	vst.idx.msk $0xffff, v47  }
0x1a3: {  	v58 =	vor.u32 s13, v27;
	[tilespmem:v63+s16+$0x0] =	vst.idx.msk $0xffff, v38;
	v35 =	vld.idx.msk [tilespmem:v59+s4+$0x0], $0xffff;
	v59 =	vor.u32 s31, v12  }
0x1a4: {  	v49 =	vor.u32 s7, v13;
	v63 =	vor.u32 s23, v16;
	v0 =	vld.idx.msk [tilespmem:v0+s4+$0x0], $0xffff;
	[tilespmem:v46+s16+$0x0] =	vst.idx.msk $0xffff, v1  }
0x1a5: {  	v50 =	vor.u32 s28, v17;
	v1 =	vor.u32 s6, v28;
	v36 =	vld.idx.msk [tilespmem:v52+s4+$0x0], $0xffff;
	[tilespmem:v53+s16+$0x0] =	vst.idx.msk $0xffff, v37  }
0x1a6: {  	v51 =	vor.u32 s29, v18;
	[tilespmem:v54+s16+$0x0] =	vst.idx.msk $0xffff, v34;
	v52 =	vor.u32 s0, v11;
	v37 =	vld.idx.msk [tilespmem:v55+s4+$0x0], $0xffff  }
0x1a7: {  	v54 =	vor.u32 s25, v21;
	v53 =	vld.idx.msk [tilespmem:v56+s4+$0x0], $0xffff;
	[tilespmem:v57+s16+$0x0] =	vst.idx.msk $0xffff, v40;
	v55 =	vor.u32 s19, v12  }
0x1a8: {  	v57 =	vor.u32 s2, v13;
	[tilespmem:v58+s16+$0x0] =	vst.idx.msk $0xffff, v35;
	v56 =	vld.idx.msk [tilespmem:v59+s4+$0x0], $0xffff  }
0x1a9: {  	v38 =	vld.idx.msk [tilespmem:v63+s4+$0x0], $0xffff;
	v58 =	vor.u32 s31, v14;
	[tilespmem:v49+s16+$0x0] =	vst.idx.msk $0xffff, v0;
	v0 =	vor.u32 s24, v17  }
0x1aa: {  	v59 =	vor.u32 s13, v29;
	v63 =	vor.u32 s23, v18;
	v1 =	vld.idx.msk [tilespmem:v1+s4+$0x0], $0xffff;
	[tilespmem:v50+s16+$0x0] =	vst.idx.msk $0xffff, v36  }
0x1ab: {  	v48 =	vor.u32 s30, v14;
	v49 =	vor.u32 s28, v19;
	v34 =	vld.idx.msk [tilespmem:v51+s4+$0x0], $0xffff;
	[tilespmem:v52+s16+$0x0] =	vst.idx.msk $0xffff, v37  }
0x1ac: {  	[tilespmem:v54+s16+$0x0] =	vst.idx.msk $0xffff, v53;
	v50 =	vor.u32 s29, v20;
	v39 =	vld.idx.msk [tilespmem:v55+s4+$0x0], $0xffff  }
0x1ad: {  	[tilespmem:v57+s16+$0x0] =	vst.idx.msk $0xffff, v56;
	v51 =	vor.u32 s11, v13;
	v52 =	vor.u32 s19, v14  }
0x1ae: {  	v54 =	vor.u32 s1, v14;
	v53 =	vld.idx.msk [tilespmem:v58+s4+$0x0], $0xffff;
	[tilespmem:v0+s16+$0x0] =	vst.idx.msk $0xffff, v38;
	v0 =	vor.u32 s2, v15  }
0x1af: {  	v56 =	vor.u32 s31, v16;
	v55 =	vor.u32 s24, v19;
	[tilespmem:v59+s16+$0x0] =	vst.idx.msk $0xffff, v1;
	v1 =	vld.idx.msk [tilespmem:v63+s4+$0x0], $0xffff  }
0x1b0: {  	v36 =	vld.idx.msk [tilespmem:v48+s4+$0x0], $0xffff;
	v57 =	vor.u32 s7, v15;
	v59 =	vor.u32 s6, v30;
	[tilespmem:v49+s16+$0x0] =	vst.idx.msk $0xffff, v34  }
0x1b1: {  	v58 =	vor.u32 s23, v20;
	v63 =	vor.u32 s28, v21;
	v37 =	vld.idx.msk [tilespmem:v50+s4+$0x0], $0xffff;
	[tilespmem:v33+s16+$0x0] =	vst.idx.msk $0xffff, v39  }
0x1b2: {  	v48 =	vor.u32 s29, v22;
	[tilespmem:v51+s16+$0x0] =	vst.idx.msk $0xffff, v32;
	v50 =	vor.u32 s0, v15;
	v49 =	vld.idx.msk [tilespmem:v52+s4+$0x0], $0xffff  }
0x1b3: {  	v51 =	vor.u32 s19, v16;
	v52 =	vor.u32 s11, v15;
	[tilespmem:v0+s16+$0x0] =	vst.idx.msk $0xffff, v53;
	v0 =	vld.idx.msk [tilespmem:v54+s4+$0x0], $0xffff  }
0x1b4: {  	v54 =	vor.u32 s1, v16;
	v53 =	vld.idx.msk [tilespmem:v56+s4+$0x0], $0xffff;
	[tilespmem:v55+s16+$0x0] =	vst.idx.msk $0xffff, v1;
	v1 =	vor.u32 s2, v17  }
0x1b5: {  	[tilespmem:v57+s16+$0x0] =	vst.idx.msk $0xffff, v36;
	v57 =	vor.u32 s30, v16;
	v34 =	vld.idx.msk [tilespmem:v59+s4+$0x0], $0xffff;
	v59 =	vor.u32 s13, v31  }
0x1b6: {  	v56 =	vor.u32 s24, v21;
	v55 =	vld.idx.msk [tilespmem:v58+s4+$0x0], $0xffff;
	v58 =	vor.u32 s31, v18;
	[tilespmem:v63+s16+$0x0] =	vst.idx.msk $0xffff, v37  }
0x1b7: {  	v63 =	vor.u32 s26, v22;
	v33 =	vld.idx.msk [tilespmem:v48+s4+$0x0], $0xffff;
	v48 =	vor.u32 s28, v23;
	[tilespmem:v50+s16+$0x0] =	vst.idx.msk $0xffff, v49  }
0x1b8: {  	v35 =	vor.u32 s0, v17;
	v49 =	vor.u32 s23, v22;
	[tilespmem:v52+s16+$0x0] =	vst.idx.msk $0xffff, v0;
	v0 =	vld.idx.msk [tilespmem:v51+s4+$0x0], $0xffff  }
0x1b9: {  	v50 =	vor.u32 s19, v18;
	v51 =	vor.u32 s11, v17;
	[tilespmem:v1+s16+$0x0] =	vst.idx.msk $0xffff, v53;
	v1 =	vld.idx.msk [tilespmem:v54+s4+$0x0], $0xffff  }
0x1ba: {  	v52 =	vld.idx.msk [tilespmem:v57+s4+$0x0], $0xffff;
	[tilespmem:v59+s16+$0x0] =	vst.idx.msk $0xffff, v34;
	v53 =	vor.u32 s7, v17;
	v54 =	vor.u32 s1, v18  }
0x1bb: {  	v57 =	vor.u32 s30, v18;
	[tilespmem:v56+s16+$0x0] =	vst.idx.msk $0xffff, v55;
	v55 =	vld.idx.msk [tilespmem:v58+s4+$0x0], $0xffff;
	v56 =	vor.u32 s2, v19  }
0x1bc: {  	v58 =	vor.u32 s29, v24;
	v59 =	vld.idx.msk [tilespmem:v63+s4+$0x0], $0xffff;
	v63 =	vor.u32 s25, v23;
	[tilespmem:v48+s16+$0x0] =	vst.idx.msk $0xffff, v33  }
0x1bd: {  	v48 =	vor.u32 s26, v24;
	v32 =	vld.idx.msk [tilespmem:v49+s4+$0x0], $0xffff;
	v49 =	vor.u32 s24, v23;
	[tilespmem:v35+s16+$0x0] =	vst.idx.msk $0xffff, v0  }
0x1be: {  	v0 =	vor.u32 s31, v20;
	v35 =	vld.idx.msk [tilespmem:v50+s4+$0x0], $0xffff;
	v50 =	vor.u32 s0, v19;
	[tilespmem:v51+s16+$0x0] =	vst.idx.msk $0xffff, v1  }
0x1bf: {  	[tilespmem:v53+s16+$0x0] =	vst.idx.msk $0xffff, v52;
	v1 =	vor.u32 s19, v20;
	v52 =	vor.u32 s11, v19;
	v51 =	vld.idx.msk [tilespmem:v54+s4+$0x0], $0xffff  }
0x1c0: {  	v53 =	vor.u32 s7, v19;
	[tilespmem:v56+s16+$0x0] =	vst.idx.msk $0xffff, v55;
	v34 =	vld.idx.msk [tilespmem:v57+s4+$0x0], $0xffff;
	v54 =	vor.u32 s1, v20  }
0x1c1: {  	v37 =	vld.idx.msk [tilespmem:v58+s4+$0x0], $0xffff;
	v55 =	vor.u32 s28, v25;
	v56 =	vor.u32 s30, v20;
	[tilespmem:v63+s16+$0x0] =	vst.idx.msk $0xffff, v59  }
0x1c2: {  	v57 =	vor.u32 s23, v24;
	v58 =	vor.u32 s25, v25;
	v33 =	vld.idx.msk [tilespmem:v48+s4+$0x0], $0xffff;
	[tilespmem:v49+s16+$0x0] =	vst.idx.msk $0xffff, v32  }
0x1c3: {  	v46 =	vor.u32 s2, v21;
	v59 =	vor.u32 s29, v26;
	v0 =	vld.idx.msk [tilespmem:v0+s4+$0x0], $0xffff;
	[tilespmem:v50+s16+$0x0] =	vst.idx.msk $0xffff, v35  }
0x1c4: {  	v63 =	vor.u32 s31, v22;
	v48 =	vor.u32 s0, v21;
	v1 =	vld.idx.msk [tilespmem:v1+s4+$0x0], $0xffff;
	[tilespmem:v52+s16+$0x0] =	vst.idx.msk $0xffff, v51  }
0x1c5: {  	v49 =	vor.u32 s19, v22;
	v50 =	vor.u32 s11, v21;
	[tilespmem:v53+s16+$0x0] =	vst.idx.msk $0xffff, v34;
	v36 =	vld.idx.msk [tilespmem:v54+s4+$0x0], $0xffff  }
0x1c6: {  	[tilespmem:v55+s16+$0x0] =	vst.idx.msk $0xffff, v37;
	v52 =	vor.u32 s7, v21;
	v53 =	vor.u32 s1, v22;
	v51 =	vld.idx.msk [tilespmem:v56+s4+$0x0], $0xffff  }
0x1c7: {  	v55 =	vor.u32 s24, v25;
	v54 =	vld.idx.msk [tilespmem:v57+s4+$0x0], $0xffff;
	v56 =	vor.u32 s30, v22;
	[tilespmem:v58+s16+$0x0] =	vst.idx.msk $0xffff, v33  }
0x1c8: {  	v57 =	vor.u32 s26, v26;
	v58 =	vld.idx.msk [tilespmem:v59+s4+$0x0], $0xffff;
	v59 =	vor.u32 s28, v27;
	[tilespmem:v46+s16+$0x0] =	vst.idx.msk $0xffff, v0  }
0x1c9: {  	v0 =	vor.u32 s23, v26;
	v35 =	vld.idx.msk [tilespmem:v63+s4+$0x0], $0xffff;
	v63 =	vor.u32 s2, v23;
	[tilespmem:v48+s16+$0x0] =	vst.idx.msk $0xffff, v1  }
0x1ca: {  	v1 =	vor.u32 s31, v24;
	v48 =	vor.u32 s0, v23;
	v34 =	vld.idx.msk [tilespmem:v49+s4+$0x0], $0xffff;
	[tilespmem:v50+s16+$0x0] =	vst.idx.msk $0xffff, v36  }
0x1cb: {  	[tilespmem:v52+s16+$0x0] =	vst.idx.msk $0xffff, v51;
	v49 =	vor.u32 s19, v24;
	v51 =	vor.u32 s11, v23;
	v50 =	vld.idx.msk [tilespmem:v53+s4+$0x0], $0xffff  }
0x1cc: {  	[tilespmem:v55+s16+$0x0] =	vst.idx.msk $0xffff, v54;
	v52 =	vor.u32 s7, v23;
	v32 =	vld.idx.msk [tilespmem:v56+s4+$0x0], $0xffff;
	v53 =	vor.u32 s1, v24  }
0x1cd: {  	v33 =	vld.idx.msk [tilespmem:v57+s4+$0x0], $0xffff;
	v54 =	vor.u32 s25, v27;
	v55 =	vor.u32 s30, v24;
	[tilespmem:v59+s16+$0x0] =	vst.idx.msk $0xffff, v58  }
0x1ce: {  	v57 =	vor.u32 s24, v27;
	v56 =	vor.u32 s29, v28;
	v0 =	vld.idx.msk [tilespmem:v0+s4+$0x0], $0xffff;
	[tilespmem:v63+s16+$0x0] =	vst.idx.msk $0xffff, v35  }
0x1cf: {  	v58 =	vor.u32 s23, v28;
	v59 =	vor.u32 s2, v25;
	v1 =	vld.idx.msk [tilespmem:v1+s4+$0x0], $0xffff;
	[tilespmem:v48+s16+$0x0] =	vst.idx.msk $0xffff, v34  }
0x1d0: {  	v63 =	vor.u32 s31, v26;
	v48 =	vor.u32 s0, v25;
	v36 =	vld.idx.msk [tilespmem:v49+s4+$0x0], $0xffff;
	[tilespmem:v51+s16+$0x0] =	vst.idx.msk $0xffff, v50  }
0x1d1: {  	[tilespmem:v52+s16+$0x0] =	vst.idx.msk $0xffff, v32;
	v49 =	vor.u32 s19, v26;
	v50 =	vor.u32 s11, v25;
	v37 =	vld.idx.msk [tilespmem:v53+s4+$0x0], $0xffff  }
0x1d2: {  	[tilespmem:v54+s16+$0x0] =	vst.idx.msk $0xffff, v33;
	v52 =	vor.u32 s7, v25;
	v51 =	vld.idx.msk [tilespmem:v55+s4+$0x0], $0xffff;
	v53 =	vor.u32 s1, v26  }
0x1d3: {  	v54 =	vld.idx.msk [tilespmem:v56+s4+$0x0], $0xffff;
	[tilespmem:v57+s16+$0x0] =	vst.idx.msk $0xffff, v0;
	v0 =	vor.u32 s28, v29;
	v55 =	vor.u32 s30, v26  }
0x1d4: {  	v56 =	vor.u32 s26, v28;
	v57 =	vor.u32 s24, v29;
	v35 =	vld.idx.msk [tilespmem:v58+s4+$0x0], $0xffff;
	[tilespmem:v59+s16+$0x0] =	vst.idx.msk $0xffff, v1  }
0x1d5: {  	v58 =	vor.u32 s2, v27;
	v1 =	vor.u32 s29, v30;
	v34 =	vld.idx.msk [tilespmem:v63+s4+$0x0], $0xffff;
	[tilespmem:v48+s16+$0x0] =	vst.idx.msk $0xffff, v36  }
0x1d6: {  	v59 =	vor.u32 s31, v28;
	v63 =	vor.u32 s0, v27;
	v32 =	vld.idx.msk [tilespmem:v49+s4+$0x0], $0xffff;
	[tilespmem:v50+s16+$0x0] =	vst.idx.msk $0xffff, v37  }
0x1d7: {  	[tilespmem:v52+s16+$0x0] =	vst.idx.msk $0xffff, v51;
	v49 =	vor.u32 s19, v28;
	v50 =	vor.u32 s11, v27;
	v48 =	vld.idx.msk [tilespmem:v53+s4+$0x0], $0xffff  }
0x1d8: {  	[tilespmem:v0+s16+$0x0] =	vst.idx.msk $0xffff, v54;
	v51 =	vor.u32 s7, v27;
	v52 =	vor.u32 s1, v28;
	v0 =	vld.idx.msk [tilespmem:v55+s4+$0x0], $0xffff  }
0x1d9: {  	v54 =	vor.u32 s25, v29;
	v53 =	vld.idx.msk [tilespmem:v56+s4+$0x0], $0xffff;
	[tilespmem:v57+s16+$0x0] =	vst.idx.msk $0xffff, v35;
	v55 =	vor.u32 s30, v28  }
0x1da: {  	v56 =	vor.u32 s23, v30;
	v57 =	vor.u32 s28, v31;
	v1 =	vld.idx.msk [tilespmem:v1+s4+$0x0], $0xffff;
	[tilespmem:v58+s16+$0x0] =	vst.idx.msk $0xffff, v34  }
0x1db: {  	v58 =	vor.u32 s26, v30;
	v36 =	vld.idx.msk [tilespmem:v59+s4+$0x0], $0xffff;
	v59 =	vor.u32 s2, v29;
	[tilespmem:v63+s16+$0x0] =	vst.idx.msk $0xffff, v32  }
0x1dc: {  	v63 =	vor.u32 s31, v30;
	v37 =	vld.idx.msk [tilespmem:v49+s4+$0x0], $0xffff;
	[tilespmem:v50+s16+$0x0] =	vst.idx.msk $0xffff, v48;
	v48 =	vor.u32 s0, v29  }
0x1dd: {  	[tilespmem:v51+s16+$0x0] =	vst.idx.msk $0xffff, v0;
	v49 =	vor.u32 s11, v29;
	v50 =	vor.u32 s19, v30;
	v0 =	vld.idx.msk [tilespmem:v52+s4+$0x0], $0xffff  }
0x1de: {  	[tilespmem:v54+s16+$0x0] =	vst.idx.msk $0xffff, v53;
	v51 =	vor.u32 s7, v29;
	v35 =	vld.idx.msk [tilespmem:v55+s4+$0x0], $0xffff;
	v52 =	vor.u32 s1, v30  }
0x1df: {  	v53 =	vld.idx.msk [tilespmem:v56+s4+$0x0], $0xffff;
	v54 =	vor.u32 s24, v31;
	[tilespmem:v57+s16+$0x0] =	vst.idx.msk $0xffff, v1;
	v1 =	vor.u32 s30, v30  }
0x1e0: {  	v55 =	vor.u32 s25, v31;
	v34 =	vld.idx.msk [tilespmem:v58+s4+$0x0], $0xffff;
	[tilespmem:v59+s16+$0x0] =	vst.idx.msk $0xffff, v36  }
0x1e1: {  	v56 =	vor.u32 s2, v31;
	v32 =	vld.idx.msk [tilespmem:v63+s4+$0x0], $0xffff;
	[tilespmem:v48+s16+$0x0] =	vst.idx.msk $0xffff, v37  }
0x1e2: {  	v57 =	vor.u32 s0, v31;
	[tilespmem:v49+s16+$0x0] =	vst.idx.msk $0xffff, v0;
	v0 =	vld.idx.msk [tilespmem:v50+s4+$0x0], $0xffff  }
0x1e3: {  	v59 =	vor.u32 s11, v31;
	[tilespmem:v51+s16+$0x0] =	vst.idx.msk $0xffff, v35;
	v58 =	vld.idx.msk [tilespmem:v52+s4+$0x0], $0xffff  }
0x1e4: {  	v63 =	vor.u32 s7, v31;
	[tilespmem:v54+s16+$0x0] =	vst.idx.msk $0xffff, v53;
	v1 =	vld.idx.msk [tilespmem:v1+s4+$0x0], $0xffff  }
0x1e5: {  	[tilespmem:v55+s16+$0x0] =	vst.idx.msk $0xffff, v34  }
0x1e6: {  	[tilespmem:v56+s16+$0x0] =	vst.idx.msk $0xffff, v32  }
0x1e7: {  	[tilespmem:v57+s16+$0x0] =	vst.idx.msk $0xffff, v0  }
0x1e8: {  	[tilespmem:v59+s16+$0x0] =	vst.idx.msk $0xffff, v58  }
0x1e9: {  	[tilespmem:v63+s16+$0x0] =	vst.idx.msk $0xffff, v1  }
0x1ea: {  	s2 =	rddreg [dreg:$0x8]  }
0x1eb: {  	p6 =	seq.s32 s22, $0x1E84;
	s30 =	rddreg [dreg:$0x6]  }
0x1ec: {  	s0 =	simm.s32 @p6 $0x0;
	s1 =	simm.s32 @p6 $0x4000;
	s31 =	rddreg [dreg:$0xb]  }
0x1ed: {  	[hbm4b:s2+s0] =	stream.linear.scatter @p6 [tilespmem:s1], [sflag:$0x3], $0x1000, $0x38;
	[tilespmem:$0x8000] =	vst v63  }
0x1ee: {  	s0 =	sshll.u32 @!p6 s22, $0xA;
	s1 =	rddreg [dreg:$0x1]  }
0x1ef: {  	s2 =	simm.s32 @!p6 $0x4000;
	s0 =	sadd.s32 @!p6 s1, s0;
	s1 =	simm.s32 @!p6 $0x0  }
0x1f0: {  	[hbm4b:s0+s1] =	stream.linear.scatter @!p6 [tilespmem:s2], [sflag:$0x3], $0x2000, $0x38;
	[tilespmem:$0x8000] =	vst v63  }
0x1f1: {  	s0 =	sadd.s32 s30, s31  }
0x1f2: {  	p6 =	sgt.u32 s0, $0x1E84  }
0x1f3: {  	s1 =	rddreg [dreg:$0x0];
	s0 =	sshll.u32 @!p6 s0, $0x7;
	s2 =	simm.s32 @!p6 $0x7A1400  }
0x1f4: {  	s3 =	simm.s32 @!p6 $0x0;
	s0 =	sadd.s32 @!p6 s1, s0;
	s1 =	simm.s32 @!p6 $0x400  }
0x1f5: {  	v52 =	vmovc v2;
	v2 =	vmovc v3;
	v3 =	vmov v5;
	v63 =	vmov v4;
	v4 =	vmov v6;
	[tilespmem:s3], [sflag:$0x1] =	stream.strided.gather @!p6 [hbm4b:s0+s1], $0x2000, s2, s1, $0x38;
	[tilespmem:$0x8000] =	vst v63  }
.LBB2_6:
0x1f6: {  	s22 =	sor.u32 $0x20, s22  }
0x1f7: {  	p6 =	sgt.u32 s22, $0x1E84  }
.Ltmp6:
0x1f8: {  	_ = 	snop;
	(pc) =	sbr.rel @p6 .LBB2_10-.Ltmp6, $1  }
0x1f9: {  	_ =	sdelay $0x3  }
0x1fa: {  	s0 =	simm.s32 $0x2  }
0x1fb: {  	s5 =	simm.s32 $0x1800;
	_ =	swait.ge [sflag:s0], $0x2000  }
0x1fc: {  	v0 =	vor.u32 s5, v60;
	[sflag:s0] =	ssyncset.done $0x0  }
0x1fd: {  	[sflag:s0] =	ssyncadd.s32 $0xFFFFE000;
	s0 =	simm.s32 @!p5 $0x4  }
0x1fe: {  	s2 =	simm.s32 $0x800;
	_ =	swait.ge @!p5 [sflag:s0], $0x2000  }
0x1ff: {  	s9 =	simm.s32 $0x0;
	v1 =	vor.u32 s2, v60;
	[sflag:s0] =	ssyncset.done @!p5 $0x0  }
0x200: {  	s17 =	simm.s32 $0x30;
	v32 =	vor.u32 s9, v60;
	[sflag:s0] =	ssyncadd.s32 @!p5 $0xFFFFE000  }
0x201: {  	v33 =	vor.u32 s17, v52;
	v0 =	vld.idx.msk [tilespmem:v0+s14+$0x0], $0xffff  }
0x202: {  	v34 =	vor.u32 s5, v2  }
0x203: {  	s12 =	simm.s32 $0x10  }
0x204: {  	s3 =	simm.s32 $0x0;
	v35 =	vor.u32 s12, v52;
	v1 =	vld.idx.msk [tilespmem:v1+s14+$0x0], $0xffff  }
0x205: {  	v36 =	vor.u32 s3, v52;
	v37 =	vor.u32 s2, v2;
	v32 =	vld.idx.msk [tilespmem:v32+s14+$0x0], $0xffff  }
0x206: {  	v38 =	vor.u32 s9, v2;
	[tilespmem:v33+s18+$0x0] =	vst.idx.msk $0xffff, v0  }
0x207: {  	v0 =	vor.u32 s17, v63;
	v33 =	vld.idx.msk [tilespmem:v34+s14+$0x0], $0xffff  }
0x208: {  	v54 =	vor.u32 s5, v3  }
0x209: {  	[tilespmem:v35+s18+$0x0] =	vst.idx.msk $0xffff, v1  }
0x20a: {  	v1 =	vor.u32 s12, v63;
	[tilespmem:v36+s18+$0x0] =	vst.idx.msk $0xffff, v32;
	v35 =	vld.idx.msk [tilespmem:v37+s14+$0x0], $0xffff  }
0x20b: {  	v55 =	vor.u32 s3, v63;
	v56 =	vor.u32 s2, v3;
	v57 =	vld.idx.msk [tilespmem:v38+s14+$0x0], $0xffff  }
0x20c: {  	v58 =	vor.u32 s9, v3;
	[tilespmem:v0+s18+$0x0] =	vst.idx.msk $0xffff, v33  }
0x20d: {  	v0 =	vor.u32 s17, v4;
	v33 =	vld.idx.msk [tilespmem:v54+s14+$0x0], $0xffff  }
0x20e: {  	v59 =	vor.u32 s5, v61  }
0x20f: {  	[tilespmem:v1+s18+$0x0] =	vst.idx.msk $0xffff, v35  }
0x210: {  	v1 =	vor.u32 s12, v4;
	[tilespmem:v55+s18+$0x0] =	vst.idx.msk $0xffff, v57;
	v35 =	vld.idx.msk [tilespmem:v56+s14+$0x0], $0xffff  }
0x211: {  	v40 =	vor.u32 s3, v4;
	v42 =	vor.u32 s2, v61;
	v41 =	vld.idx.msk [tilespmem:v58+s14+$0x0], $0xffff  }
0x212: {  	v43 =	vor.u32 s9, v61;
	[tilespmem:v0+s18+$0x0] =	vst.idx.msk $0xffff, v33  }
0x213: {  	v44 =	vor.u32 s17, v7;
	v0 =	vld.idx.msk [tilespmem:v59+s14+$0x0], $0xffff  }
0x214: {  	s10 =	simm.s32 $0x1000;
	v45 =	vor.u32 s5, v8  }
0x215: {  	[tilespmem:v1+s18+$0x0] =	vst.idx.msk $0xffff, v35;
	v1 =	vor.u32 s10, v60  }
0x216: {  	v46 =	vor.u32 s12, v7;
	[tilespmem:v40+s18+$0x0] =	vst.idx.msk $0xffff, v41;
	v35 =	vld.idx.msk [tilespmem:v42+s14+$0x0], $0xffff  }
0x217: {  	v47 =	vor.u32 s2, v8;
	v48 =	vor.u32 s3, v7;
	v38 =	vld.idx.msk [tilespmem:v43+s14+$0x0], $0xffff  }
0x218: {  	v39 =	vor.u32 s9, v8;
	[tilespmem:v44+s18+$0x0] =	vst.idx.msk $0xffff, v0  }
0x219: {  	s15 =	simm.s32 $0x20;
	v49 =	vor.u32 s17, v62;
	v0 =	vld.idx.msk [tilespmem:v45+s14+$0x0], $0xffff  }
0x21a: {  	v50 =	vor.u32 s5, v10;
	v40 =	vor.u32 s15, v52;
	v1 =	vld.idx.msk [tilespmem:v1+s14+$0x0], $0xffff  }
0x21b: {  	s23 =	simm.s32 $0x810;
	v51 =	vor.u32 s10, v2;
	[tilespmem:v46+s18+$0x0] =	vst.idx.msk $0xffff, v35  }
0x21c: {  	v53 =	vor.u32 s12, v62;
	v58 =	vor.u32 s23, v60;
	[tilespmem:v48+s18+$0x0] =	vst.idx.msk $0xffff, v38;
	v35 =	vld.idx.msk [tilespmem:v47+s14+$0x0], $0xffff  }
0x21d: {  	v55 =	vor.u32 s3, v62;
	v54 =	vor.u32 s2, v10;
	v38 =	vld.idx.msk [tilespmem:v39+s14+$0x0], $0xffff  }
0x21e: {  	v41 =	vor.u32 s9, v10;
	[tilespmem:v49+s18+$0x0] =	vst.idx.msk $0xffff, v0  }
0x21f: {  	v56 =	vor.u32 s17, v11;
	[tilespmem:v40+s18+$0x0] =	vst.idx.msk $0xffff, v1;
	v0 =	vld.idx.msk [tilespmem:v50+s14+$0x0], $0xffff  }
0x220: {  	s24 =	simm.s32 $0x410;
	v57 =	vor.u32 s15, v63;
	v1 =	vor.u32 s5, v12;
	v32 =	vld.idx.msk [tilespmem:v51+s14+$0x0], $0xffff  }
0x221: {  	v59 =	vor.u32 s10, v3;
	[tilespmem:v53+s18+$0x0] =	vst.idx.msk $0xffff, v35;
	v49 =	vor.u32 s24, v52;
	v35 =	vld.idx.msk [tilespmem:v58+s14+$0x0], $0xffff  }
0x222: {  	s29 =	simm.s32 $0x1010;
	v45 =	vor.u32 s12, v11;
	[tilespmem:v55+s18+$0x0] =	vst.idx.msk $0xffff, v38;
	v37 =	vld.idx.msk [tilespmem:v54+s14+$0x0], $0xffff;
	v50 =	vor.u32 s23, v2  }
0x223: {  	s26 =	simm.s32 $0x10;
	v47 =	vor.u32 s3, v11;
	v53 =	vor.u32 s29, v60;
	v39 =	vld.idx.msk [tilespmem:v41+s14+$0x0], $0xffff  }
0x224: {  	s6 =	simm.s32 $0x1810;
	[tilespmem:v56+s18+$0x0] =	vst.idx.msk $0xffff, v0;
	v0 =	vor.u32 s26, v60  }
0x225: {  	v48 =	vor.u32 s17, v13;
	v51 =	vor.u32 s6, v60;
	[tilespmem:v57+s18+$0x0] =	vst.idx.msk $0xffff, v32;
	v1 =	vld.idx.msk [tilespmem:v1+s14+$0x0], $0xffff  }
0x226: {  	v43 =	vor.u32 s5, v14;
	v40 =	vor.u32 s15, v4;
	v36 =	vld.idx.msk [tilespmem:v59+s14+$0x0], $0xffff;
	[tilespmem:v49+s18+$0x0] =	vst.idx.msk $0xffff, v35  }
0x227: {  	s28 =	simm.s32 $0x420;
	v46 =	vor.u32 s2, v12;
	v58 =	vor.u32 s24, v63;
	[tilespmem:v45+s18+$0x0] =	vst.idx.msk $0xffff, v37;
	v37 =	vld.idx.msk [tilespmem:v50+s14+$0x0], $0xffff  }
0x228: {  	s25 =	simm.s32 $0x400;
	v42 =	vor.u32 s9, v12;
	[tilespmem:v47+s18+$0x0] =	vst.idx.msk $0xffff, v39;
	v47 =	vor.u32 s28, v52;
	v39 =	vld.idx.msk [tilespmem:v53+s14+$0x0], $0xffff  }
0x229: {  	s13 =	simm.s32 $0x430;
	v41 =	vor.u32 s29, v2;
	v56 =	vor.u32 s25, v52;
	v0 =	vld.idx.msk [tilespmem:v0+s14+$0x0], $0xffff  }
0x22a: {  	v38 =	vld.idx.msk [tilespmem:v51+s14+$0x0], $0xffff;
	v45 =	vor.u32 s13, v52;
	[tilespmem:v48+s18+$0x0] =	vst.idx.msk $0xffff, v1;
	v1 =	vor.u32 s26, v2  }
0x22b: {  	v57 =	vor.u32 s17, v15;
	[tilespmem:v40+s18+$0x0] =	vst.idx.msk $0xffff, v36;
	v48 =	vor.u32 s6, v2;
	v33 =	vld.idx.msk [tilespmem:v43+s14+$0x0], $0xffff  }
0x22c: {  	v59 =	vor.u32 s5, v16;
	v32 =	vld.idx.msk [tilespmem:v46+s14+$0x0], $0xffff;
	[tilespmem:v58+s18+$0x0] =	vst.idx.msk $0xffff, v37  }
0x22d: {  	v55 =	vor.u32 s3, v13;
	v54 =	vld.idx.msk [tilespmem:v42+s14+$0x0], $0xffff;
	[tilespmem:v47+s18+$0x0] =	vst.idx.msk $0xffff, v39  }
0x22e: {  	v46 =	vor.u32 s23, v3;
	v36 =	vor.u32 s28, v63;
	v40 =	vld.idx.msk [tilespmem:v41+s14+$0x0], $0xffff;
	[tilespmem:v56+s18+$0x0] =	vst.idx.msk $0xffff, v0  }
0x22f: {  	v42 =	vor.u32 s25, v63;
	[tilespmem:v45+s18+$0x0] =	vst.idx.msk $0xffff, v38;
	v0 =	vor.u32 s10, v61;
	v1 =	vld.idx.msk [tilespmem:v1+s14+$0x0], $0xffff  }
0x230: {  	v58 =	vld.idx.msk [tilespmem:v48+s14+$0x0], $0xffff;
	[tilespmem:v57+s18+$0x0] =	vst.idx.msk $0xffff, v33;
	v33 =	vor.u32 s26, v3;
	v57 =	vor.u32 s13, v63  }
0x231: {  	v44 =	vor.u32 s9, v14;
	v53 =	vor.u32 s17, v17;
	v34 =	vld.idx.msk [tilespmem:v59+s14+$0x0], $0xffff  }
0x232: {  	v47 =	vor.u32 s29, v3;
	[tilespmem:v55+s18+$0x0] =	vst.idx.msk $0xffff, v54  }
0x233: {  	v54 =	vor.u32 s24, v4;
	v55 =	vld.idx.msk [tilespmem:v46+s14+$0x0], $0xffff;
	v56 =	vor.u32 s5, v18;
	[tilespmem:v36+s18+$0x0] =	vst.idx.msk $0xffff, v40  }
0x234: {  	v41 =	vor.u32 s15, v7;
	v59 =	vor.u32 s23, v61;
	v0 =	vld.idx.msk [tilespmem:v0+s14+$0x0], $0xffff;
	[tilespmem:v42+s18+$0x0] =	vst.idx.msk $0xffff, v1  }
0x235: {  	v39 =	vor.u32 s6, v3;
	v1 =	vor.u32 s25, v4;
	v33 =	vld.idx.msk [tilespmem:v33+s14+$0x0], $0xffff;
	[tilespmem:v57+s18+$0x0] =	vst.idx.msk $0xffff, v58  }
0x236: {  	v44 =	vld.idx.msk [tilespmem:v44+s14+$0x0], $0xffff;
	v58 =	vor.u32 s3, v15;
	[tilespmem:v53+s18+$0x0] =	vst.idx.msk $0xffff, v34;
	v53 =	vor.u32 s10, v8  }
0x237: {  	v51 =	vor.u32 s9, v16;
	v40 =	vld.idx.msk [tilespmem:v47+s14+$0x0], $0xffff  }
0x238: {  	v35 =	vor.u32 s26, v61;
	[tilespmem:v54+s18+$0x0] =	vst.idx.msk $0xffff, v55;
	v54 =	vor.u32 s17, v19;
	v37 =	vld.idx.msk [tilespmem:v56+s14+$0x0], $0xffff  }
0x239: {  	v57 =	vor.u32 s5, v20;
	v55 =	vld.idx.msk [tilespmem:v59+s14+$0x0], $0xffff;
	v56 =	vor.u32 s24, v7;
	[tilespmem:v41+s18+$0x0] =	vst.idx.msk $0xffff, v0  }
0x23a: {  	v59 =	vor.u32 s23, v8;
	v36 =	vld.idx.msk [tilespmem:v39+s14+$0x0], $0xffff;
	v39 =	vor.u32 s13, v4;
	[tilespmem:v1+s18+$0x0] =	vst.idx.msk $0xffff, v33  }
0x23b: {  	s31 =	simm.s32 $0x1820;
	v0 =	vor.u32 s6, v61;
	[tilespmem:v58+s18+$0x0] =	vst.idx.msk $0xffff, v44;
	v1 =	vld.idx.msk [tilespmem:v53+s14+$0x0], $0xffff  }
0x23c: {  	v33 =	vor.u32 s15, v62;
	v47 =	vld.idx.msk [tilespmem:v51+s14+$0x0], $0xffff;
	v51 =	vor.u32 s31, v60  }
0x23d: {  	v53 =	vor.u32 s25, v7;
	v35 =	vld.idx.msk [tilespmem:v35+s14+$0x0], $0xffff;
	[tilespmem:v54+s18+$0x0] =	vst.idx.msk $0xffff, v37;
	v54 =	vor.u32 s10, v10  }
0x23e: {  	v38 =	vor.u32 s26, v8;
	[tilespmem:v56+s18+$0x0] =	vst.idx.msk $0xffff, v55;
	v55 =	vor.u32 s17, v21;
	v41 =	vld.idx.msk [tilespmem:v57+s14+$0x0], $0xffff  }
0x23f: {  	[tilespmem:v39+s18+$0x0] =	vst.idx.msk $0xffff, v36;
	v56 =	vor.u32 s24, v62;
	v43 =	vld.idx.msk [tilespmem:v59+s14+$0x0], $0xffff;
	v57 =	vor.u32 s5, v22  }
0x240: {  	v58 =	vor.u32 s23, v10;
	v59 =	vor.u32 s3, v17;
	v0 =	vld.idx.msk [tilespmem:v0+s14+$0x0], $0xffff  }
0x241: {  	v36 =	vor.u32 s9, v18;
	[tilespmem:v33+s18+$0x0] =	vst.idx.msk $0xffff, v1;
	v1 =	vor.u32 s13, v7;
	v46 =	vld.idx.msk [tilespmem:v51+s14+$0x0], $0xffff  }
0x242: {  	[tilespmem:v53+s18+$0x0] =	vst.idx.msk $0xffff, v35;
	v53 =	vor.u32 s6, v8;
	v33 =	vld.idx.msk [tilespmem:v54+s14+$0x0], $0xffff;
	v54 =	vor.u32 s15, v11  }
0x243: {  	v37 =	vld.idx.msk [tilespmem:v38+s14+$0x0], $0xffff;
	v38 =	vor.u32 s25, v62;
	[tilespmem:v55+s18+$0x0] =	vst.idx.msk $0xffff, v41;
	v55 =	vor.u32 s10, v12  }
0x244: {  	[tilespmem:v56+s18+$0x0] =	vst.idx.msk $0xffff, v43;
	v56 =	vor.u32 s26, v10;
	v41 =	vld.idx.msk [tilespmem:v57+s14+$0x0], $0xffff;
	v57 =	vor.u32 s17, v23  }
0x245: {  	s30 =	simm.s32 $0x20;
	[tilespmem:v59+s18+$0x0] =	vst.idx.msk $0xffff, v47;
	v59 =	vor.u32 s5, v24;
	v44 =	vld.idx.msk [tilespmem:v58+s14+$0x0], $0xffff;
	v58 =	vor.u32 s24, v11  }
0x246: {  	v48 =	vor.u32 s12, v13;
	v35 =	vor.u32 s30, v60;
	v36 =	vld.idx.msk [tilespmem:v36+s14+$0x0], $0xffff;
	[tilespmem:v1+s18+$0x0] =	vst.idx.msk $0xffff, v0  }
0x247: {  	v47 =	vor.u32 s23, v12;
	v1 =	vld.idx.msk [tilespmem:v53+s14+$0x0], $0xffff;
	[tilespmem:v54+s18+$0x0] =	vst.idx.msk $0xffff, v33;
	v53 =	vor.u32 s13, v62  }
0x248: {  	v49 =	vor.u32 s6, v10;
	v54 =	vor.u32 s15, v13;
	[tilespmem:v38+s18+$0x0] =	vst.idx.msk $0xffff, v37;
	v55 =	vld.idx.msk [tilespmem:v55+s14+$0x0], $0xffff  }
0x249: {  	v38 =	vld.idx.msk [tilespmem:v56+s14+$0x0], $0xffff;
	v56 =	vor.u32 s10, v14;
	[tilespmem:v57+s18+$0x0] =	vst.idx.msk $0xffff, v41;
	v57 =	vor.u32 s25, v11  }
0x24a: {  	v0 =	vor.u32 s2, v14;
	[tilespmem:v58+s18+$0x0] =	vst.idx.msk $0xffff, v44;
	v58 =	vor.u32 s17, v25;
	v43 =	vld.idx.msk [tilespmem:v59+s14+$0x0], $0xffff  }
0x24b: {  	v50 =	vor.u32 s3, v19;
	[tilespmem:v48+s18+$0x0] =	vst.idx.msk $0xffff, v32;
	v48 =	vor.u32 s5, v26;
	v35 =	vld.idx.msk [tilespmem:v35+s14+$0x0], $0xffff  }
0x24c: {  	v59 =	vor.u32 s26, v12;
	v33 =	vld.idx.msk [tilespmem:v47+s14+$0x0], $0xffff;
	[tilespmem:v53+s18+$0x0] =	vst.idx.msk $0xffff, v1;
	v1 =	vor.u32 s28, v4  }
0x24d: {  	s1 =	simm.s32 $0x820;
	v53 =	vor.u32 s9, v20;
	v34 =	vld.idx.msk [tilespmem:v49+s14+$0x0], $0xffff;
	[tilespmem:v54+s18+$0x0] =	vst.idx.msk $0xffff, v55;
	v54 =	vor.u32 s13, v11  }
0x24e: {  	v55 =	vor.u32 s1, v60;
	[tilespmem:v57+s18+$0x0] =	vst.idx.msk $0xffff, v38;
	v38 =	vld.idx.msk [tilespmem:v56+s14+$0x0], $0xffff;
	v56 =	vor.u32 s15, v15  }
0x24f: {  	v42 =	vor.u32 s10, v16;
	v0 =	vld.idx.msk [tilespmem:v0+s14+$0x0], $0xffff;
	[tilespmem:v58+s18+$0x0] =	vst.idx.msk $0xffff, v43;
	v43 =	vor.u32 s12, v15  }
0x250: {  	s8 =	simm.s32 $0x830;
	[tilespmem:v50+s18+$0x0] =	vst.idx.msk $0xffff, v36;
	v57 =	vor.u32 s2, v16;
	v58 =	vor.u32 s17, v27;
	v32 =	vld.idx.msk [tilespmem:v48+s14+$0x0], $0xffff  }
0x251: {  	v41 =	vld.idx.msk [tilespmem:v59+s14+$0x0], $0xffff;
	[tilespmem:v1+s18+$0x0] =	vst.idx.msk $0xffff, v40;
	v1 =	vor.u32 s8, v52;
	v40 =	vor.u32 s6, v12  }
0x252: {  	v59 =	vor.u32 s5, v28;
	v47 =	vld.idx.msk [tilespmem:v53+s14+$0x0], $0xffff;
	v53 =	vor.u32 s25, v13;
	[tilespmem:v54+s18+$0x0] =	vst.idx.msk $0xffff, v34  }
0x253: {  	s11 =	simm.s32 $0x810;
	v34 =	vor.u32 s3, v21;
	v37 =	vld.idx.msk [tilespmem:v55+s14+$0x0], $0xffff;
	v54 =	vor.u32 s26, v14;
	[tilespmem:v56+s18+$0x0] =	vst.idx.msk $0xffff, v38  }
0x254: {  	v55 =	vor.u32 s29, v61;
	v56 =	vor.u32 s11, v52;
	[tilespmem:v43+s18+$0x0] =	vst.idx.msk $0xffff, v0;
	v0 =	vld.idx.msk [tilespmem:v42+s14+$0x0], $0xffff  }
0x255: {  	s7 =	simm.s32 $0x800;
	v42 =	vor.u32 s1, v2;
	v36 =	vld.idx.msk [tilespmem:v57+s14+$0x0], $0xffff;
	v57 =	vor.u32 s15, v17;
	[tilespmem:v58+s18+$0x0] =	vst.idx.msk $0xffff, v32  }
0x256: {  	v32 =	vor.u32 s7, v52;
	v58 =	vor.u32 s10, v18;
	[tilespmem:v1+s18+$0x0] =	vst.idx.msk $0xffff, v46;
	v1 =	vld.idx.msk [tilespmem:v40+s14+$0x0], $0xffff  }
0x257: {  	s19 =	simm.s32 $0x1020;
	v40 =	vor.u32 s30, v2;
	[tilespmem:v53+s18+$0x0] =	vst.idx.msk $0xffff, v41;
	v41 =	vor.u32 s13, v13;
	v46 =	vld.idx.msk [tilespmem:v59+s14+$0x0], $0xffff  }
0x258: {  	v59 =	vor.u32 s19, v60;
	v53 =	vor.u32 s17, v29;
	v39 =	vld.idx.msk [tilespmem:v54+s14+$0x0], $0xffff;
	[tilespmem:v34+s18+$0x0] =	vst.idx.msk $0xffff, v47  }
0x259: {  	v34 =	vor.u32 s6, v14;
	v54 =	vor.u32 s12, v17;
	[tilespmem:v56+s18+$0x0] =	vst.idx.msk $0xffff, v37;
	v37 =	vld.idx.msk [tilespmem:v55+s14+$0x0], $0xffff  }
0x25a: {  	v47 =	vor.u32 s9, v22;
	v55 =	vor.u32 s25, v15;
	v42 =	vld.idx.msk [tilespmem:v42+s14+$0x0], $0xffff;
	[tilespmem:v57+s18+$0x0] =	vst.idx.msk $0xffff, v0  }
0x25b: {  	v56 =	vor.u32 s2, v18;
	v57 =	vor.u32 s11, v63;
	[tilespmem:v32+s18+$0x0] =	vst.idx.msk $0xffff, v35;
	v32 =	vld.idx.msk [tilespmem:v58+s14+$0x0], $0xffff  }
0x25c: {  	v0 =	vor.u32 s31, v2;
	v40 =	vld.idx.msk [tilespmem:v40+s14+$0x0], $0xffff;
	[tilespmem:v41+s18+$0x0] =	vst.idx.msk $0xffff, v1;
	v1 =	vor.u32 s15, v19  }
0x25d: {  	s0 =	simm.s32 $0x820;
	v58 =	vor.u32 s1, v3;
	v41 =	vor.u32 s7, v63;
	v45 =	vld.idx.msk [tilespmem:v59+s14+$0x0], $0xffff;
	[tilespmem:v53+s18+$0x0] =	vst.idx.msk $0xffff, v46  }
0x25e: {  	v48 =	vor.u32 s10, v20;
	v59 =	vor.u32 s0, v52;
	v34 =	vld.idx.msk [tilespmem:v34+s14+$0x0], $0xffff;
	[tilespmem:v54+s18+$0x0] =	vst.idx.msk $0xffff, v36  }
0x25f: {  	v53 =	vor.u32 s30, v3;
	v47 =	vld.idx.msk [tilespmem:v47+s14+$0x0], $0xffff;
	[tilespmem:v55+s18+$0x0] =	vst.idx.msk $0xffff, v39;
	v55 =	vor.u32 s13, v15  }
0x260: {  	v44 =	vor.u32 s12, v19;
	v54 =	vor.u32 s19, v2;
	v39 =	vld.idx.msk [tilespmem:v56+s14+$0x0], $0xffff;
	[tilespmem:v57+s18+$0x0] =	vst.idx.msk $0xffff, v42  }
0x261: {  	v43 =	vor.u32 s8, v63;
	v56 =	vor.u32 s6, v16;
	v0 =	vld.idx.msk [tilespmem:v0+s14+$0x0], $0xffff;
	[tilespmem:v1+s18+$0x0] =	vst.idx.msk $0xffff, v32  }
0x262: {  	v57 =	vor.u32 s2, v20;
	v35 =	vld.idx.msk [tilespmem:v58+s14+$0x0], $0xffff;
	v58 =	vor.u32 s11, v4;
	[tilespmem:v41+s18+$0x0] =	vst.idx.msk $0xffff, v40  }
0x263: {  	v1 =	vor.u32 s5, v30;
	v41 =	vor.u32 s15, v21;
	[tilespmem:v59+s18+$0x0] =	vst.idx.msk $0xffff, v45;
	v40 =	vld.idx.msk [tilespmem:v48+s14+$0x0], $0xffff  }
0x264: {  	v49 =	vor.u32 s1, v61;
	v59 =	vor.u32 s7, v4;
	v48 =	vld.idx.msk [tilespmem:v53+s14+$0x0], $0xffff;
	[tilespmem:v55+s18+$0x0] =	vst.idx.msk $0xffff, v34  }
0x265: {  	v36 =	vld.idx.msk [tilespmem:v54+s14+$0x0], $0xffff;
	v53 =	vor.u32 s10, v22;
	v54 =	vor.u32 s0, v63;
	[tilespmem:v44+s18+$0x0] =	vst.idx.msk $0xffff, v39  }
0x266: {  	v55 =	vor.u32 s31, v3;
	v42 =	vld.idx.msk [tilespmem:v56+s14+$0x0], $0xffff;
	[tilespmem:v43+s18+$0x0] =	vst.idx.msk $0xffff, v0;
	v0 =	vor.u32 s13, v17  }
0x267: {  	v56 =	vor.u32 s19, v3;
	v43 =	vld.idx.msk [tilespmem:v57+s14+$0x0], $0xffff;
	v57 =	vor.u32 s12, v21;
	[tilespmem:v58+s18+$0x0] =	vst.idx.msk $0xffff, v35  }
0x268: {  	v58 =	vor.u32 s6, v18;
	v1 =	vld.idx.msk [tilespmem:v1+s14+$0x0], $0xffff;
	v35 =	vor.u32 s17, v31;
	[tilespmem:v41+s18+$0x0] =	vst.idx.msk $0xffff, v40  }
0x269: {  	v49 =	vld.idx.msk [tilespmem:v49+s14+$0x0], $0xffff;
	[tilespmem:v59+s18+$0x0] =	vst.idx.msk $0xffff, v48;
	v59 =	vor.u32 s11, v7;
	v41 =	vor.u32 s2, v22  }
0x26a: {  	[tilespmem:v54+s18+$0x0] =	vst.idx.msk $0xffff, v36;
	v54 =	vor.u32 s15, v23;
	v34 =	vld.idx.msk [tilespmem:v53+s14+$0x0], $0xffff;
	v53 =	vor.u32 s1, v8  }
0x26b: {  	v36 =	vld.idx.msk [tilespmem:v55+s14+$0x0], $0xffff;
	v55 =	vor.u32 s28, v7;
	[tilespmem:v0+s18+$0x0] =	vst.idx.msk $0xffff, v42;
	v0 =	vor.u32 s10, v24  }
0x26c: {  	v39 =	vld.idx.msk [tilespmem:v56+s14+$0x0], $0xffff;
	v56 =	vor.u32 s26, v16;
	v42 =	vor.u32 s0, v4;
	[tilespmem:v57+s18+$0x0] =	vst.idx.msk $0xffff, v43  }
0x26d: {  	v57 =	vor.u32 s29, v8;
	v32 =	vld.idx.msk [tilespmem:v58+s14+$0x0], $0xffff;
	v58 =	vor.u32 s13, v19;
	[tilespmem:v35+s18+$0x0] =	vst.idx.msk $0xffff, v1  }
0x26e: {  	v1 =	vor.u32 s30, v61;
	[tilespmem:v59+s18+$0x0] =	vst.idx.msk $0xffff, v49;
	v59 =	vor.u32 s3, v23;
	v40 =	vld.idx.msk [tilespmem:v41+s14+$0x0], $0xffff  }
0x26f: {  	v41 =	vor.u32 s9, v24;
	v49 =	vor.u32 s12, v23;
	v45 =	vld.idx.msk [tilespmem:v53+s14+$0x0], $0xffff;
	[tilespmem:v54+s18+$0x0] =	vst.idx.msk $0xffff, v34  }
0x270: {  	v53 =	vor.u32 s11, v62;
	[tilespmem:v55+s18+$0x0] =	vst.idx.msk $0xffff, v37;
	v54 =	vor.u32 s2, v24;
	v0 =	vld.idx.msk [tilespmem:v0+s14+$0x0], $0xffff  }
0x271: {  	v55 =	vor.u32 s1, v10;
	[tilespmem:v42+s18+$0x0] =	vst.idx.msk $0xffff, v39;
	v39 =	vld.idx.msk [tilespmem:v56+s14+$0x0], $0xffff;
	v42 =	vor.u32 s15, v25  }
0x272: {  	v56 =	vor.u32 s25, v17;
	v43 =	vld.idx.msk [tilespmem:v57+s14+$0x0], $0xffff;
	[tilespmem:v58+s18+$0x0] =	vst.idx.msk $0xffff, v32  }
0x273: {  	v57 =	vor.u32 s6, v20;
	v58 =	vor.u32 s8, v4;
	v1 =	vld.idx.msk [tilespmem:v1+s14+$0x0], $0xffff;
	[tilespmem:v59+s18+$0x0] =	vst.idx.msk $0xffff, v47  }
0x274: {  	v35 =	vor.u32 s10, v26;
	v59 =	vor.u32 s7, v7;
	[tilespmem:v49+s18+$0x0] =	vst.idx.msk $0xffff, v40;
	v41 =	vld.idx.msk [tilespmem:v41+s14+$0x0], $0xffff  }
0x275: {  	v47 =	vor.u32 s31, v61;
	[tilespmem:v53+s18+$0x0] =	vst.idx.msk $0xffff, v45;
	v53 =	vor.u32 s3, v25;
	v37 =	vld.idx.msk [tilespmem:v54+s14+$0x0], $0xffff  }
0x276: {  	v40 =	vor.u32 s30, v8;
	v45 =	vld.idx.msk [tilespmem:v55+s14+$0x0], $0xffff;
	v55 =	vor.u32 s12, v25;
	[tilespmem:v42+s18+$0x0] =	vst.idx.msk $0xffff, v0  }
0x277: {  	v38 =	vor.u32 s9, v30;
	v54 =	vor.u32 s9, v26;
	[tilespmem:v56+s18+$0x0] =	vst.idx.msk $0xffff, v39;
	v0 =	vor.u32 s28, v62  }
0x278: {  	v32 =	vld.idx.msk [tilespmem:v57+s14+$0x0], $0xffff;
	v56 =	vor.u32 s2, v26;
	[tilespmem:v58+s18+$0x0] =	vst.idx.msk $0xffff, v36;
	v58 =	vor.u32 s13, v21  }
0x279: {  	v34 =	vor.u32 s15, v27;
	v57 =	vor.u32 s29, v10;
	v44 =	vld.idx.msk [tilespmem:v35+s14+$0x0], $0xffff;
	[tilespmem:v59+s18+$0x0] =	vst.idx.msk $0xffff, v1  }
0x27a: {  	v1 =	vor.u32 s11, v11;
	v46 =	vld.idx.msk [tilespmem:v47+s14+$0x0], $0xffff;
	v59 =	vor.u32 s26, v18;
	[tilespmem:v53+s18+$0x0] =	vst.idx.msk $0xffff, v41  }
0x27b: {  	v47 =	vor.u32 s6, v22;
	v50 =	vld.idx.msk [tilespmem:v40+s14+$0x0], $0xffff;
	v41 =	vor.u32 s24, v13;
	[tilespmem:v55+s18+$0x0] =	vst.idx.msk $0xffff, v37  }
0x27c: {  	v40 =	vor.u32 s1, v12;
	v48 =	vld.idx.msk [tilespmem:v54+s14+$0x0], $0xffff;
	v55 =	vor.u32 s7, v62;
	[tilespmem:v0+s18+$0x0] =	vst.idx.msk $0xffff, v43  }
0x27d: {  	v5 =	vmov v3;
	v37 =	vor.u32 s10, v28;
	v0 =	vor.u32 s3, v27;
	v39 =	vld.idx.msk [tilespmem:v56+s14+$0x0], $0xffff;
	[tilespmem:v58+s18+$0x0] =	vst.idx.msk $0xffff, v32  }
0x27e: {  	v3 =	vmovc v2;
	v2 =	vmov v52;
	v36 =	vor.u32 s12, v27;
	v43 =	vor.u32 s9, v28;
	v52 =	vld.idx.msk [tilespmem:v57+s14+$0x0], $0xffff;
	[tilespmem:v34+s18+$0x0] =	vst.idx.msk $0xffff, v44  }
0x27f: {  	v49 =	vor.u32 s2, v28;
	v35 =	vor.u32 s28, v13;
	v54 =	vor.u32 s28, v11;
	[tilespmem:v1+s18+$0x0] =	vst.idx.msk $0xffff, v45;
	v57 =	vld.idx.msk [tilespmem:v59+s14+$0x0], $0xffff  }
0x280: {  	v53 =	vor.u32 s31, v8;
	v56 =	vor.u32 s29, v12;
	v34 =	vor.u32 s31, v10;
	v42 =	vld.idx.msk [tilespmem:v47+s14+$0x0], $0xffff;
	[tilespmem:v41+s18+$0x0] =	vst.idx.msk $0xffff, v33  }
0x281: {  	v58 =	vor.u32 s30, v10;
	v1 =	vor.u32 s8, v7;
	v32 =	vld.idx.msk [tilespmem:v40+s14+$0x0], $0xffff;
	[tilespmem:v55+s18+$0x0] =	vst.idx.msk $0xffff, v50  }
0x282: {  	v40 =	vor.u32 s23, v14;
	v44 =	vld.idx.msk [tilespmem:v37+s14+$0x0], $0xffff;
	[tilespmem:v0+s18+$0x0] =	vst.idx.msk $0xffff, v48;
	v0 =	vor.u32 s25, v19  }
0x283: {  	v37 =	vor.u32 s19, v61;
	v50 =	vor.u32 s10, v30;
	[tilespmem:v36+s18+$0x0] =	vst.idx.msk $0xffff, v39;
	v41 =	vld.idx.msk [tilespmem:v43+s14+$0x0], $0xffff  }
0x284: {  	v33 =	vor.u32 s0, v13;
	v55 =	vor.u32 s3, v29;
	v36 =	vor.u32 s0, v7;
	v48 =	vld.idx.msk [tilespmem:v49+s14+$0x0], $0xffff;
	[tilespmem:v54+s18+$0x0] =	vst.idx.msk $0xffff, v52  }
0x285: {  	v6 =	vmovc v4;
	v39 =	vor.u32 s15, v31;
	v49 =	vor.u32 s6, v24;
	v54 =	vor.u32 s15, v29;
	v45 =	vld.idx.msk [tilespmem:v56+s14+$0x0], $0xffff  }
0x286: {  	v9 =	vmovc v8;
	v51 =	vor.u32 s13, v23;
	v52 =	vor.u32 s12, v29;
	v43 =	vor.u32 s13, v25;
	[tilespmem:v1+s18+$0x0] =	vst.idx.msk $0xffff, v46;
	v46 =	vld.idx.msk [tilespmem:v58+s14+$0x0], $0xffff  }
0x287: {  	v8 =	vmovc v7;
	s9 =	simm.s32 $0x8;
	s10 =	simm.s32 $0x1830;
	v7 =	vmov v61;
	v56 =	vor.u32 s8, v62;
	v47 =	vld.idx.msk [tilespmem:v53+s14+$0x0], $0xffff;
	v53 =	vor.u32 s2, v30;
	s2 =	simm.s32 $0x830;
	[tilespmem:v0+s18+$0x0] =	vst.idx.msk $0xffff, v57  }
.LBB2_8:
0x288: {  	_ =	sdelay $0x2  }
0x289: {  	v40 =	vld.idx.msk [tilespmem:v40+s14+$0x0], $0xffff;
	[tilespmem:v51+s18+$0x0] =	vst.idx.msk $0xffff, v42  }
0x28a: {  	v57 =	vor.u32 s29, v14;
	v49 =	vld.idx.msk [tilespmem:v49+s14+$0x0], $0xffff;
	[tilespmem:v54+s18+$0x0] =	vst.idx.msk $0xffff, v44  }
0x28b: {  	v51 =	vor.u32 s7, v11;
	v61 =	vor.u32 s6, v26;
	[tilespmem:v55+s18+$0x0] =	vst.idx.msk $0xffff, v41;
	v62 =	vld.idx.msk [tilespmem:v50+s14+$0x0], $0xffff  }
0x28c: {  	v54 =	vor.u32 s30, v12;
	[tilespmem:v52+s18+$0x0] =	vst.idx.msk $0xffff, v48;
	v38 =	vld.idx.msk [tilespmem:v38+s14+$0x0], $0xffff  }
0x28d: {  	[tilespmem:v56+s18+$0x0] =	vst.idx.msk $0xffff, v47;
	v47 =	vor.u32 s3, v31;
	v56 =	vor.u32 s26, v20;
	v41 =	vld.idx.msk [tilespmem:v53+s14+$0x0], $0xffff  }
0x28e: {  	v1 =	vor.u32 s10, v10;
	v0 =	vor.u32 s10, v60;
	[tilespmem:v35+s18+$0x0] =	vst.idx.msk $0xffff, v45;
	v53 =	vor.u32 s12, v31;
	v55 =	vld.idx.msk [tilespmem:v34+s14+$0x0], $0xffff  }
0x28f: {  	s17 =	sadd.s32 $0xFFFFE800, s10;
	v34 =	vmov v1;
	v1 =	vor.u32 s2, v11;
	v45 =	vld.idx.msk [tilespmem:v57+s14+$0x0], $0xffff;
	[tilespmem:v43+s18+$0x0] =	vst.idx.msk $0xffff, v49  }
0x290: {  	s5 =	sadd.s32 $0xFFFFF000, s10;
	v42 =	vor.u32 s17, v60;
	s12 =	smov.u32 s24;
	[tilespmem:v51+s18+$0x0] =	vst.idx.msk $0xffff, v46;
	v57 =	vor.u32 s28, v15;
	v52 =	vld.idx.msk [tilespmem:v61+s14+$0x0], $0xffff  }
0x291: {  	v44 =	vor.u32 s5, v60;
	v49 =	vor.u32 s12, v15;
	v54 =	vld.idx.msk [tilespmem:v54+s14+$0x0], $0xffff;
	[tilespmem:v39+s18+$0x0] =	vst.idx.msk $0xffff, v62  }
0x292: {  	s8 =	sadd.s32 $0x400, s8;
	v59 =	vor.u32 s13, v27;
	v46 =	vor.u32 s29, v16;
	v56 =	vld.idx.msk [tilespmem:v56+s14+$0x0], $0xffff;
	[tilespmem:v47+s18+$0x0] =	vst.idx.msk $0xffff, v38  }
0x293: {  	s15 =	sadd.s32 $0xFFFFF800, s10;
	v58 =	vor.u32 s23, v16;
	v43 =	vor.u32 s8, v2;
	v0 =	vld.idx.msk [tilespmem:v0+s14+$0x0], $0xffff;
	[tilespmem:v53+s18+$0x0] =	vst.idx.msk $0xffff, v41  }
0x294: {  	v50 =	vor.u32 s15, v60;
	s3 =	smov.u32 s25;
	s25 =	smov.u32 s7;
	v48 =	vor.u32 s31, v12;
	[tilespmem:v1+s18+$0x0] =	vst.idx.msk $0xffff, v55  }
0x295: {  	v60 =	vor.u32 s6, v28;
	v53 =	vor.u32 s25, v13;
	v38 =	vld.idx.msk [tilespmem:v42+s14+$0x0], $0xffff;
	[tilespmem:v57+s18+$0x0] =	vst.idx.msk $0xffff, v45  }
0x296: {  	s24 =	smov.u32 s11;
	s11 =	sadd.s32 $0xFFFFFFE0, s8;
	v61 =	vor.u32 s3, v21;
	v62 =	vor.u32 s30, v14;
	v1 =	vld.idx.msk [tilespmem:v44+s14+$0x0], $0xffff;
	[tilespmem:v49+s18+$0x0] =	vst.idx.msk $0xffff, v40  }
0x297: {  	v41 =	vor.u32 s11, v2;
	v40 =	vld.idx.msk [tilespmem:v46+s14+$0x0], $0xffff;
	[tilespmem:v59+s18+$0x0] =	vst.idx.msk $0xffff, v52  }
0x298: {  	s7 =	sadd.s32 $0xFFFFFFD0, s8;
	v42 =	vor.u32 s5, v3;
	v49 =	vor.u32 s28, v17;
	v46 =	vld.idx.msk [tilespmem:v58+s14+$0x0], $0xffff;
	[tilespmem:v43+s18+$0x0] =	vst.idx.msk $0xffff, v0  }
0x299: {  	v51 =	vor.u32 s7, v2;
	v57 =	vor.u32 s29, v18;
	v0 =	vld.idx.msk [tilespmem:v48+s14+$0x0], $0xffff  }
0x29a: {  	s21 =	sadd.s32 $0xFFFFFFF0, s8;
	v39 =	vor.u32 s17, v3;
	[tilespmem:v53+s18+$0x0] =	vst.idx.msk $0xffff, v54;
	v53 =	vor.u32 s2, v13;
	v54 =	vld.idx.msk [tilespmem:v60+s14+$0x0], $0xffff  }
0x29b: {  	v47 =	vor.u32 s21, v2;
	v58 =	vor.u32 s13, v29;
	v55 =	vld.idx.msk [tilespmem:v62+s14+$0x0], $0xffff;
	[tilespmem:v61+s18+$0x0] =	vst.idx.msk $0xffff, v56  }
0x29c: {  	v43 =	vor.u32 s31, v14;
	v56 =	vor.u32 s12, v17;
	[tilespmem:v41+s18+$0x0] =	vst.idx.msk $0xffff, v1;
	v61 =	vld.idx.msk [tilespmem:v37+s14+$0x0], $0xffff  }
0x29d: {  	v60 =	vor.u32 s25, v15;
	v37 =	vor.u32 s23, v18;
	[tilespmem:v49+s18+$0x0] =	vst.idx.msk $0xffff, v40;
	v42 =	vld.idx.msk [tilespmem:v42+s14+$0x0], $0xffff  }
0x29e: {  	v45 =	vor.u32 s10, v3;
	v59 =	vor.u32 s11, v63;
	[tilespmem:v51+s18+$0x0] =	vst.idx.msk $0xffff, v38;
	v38 =	vld.idx.msk [tilespmem:v57+s14+$0x0], $0xffff  }
0x29f: {  	v52 =	vor.u32 s7, v63;
	v1 =	vor.u32 s5, v5;
	v39 =	vld.idx.msk [tilespmem:v39+s14+$0x0], $0xffff;
	[tilespmem:v53+s18+$0x0] =	vst.idx.msk $0xffff, v0  }
0x2a0: {  	v48 =	vor.u32 s17, v5;
	v50 =	vld.idx.msk [tilespmem:v50+s14+$0x0], $0xffff;
	v0 =	vor.u32 s28, v19;
	[tilespmem:v58+s18+$0x0] =	vst.idx.msk $0xffff, v54  }
0x2a1: {  	v44 =	vor.u32 s15, v3;
	v51 =	vor.u32 s29, v20;
	[tilespmem:v56+s18+$0x0] =	vst.idx.msk $0xffff, v46;
	v43 =	vld.idx.msk [tilespmem:v43+s14+$0x0], $0xffff  }
0x2a2: {  	v41 =	vor.u32 s21, v63;
	v53 =	vor.u32 s2, v15;
	[tilespmem:v60+s18+$0x0] =	vst.idx.msk $0xffff, v55;
	v54 =	vld.idx.msk [tilespmem:v37+s14+$0x0], $0xffff  }
0x2a3: {  	v55 =	vor.u32 s12, v19;
	v56 =	vor.u32 s31, v16;
	[tilespmem:v59+s18+$0x0] =	vst.idx.msk $0xffff, v42;
	v45 =	vld.idx.msk [tilespmem:v45+s14+$0x0], $0xffff  }
0x2a4: {  	v4 =	vmov v63;
	v63 =	vor.u32 s8, v63;
	v58 =	vor.u32 s23, v20;
	v1 =	vld.idx.msk [tilespmem:v1+s14+$0x0], $0xffff;
	[tilespmem:v52+s18+$0x0] =	vst.idx.msk $0xffff, v39  }
0x2a5: {  	v57 =	vor.u32 s6, v30;
	v46 =	vor.u32 s11, v6;
	v48 =	vld.idx.msk [tilespmem:v48+s14+$0x0], $0xffff;
	[tilespmem:v0+s18+$0x0] =	vst.idx.msk $0xffff, v38  }
0x2a6: {  	v59 =	vor.u32 s5, v7;
	v39 =	vld.idx.msk [tilespmem:v51+s14+$0x0], $0xffff;
	[tilespmem:v47+s18+$0x0] =	vst.idx.msk $0xffff, v50  }
0x2a7: {  	v40 =	vor.u32 s10, v5;
	v0 =	vor.u32 s28, v21;
	v44 =	vld.idx.msk [tilespmem:v44+s14+$0x0], $0xffff;
	[tilespmem:v53+s18+$0x0] =	vst.idx.msk $0xffff, v43  }
0x2a8: {  	v43 =	vor.u32 s29, v22;
	[tilespmem:v55+s18+$0x0] =	vst.idx.msk $0xffff, v54;
	v50 =	vld.idx.msk [tilespmem:v56+s14+$0x0], $0xffff  }
0x2a9: {  	v62 =	vor.u32 s15, v5;
	v49 =	vor.u32 s7, v6;
	[tilespmem:v63+s18+$0x0] =	vst.idx.msk $0xffff, v45;
	v52 =	vld.idx.msk [tilespmem:v58+s14+$0x0], $0xffff  }
0x2aa: {  	v45 =	vor.u32 s2, v17;
	[tilespmem:v46+s18+$0x0] =	vst.idx.msk $0xffff, v1;
	v55 =	vld.idx.msk [tilespmem:v57+s14+$0x0], $0xffff  }
0x2ab: {  	s6 =	smov.u32 s31;
	v53 =	vor.u32 s12, v21;
	v51 =	vld.idx.msk [tilespmem:v59+s14+$0x0], $0xffff  }
0x2ac: {  	v1 =	vor.u32 s6, v18;
	v40 =	vld.idx.msk [tilespmem:v40+s14+$0x0], $0xffff;
	[tilespmem:v0+s18+$0x0] =	vst.idx.msk $0xffff, v39;
	v0 =	vor.u32 s13, v31  }
0x2ad: {  	v46 =	vor.u32 s26, v22;
	v39 =	vor.u32 s11, v8;
	v43 =	vld.idx.msk [tilespmem:v43+s14+$0x0], $0xffff;
	[tilespmem:v41+s18+$0x0] =	vst.idx.msk $0xffff, v44  }
0x2ae: {  	v58 =	vor.u32 s28, v23;
	[tilespmem:v49+s18+$0x0] =	vst.idx.msk $0xffff, v48;
	v48 =	vor.u32 s23, v22;
	v44 =	vld.idx.msk [tilespmem:v62+s14+$0x0], $0xffff  }
0x2af: {  	v57 =	vor.u32 s5, v9;
	v62 =	vld [tilespmem:$0x1FFF0];
	[tilespmem:v45+s18+$0x0] =	vst.idx.msk $0xffff, v50  }
0x2b0: {  	v60 =	vld [tilespmem:$0x1FFE0];
	v42 =	vor.u32 s21, v6;
	v54 =	vor.u32 s17, v7;
	v59 =	vor.u32 s29, v24;
	s13 =	smov.u32 s2;
	[tilespmem:v53+s18+$0x0] =	vst.idx.msk $0xffff, v52  }
0x2b1: {  	v50 =	vor.u32 s30, v16;
	v53 =	vor.u32 s13, v19;
	v1 =	vld.idx.msk [tilespmem:v1+s14+$0x0], $0xffff;
	[tilespmem:v0+s18+$0x0] =	vst.idx.msk $0xffff, v55  }
0x2b2: {  	v56 =	vor.u32 s21, v8;
	v46 =	vld.idx.msk [tilespmem:v46+s14+$0x0], $0xffff;
	[tilespmem:v39+s18+$0x0] =	vst.idx.msk $0xffff, v51;
	v0 =	vor.u32 s3, v23  }
0x2b3: {  	v52 =	vor.u32 s19, v9;
	v55 =	vor.u32 s12, v23;
	v48 =	vld.idx.msk [tilespmem:v48+s14+$0x0], $0xffff;
	[tilespmem:v58+s18+$0x0] =	vst.idx.msk $0xffff, v43  }
0x2b4: {  	v39 =	vor.u32 s26, v24;
	v49 =	vld.idx.msk [tilespmem:v57+s14+$0x0], $0xffff;
	v41 =	vor.u32 s11, v62;
	[tilespmem:v36+s18+$0x0] =	vst.idx.msk $0xffff, v61  }
0x2b5: {  	v43 =	vor.u32 s23, v24;
	v57 =	vor.u32 s28, v25;
	v45 =	vld.idx.msk [tilespmem:v59+s14+$0x0], $0xffff;
	[tilespmem:v42+s18+$0x0] =	vst.idx.msk $0xffff, v44  }
0x2b6: {  	v58 =	vor.u32 s25, v17;
	v36 =	vmov v56;
	v56 =	vor.u32 s5, v10;
	v42 =	vld.idx.msk [tilespmem:v50+s14+$0x0], $0xffff;
	[tilespmem:v53+s18+$0x0] =	vst.idx.msk $0xffff, v1  }
0x2b7: {  	v38 =	vor.u32 s8, v6;
	v1 =	vor.u32 s6, v20;
	v59 =	vld.idx.msk [tilespmem:v54+s14+$0x0], $0xffff;
	[tilespmem:v0+s18+$0x0] =	vst.idx.msk $0xffff, v46  }
0x2b8: {  	v47 =	vor.u32 s10, v7;
	v51 =	vor.u32 s7, v8;
	v52 =	vld.idx.msk [tilespmem:v52+s14+$0x0], $0xffff;
	[tilespmem:v55+s18+$0x0] =	vst.idx.msk $0xffff, v48  }
0x2b9: {  	v61 =	vor.u32 s3, v25;
	v46 =	vor.u32 s17, v9;
	v39 =	vld.idx.msk [tilespmem:v39+s14+$0x0], $0xffff;
	[tilespmem:v41+s18+$0x0] =	vst.idx.msk $0xffff, v49  }
0x2ba: {  	v54 =	vor.u32 s12, v25;
	v0 =	vor.u32 s29, v26;
	v43 =	vld.idx.msk [tilespmem:v43+s14+$0x0], $0xffff;
	[tilespmem:v57+s18+$0x0] =	vst.idx.msk $0xffff, v45  }
0x2bb: {  	v49 =	vor.u32 s26, v26;
	v48 =	vld.idx.msk [tilespmem:v56+s14+$0x0], $0xffff;
	[tilespmem:v58+s18+$0x0] =	vst.idx.msk $0xffff, v42;
	v42 =	vor.u32 s0, v62  }
0x2bc: {  	v44 =	vor.u32 s23, v26;
	v1 =	vld.idx.msk [tilespmem:v1+s14+$0x0], $0xffff;
	[tilespmem:v38+s18+$0x0] =	vst.idx.msk $0xffff, v40;
	v57 =	vor.u32 s13, v21  }
0x2bd: {  	v56 =	vor.u32 s19, v10;
	v58 =	vor.u32 s11, v11;
	[tilespmem:v51+s18+$0x0] =	vst.idx.msk $0xffff, v59;
	v47 =	vld.idx.msk [tilespmem:v47+s14+$0x0], $0xffff  }
0x2be: {  	v41 =	vor.u32 s24, v13;
	v51 =	vor.u32 s5, v12;
	v46 =	vld.idx.msk [tilespmem:v46+s14+$0x0], $0xffff;
	[tilespmem:v61+s18+$0x0] =	vst.idx.msk $0xffff, v39  }
0x2bf: {  	v59 =	vor.u32 s30, v18;
	v0 =	vld.idx.msk [tilespmem:v0+s14+$0x0], $0xffff;
	v39 =	vor.u32 s28, v27;
	[tilespmem:v54+s18+$0x0] =	vst.idx.msk $0xffff, v43  }
0x2c0: {  	v45 =	vor.u32 s8, v8;
	v61 =	vor.u32 s6, v22;
	v49 =	vld.idx.msk [tilespmem:v49+s14+$0x0], $0xffff;
	[tilespmem:v42+s18+$0x0] =	vst.idx.msk $0xffff, v52  }
0x2c1: {  	v35 =	vmov v33;
	v33 =	vor.u32 s21, v13;
	v50 =	vor.u32 s10, v9;
	[tilespmem:v57+s18+$0x0] =	vst.idx.msk $0xffff, v1;
	v52 =	vld.idx.msk [tilespmem:v44+s14+$0x0], $0xffff  }
0x2c2: {  	v43 =	vor.u32 s3, v27;
	v44 =	vor.u32 s29, v28;
	v55 =	vld.idx.msk [tilespmem:v56+s14+$0x0], $0xffff;
	[tilespmem:v58+s18+$0x0] =	vst.idx.msk $0xffff, v48  }
0x2c3: {  	v1 =	vor.u32 s26, v28;
	v54 =	vor.u32 s12, v27;
	v56 =	vld.idx.msk [tilespmem:v51+s14+$0x0], $0xffff;
	[tilespmem:v41+s18+$0x0] =	vst.idx.msk $0xffff, v32  }
0x2c4: {  	v57 =	vld.idx.msk [tilespmem:v59+s14+$0x0], $0xffff;
	v48 =	vor.u32 s23, v28;
	v58 =	vor.u32 s0, v11;
	[tilespmem:v39+s18+$0x0] =	vst.idx.msk $0xffff, v0  }
0x2c5: {  	s9 =	sadd.s32 $0x4, s9;
	v32 =	vor.u32 s19, v12;
	v0 =	vor.u32 s7, v62;
	v42 =	vld.idx.msk [tilespmem:v61+s14+$0x0], $0xffff;
	[tilespmem:v45+s18+$0x0] =	vst.idx.msk $0xffff, v47  }
0x2c6: {  	p5 =	slt.u32 s9, $0x1C;
	v37 =	vor.u32 s15, v7;
	v39 =	vor.u32 s17, v10;
	v61 =	vor.u32 s25, v19;
	v47 =	vld.idx.msk [tilespmem:v50+s14+$0x0], $0xffff  }
.Ltmp7:
0x2c7: {  	v53 =	vor.u32 s23, v30;
	v38 =	vor.u32 s26, v30;
	[tilespmem:v43+s18+$0x0] =	vst.idx.msk $0xffff, v49;
	v44 =	vld.idx.msk [tilespmem:v44+s14+$0x0], $0xffff;
	(pc) =	sbr.rel @p5 .LBB2_8-.Ltmp7, $4  }
0x2c8: {  	s31 =	smov.u32 s10;
	s2 =	smov.u32 s8;
	v40 =	vor.u32 s1, v14;
	v50 =	vor.u32 s29, v30;
	v41 =	vld.idx.msk [tilespmem:v1+s14+$0x0], $0xffff;
	[tilespmem:v54+s18+$0x0] =	vst.idx.msk $0xffff, v52  }
0x2c9: {  	s10 =	sadd.s32 $0x10, s10;
	s26 =	smov.u32 s30;
	s30 =	smov.u32 s17;
	v51 =	vor.u32 s13, v23;
	v49 =	vor.u32 s6, v24;
	v43 =	vor.u32 s13, v25;
	[tilespmem:v58+s18+$0x0] =	vst.idx.msk $0xffff, v55;
	v48 =	vld.idx.msk [tilespmem:v48+s14+$0x0], $0xffff  }
0x2ca: {  	v63 =	vmov v4;
	s23 =	smov.u32 s1;
	s1 =	smov.u32 s5;
	s29 =	smov.u32 s19;
	v52 =	vor.u32 s12, v29;
	v55 =	vor.u32 s3, v29;
	v45 =	vld.idx.msk [tilespmem:v32+s14+$0x0], $0xffff;
	[tilespmem:v0+s18+$0x0] =	vst.idx.msk $0xffff, v46  }
0x2cb: {  	s19 =	smov.u32 s15;
	v54 =	vor.u32 s28, v29;
	v32 =	vmovc v56;
	v56 =	vor.u32 s8, v62;
	v46 =	vld.idx.msk [tilespmem:v39+s14+$0x0], $0xffff;
	[tilespmem:v61+s18+$0x0] =	vst.idx.msk $0xffff, v57;
	v39 =	vor.u32 s28, v31;
	s28 =	smov.u32 s0;
	s0 =	smov.u32 s21  }
0x2cc: {  	_ =	sdelay $0x3  }
0x2cd: {  	[tilespmem:v51+s18+$0x0] =	vst.idx.msk $0xffff, v42  }
0x2ce: {  	v0 =	vor.u32 s7, v11;
	[tilespmem:v54+s18+$0x0] =	vst.idx.msk $0xffff, v44  }
0x2cf: {  	v1 =	vor.u32 s29, v14;
	v37 =	vld.idx.msk [tilespmem:v37+s14+$0x0], $0xffff;
	[tilespmem:v56+s18+$0x0] =	vst.idx.msk $0xffff, v47  }
0x2d0: {  	v57 =	vor.u32 s19, v9;
	v42 =	vld.idx.msk [tilespmem:v49+s14+$0x0], $0xffff;
	[tilespmem:v55+s18+$0x0] =	vst.idx.msk $0xffff, v41  }
0x2d1: {  	v44 =	vld.idx.msk [tilespmem:v50+s14+$0x0], $0xffff;
	[tilespmem:v52+s18+$0x0] =	vst.idx.msk $0xffff, v48  }
0x2d2: {  	v61 =	vor.u32 s3, v31;
	v38 =	vld.idx.msk [tilespmem:v38+s14+$0x0], $0xffff;
	[tilespmem:v35+s18+$0x0] =	vst.idx.msk $0xffff, v45  }
0x2d3: {  	v58 =	vor.u32 s12, v31;
	v59 =	vor.u32 s6, v26;
	v47 =	vld.idx.msk [tilespmem:v53+s14+$0x0], $0xffff;
	[tilespmem:v0+s18+$0x0] =	vst.idx.msk $0xffff, v46  }
0x2d4: {  	v0 =	vor.u32 s30, v12;
	v1 =	vld.idx.msk [tilespmem:v1+s14+$0x0], $0xffff;
	v46 =	vor.u32 s28, v15;
	[tilespmem:v36+s18+$0x0] =	vst.idx.msk $0xffff, v37  }
0x2d5: {  	v52 =	vor.u32 s29, v16;
	v53 =	vor.u32 s0, v62;
	[tilespmem:v43+s18+$0x0] =	vst.idx.msk $0xffff, v42;
	v37 =	vld.idx.msk [tilespmem:v57+s14+$0x0], $0xffff  }
0x2d6: {  	v54 =	vor.u32 s2, v11;
	v34 =	vld.idx.msk [tilespmem:v34+s14+$0x0], $0xffff;
	v55 =	vor.u32 s19, v10;
	[tilespmem:v39+s18+$0x0] =	vst.idx.msk $0xffff, v44  }
0x2d7: {  	v40 =	vld.idx.msk [tilespmem:v40+s14+$0x0], $0xffff;
	v56 =	vor.u32 s26, v20;
	v57 =	vor.u32 s24, v15;
	[tilespmem:v61+s18+$0x0] =	vst.idx.msk $0xffff, v38  }
0x2d8: {  	v35 =	vld.idx.msk [tilespmem:v59+s14+$0x0], $0xffff;
	v59 =	vor.u32 s31, v12;
	[tilespmem:v58+s18+$0x0] =	vst.idx.msk $0xffff, v47;
	v58 =	vor.u32 s13, v27  }
0x2d9: {  	v49 =	vor.u32 s7, v13;
	v61 =	vor.u32 s23, v16;
	v0 =	vld.idx.msk [tilespmem:v0+s14+$0x0], $0xffff;
	[tilespmem:v46+s18+$0x0] =	vst.idx.msk $0xffff, v1  }
0x2da: {  	v50 =	vor.u32 s28, v17;
	v1 =	vor.u32 s6, v28;
	v36 =	vld.idx.msk [tilespmem:v52+s14+$0x0], $0xffff;
	[tilespmem:v53+s18+$0x0] =	vst.idx.msk $0xffff, v37  }
0x2db: {  	v51 =	vor.u32 s29, v18;
	[tilespmem:v54+s18+$0x0] =	vst.idx.msk $0xffff, v34;
	v52 =	vor.u32 s0, v11;
	v37 =	vld.idx.msk [tilespmem:v55+s14+$0x0], $0xffff  }
0x2dc: {  	v54 =	vor.u32 s25, v21;
	v53 =	vld.idx.msk [tilespmem:v56+s14+$0x0], $0xffff;
	[tilespmem:v57+s18+$0x0] =	vst.idx.msk $0xffff, v40;
	v55 =	vor.u32 s19, v12  }
0x2dd: {  	v57 =	vor.u32 s2, v13;
	v56 =	vld.idx.msk [tilespmem:v59+s14+$0x0], $0xffff;
	[tilespmem:v58+s18+$0x0] =	vst.idx.msk $0xffff, v35  }
0x2de: {  	v38 =	vld.idx.msk [tilespmem:v61+s14+$0x0], $0xffff;
	v58 =	vor.u32 s31, v14;
	[tilespmem:v49+s18+$0x0] =	vst.idx.msk $0xffff, v0;
	v0 =	vor.u32 s24, v17  }
0x2df: {  	v59 =	vor.u32 s13, v29;
	v61 =	vor.u32 s23, v18;
	v1 =	vld.idx.msk [tilespmem:v1+s14+$0x0], $0xffff;
	[tilespmem:v50+s18+$0x0] =	vst.idx.msk $0xffff, v36  }
0x2e0: {  	v48 =	vor.u32 s30, v14;
	v49 =	vor.u32 s28, v19;
	v34 =	vld.idx.msk [tilespmem:v51+s14+$0x0], $0xffff;
	[tilespmem:v52+s18+$0x0] =	vst.idx.msk $0xffff, v37  }
0x2e1: {  	[tilespmem:v54+s18+$0x0] =	vst.idx.msk $0xffff, v53;
	v50 =	vor.u32 s29, v20;
	v39 =	vld.idx.msk [tilespmem:v55+s14+$0x0], $0xffff  }
0x2e2: {  	[tilespmem:v57+s18+$0x0] =	vst.idx.msk $0xffff, v56;
	v51 =	vor.u32 s11, v13;
	v52 =	vor.u32 s19, v14  }
0x2e3: {  	v54 =	vor.u32 s1, v14;
	v53 =	vld.idx.msk [tilespmem:v58+s14+$0x0], $0xffff;
	[tilespmem:v0+s18+$0x0] =	vst.idx.msk $0xffff, v38;
	v0 =	vor.u32 s2, v15  }
0x2e4: {  	v56 =	vor.u32 s31, v16;
	v55 =	vor.u32 s24, v19;
	[tilespmem:v59+s18+$0x0] =	vst.idx.msk $0xffff, v1;
	v1 =	vld.idx.msk [tilespmem:v61+s14+$0x0], $0xffff  }
0x2e5: {  	v36 =	vld.idx.msk [tilespmem:v48+s14+$0x0], $0xffff;
	v57 =	vor.u32 s7, v15;
	v59 =	vor.u32 s6, v30;
	[tilespmem:v49+s18+$0x0] =	vst.idx.msk $0xffff, v34  }
0x2e6: {  	v58 =	vor.u32 s23, v20;
	v61 =	vor.u32 s28, v21;
	v37 =	vld.idx.msk [tilespmem:v50+s14+$0x0], $0xffff;
	[tilespmem:v33+s18+$0x0] =	vst.idx.msk $0xffff, v39  }
0x2e7: {  	v48 =	vor.u32 s29, v22;
	[tilespmem:v51+s18+$0x0] =	vst.idx.msk $0xffff, v32;
	v50 =	vor.u32 s0, v15;
	v49 =	vld.idx.msk [tilespmem:v52+s14+$0x0], $0xffff  }
0x2e8: {  	v51 =	vor.u32 s19, v16;
	v52 =	vor.u32 s11, v15;
	[tilespmem:v0+s18+$0x0] =	vst.idx.msk $0xffff, v53;
	v0 =	vld.idx.msk [tilespmem:v54+s14+$0x0], $0xffff  }
0x2e9: {  	v54 =	vor.u32 s1, v16;
	v53 =	vld.idx.msk [tilespmem:v56+s14+$0x0], $0xffff;
	[tilespmem:v55+s18+$0x0] =	vst.idx.msk $0xffff, v1;
	v1 =	vor.u32 s2, v17  }
0x2ea: {  	[tilespmem:v57+s18+$0x0] =	vst.idx.msk $0xffff, v36;
	v57 =	vor.u32 s30, v16;
	v34 =	vld.idx.msk [tilespmem:v59+s14+$0x0], $0xffff;
	v59 =	vor.u32 s13, v31  }
0x2eb: {  	v56 =	vor.u32 s24, v21;
	v55 =	vld.idx.msk [tilespmem:v58+s14+$0x0], $0xffff;
	v58 =	vor.u32 s31, v18;
	[tilespmem:v61+s18+$0x0] =	vst.idx.msk $0xffff, v37  }
0x2ec: {  	v61 =	vor.u32 s26, v22;
	v33 =	vld.idx.msk [tilespmem:v48+s14+$0x0], $0xffff;
	v48 =	vor.u32 s28, v23;
	[tilespmem:v50+s18+$0x0] =	vst.idx.msk $0xffff, v49  }
0x2ed: {  	v35 =	vor.u32 s0, v17;
	v49 =	vor.u32 s23, v22;
	[tilespmem:v52+s18+$0x0] =	vst.idx.msk $0xffff, v0;
	v0 =	vld.idx.msk [tilespmem:v51+s14+$0x0], $0xffff  }
0x2ee: {  	v50 =	vor.u32 s19, v18;
	v51 =	vor.u32 s11, v17;
	[tilespmem:v1+s18+$0x0] =	vst.idx.msk $0xffff, v53;
	v1 =	vld.idx.msk [tilespmem:v54+s14+$0x0], $0xffff  }
0x2ef: {  	v52 =	vld.idx.msk [tilespmem:v57+s14+$0x0], $0xffff;
	[tilespmem:v59+s18+$0x0] =	vst.idx.msk $0xffff, v34;
	v53 =	vor.u32 s7, v17;
	v54 =	vor.u32 s1, v18  }
0x2f0: {  	v57 =	vor.u32 s30, v18;
	[tilespmem:v56+s18+$0x0] =	vst.idx.msk $0xffff, v55;
	v55 =	vld.idx.msk [tilespmem:v58+s14+$0x0], $0xffff;
	v56 =	vor.u32 s2, v19  }
0x2f1: {  	v58 =	vor.u32 s29, v24;
	v59 =	vld.idx.msk [tilespmem:v61+s14+$0x0], $0xffff;
	v61 =	vor.u32 s25, v23;
	[tilespmem:v48+s18+$0x0] =	vst.idx.msk $0xffff, v33  }
0x2f2: {  	v48 =	vor.u32 s26, v24;
	v32 =	vld.idx.msk [tilespmem:v49+s14+$0x0], $0xffff;
	v49 =	vor.u32 s24, v23;
	[tilespmem:v35+s18+$0x0] =	vst.idx.msk $0xffff, v0  }
0x2f3: {  	v0 =	vor.u32 s31, v20;
	v35 =	vld.idx.msk [tilespmem:v50+s14+$0x0], $0xffff;
	v50 =	vor.u32 s0, v19;
	[tilespmem:v51+s18+$0x0] =	vst.idx.msk $0xffff, v1  }
0x2f4: {  	[tilespmem:v53+s18+$0x0] =	vst.idx.msk $0xffff, v52;
	v1 =	vor.u32 s19, v20;
	v52 =	vor.u32 s11, v19;
	v51 =	vld.idx.msk [tilespmem:v54+s14+$0x0], $0xffff  }
0x2f5: {  	v53 =	vor.u32 s7, v19;
	[tilespmem:v56+s18+$0x0] =	vst.idx.msk $0xffff, v55;
	v34 =	vld.idx.msk [tilespmem:v57+s14+$0x0], $0xffff;
	v54 =	vor.u32 s1, v20  }
0x2f6: {  	v37 =	vld.idx.msk [tilespmem:v58+s14+$0x0], $0xffff;
	v55 =	vor.u32 s28, v25;
	v56 =	vor.u32 s30, v20;
	[tilespmem:v61+s18+$0x0] =	vst.idx.msk $0xffff, v59  }
0x2f7: {  	v57 =	vor.u32 s23, v24;
	v58 =	vor.u32 s25, v25;
	v33 =	vld.idx.msk [tilespmem:v48+s14+$0x0], $0xffff;
	[tilespmem:v49+s18+$0x0] =	vst.idx.msk $0xffff, v32  }
0x2f8: {  	v46 =	vor.u32 s2, v21;
	v59 =	vor.u32 s29, v26;
	v0 =	vld.idx.msk [tilespmem:v0+s14+$0x0], $0xffff;
	[tilespmem:v50+s18+$0x0] =	vst.idx.msk $0xffff, v35  }
0x2f9: {  	v61 =	vor.u32 s31, v22;
	v48 =	vor.u32 s0, v21;
	v1 =	vld.idx.msk [tilespmem:v1+s14+$0x0], $0xffff;
	[tilespmem:v52+s18+$0x0] =	vst.idx.msk $0xffff, v51  }
0x2fa: {  	v49 =	vor.u32 s19, v22;
	v50 =	vor.u32 s11, v21;
	[tilespmem:v53+s18+$0x0] =	vst.idx.msk $0xffff, v34;
	v36 =	vld.idx.msk [tilespmem:v54+s14+$0x0], $0xffff  }
0x2fb: {  	[tilespmem:v55+s18+$0x0] =	vst.idx.msk $0xffff, v37;
	v52 =	vor.u32 s7, v21;
	v53 =	vor.u32 s1, v22;
	v51 =	vld.idx.msk [tilespmem:v56+s14+$0x0], $0xffff  }
0x2fc: {  	v55 =	vor.u32 s24, v25;
	v54 =	vld.idx.msk [tilespmem:v57+s14+$0x0], $0xffff;
	v56 =	vor.u32 s30, v22;
	[tilespmem:v58+s18+$0x0] =	vst.idx.msk $0xffff, v33  }
0x2fd: {  	v57 =	vor.u32 s26, v26;
	v58 =	vld.idx.msk [tilespmem:v59+s14+$0x0], $0xffff;
	v59 =	vor.u32 s28, v27;
	[tilespmem:v46+s18+$0x0] =	vst.idx.msk $0xffff, v0  }
0x2fe: {  	v0 =	vor.u32 s23, v26;
	v35 =	vld.idx.msk [tilespmem:v61+s14+$0x0], $0xffff;
	v61 =	vor.u32 s2, v23;
	[tilespmem:v48+s18+$0x0] =	vst.idx.msk $0xffff, v1  }
0x2ff: {  	v1 =	vor.u32 s31, v24;
	v48 =	vor.u32 s0, v23;
	v34 =	vld.idx.msk [tilespmem:v49+s14+$0x0], $0xffff;
	[tilespmem:v50+s18+$0x0] =	vst.idx.msk $0xffff, v36  }
0x300: {  	[tilespmem:v52+s18+$0x0] =	vst.idx.msk $0xffff, v51;
	v49 =	vor.u32 s19, v24;
	v51 =	vor.u32 s11, v23;
	v50 =	vld.idx.msk [tilespmem:v53+s14+$0x0], $0xffff  }
0x301: {  	[tilespmem:v55+s18+$0x0] =	vst.idx.msk $0xffff, v54;
	v52 =	vor.u32 s7, v23;
	v32 =	vld.idx.msk [tilespmem:v56+s14+$0x0], $0xffff;
	v53 =	vor.u32 s1, v24  }
0x302: {  	v33 =	vld.idx.msk [tilespmem:v57+s14+$0x0], $0xffff;
	v54 =	vor.u32 s25, v27;
	v55 =	vor.u32 s30, v24;
	[tilespmem:v59+s18+$0x0] =	vst.idx.msk $0xffff, v58  }
0x303: {  	v57 =	vor.u32 s24, v27;
	v56 =	vor.u32 s29, v28;
	v0 =	vld.idx.msk [tilespmem:v0+s14+$0x0], $0xffff;
	[tilespmem:v61+s18+$0x0] =	vst.idx.msk $0xffff, v35  }
0x304: {  	v58 =	vor.u32 s23, v28;
	v59 =	vor.u32 s2, v25;
	v1 =	vld.idx.msk [tilespmem:v1+s14+$0x0], $0xffff;
	[tilespmem:v48+s18+$0x0] =	vst.idx.msk $0xffff, v34  }
0x305: {  	v61 =	vor.u32 s31, v26;
	v48 =	vor.u32 s0, v25;
	v36 =	vld.idx.msk [tilespmem:v49+s14+$0x0], $0xffff;
	[tilespmem:v51+s18+$0x0] =	vst.idx.msk $0xffff, v50  }
0x306: {  	[tilespmem:v52+s18+$0x0] =	vst.idx.msk $0xffff, v32;
	v49 =	vor.u32 s19, v26;
	v50 =	vor.u32 s11, v25;
	v37 =	vld.idx.msk [tilespmem:v53+s14+$0x0], $0xffff  }
0x307: {  	[tilespmem:v54+s18+$0x0] =	vst.idx.msk $0xffff, v33;
	v52 =	vor.u32 s7, v25;
	v51 =	vld.idx.msk [tilespmem:v55+s14+$0x0], $0xffff;
	v53 =	vor.u32 s1, v26  }
0x308: {  	v54 =	vld.idx.msk [tilespmem:v56+s14+$0x0], $0xffff;
	[tilespmem:v57+s18+$0x0] =	vst.idx.msk $0xffff, v0;
	v0 =	vor.u32 s28, v29;
	v55 =	vor.u32 s30, v26  }
0x309: {  	v56 =	vor.u32 s26, v28;
	v57 =	vor.u32 s24, v29;
	v35 =	vld.idx.msk [tilespmem:v58+s14+$0x0], $0xffff;
	[tilespmem:v59+s18+$0x0] =	vst.idx.msk $0xffff, v1  }
0x30a: {  	v58 =	vor.u32 s2, v27;
	v1 =	vor.u32 s29, v30;
	v34 =	vld.idx.msk [tilespmem:v61+s14+$0x0], $0xffff;
	[tilespmem:v48+s18+$0x0] =	vst.idx.msk $0xffff, v36  }
0x30b: {  	v59 =	vor.u32 s31, v28;
	v61 =	vor.u32 s0, v27;
	v32 =	vld.idx.msk [tilespmem:v49+s14+$0x0], $0xffff;
	[tilespmem:v50+s18+$0x0] =	vst.idx.msk $0xffff, v37  }
0x30c: {  	[tilespmem:v52+s18+$0x0] =	vst.idx.msk $0xffff, v51;
	v49 =	vor.u32 s19, v28;
	v50 =	vor.u32 s11, v27;
	v48 =	vld.idx.msk [tilespmem:v53+s14+$0x0], $0xffff  }
0x30d: {  	[tilespmem:v0+s18+$0x0] =	vst.idx.msk $0xffff, v54;
	v51 =	vor.u32 s7, v27;
	v52 =	vor.u32 s1, v28;
	v0 =	vld.idx.msk [tilespmem:v55+s14+$0x0], $0xffff  }
0x30e: {  	v54 =	vor.u32 s25, v29;
	v53 =	vld.idx.msk [tilespmem:v56+s14+$0x0], $0xffff;
	[tilespmem:v57+s18+$0x0] =	vst.idx.msk $0xffff, v35;
	v55 =	vor.u32 s30, v28  }
0x30f: {  	v56 =	vor.u32 s23, v30;
	v57 =	vor.u32 s28, v31;
	v1 =	vld.idx.msk [tilespmem:v1+s14+$0x0], $0xffff;
	[tilespmem:v58+s18+$0x0] =	vst.idx.msk $0xffff, v34  }
0x310: {  	v58 =	vor.u32 s26, v30;
	v36 =	vld.idx.msk [tilespmem:v59+s14+$0x0], $0xffff;
	v59 =	vor.u32 s2, v29;
	[tilespmem:v61+s18+$0x0] =	vst.idx.msk $0xffff, v32  }
0x311: {  	v61 =	vor.u32 s31, v30;
	v37 =	vld.idx.msk [tilespmem:v49+s14+$0x0], $0xffff;
	[tilespmem:v50+s18+$0x0] =	vst.idx.msk $0xffff, v48;
	v48 =	vor.u32 s0, v29  }
0x312: {  	[tilespmem:v51+s18+$0x0] =	vst.idx.msk $0xffff, v0;
	v49 =	vor.u32 s11, v29;
	v50 =	vor.u32 s19, v30;
	v0 =	vld.idx.msk [tilespmem:v52+s14+$0x0], $0xffff  }
0x313: {  	[tilespmem:v54+s18+$0x0] =	vst.idx.msk $0xffff, v53;
	v51 =	vor.u32 s7, v29;
	v35 =	vld.idx.msk [tilespmem:v55+s14+$0x0], $0xffff;
	v52 =	vor.u32 s1, v30  }
0x314: {  	v53 =	vld.idx.msk [tilespmem:v56+s14+$0x0], $0xffff;
	v54 =	vor.u32 s24, v31;
	[tilespmem:v57+s18+$0x0] =	vst.idx.msk $0xffff, v1;
	v1 =	vor.u32 s30, v30  }
0x315: {  	v55 =	vor.u32 s25, v31;
	v34 =	vld.idx.msk [tilespmem:v58+s14+$0x0], $0xffff;
	[tilespmem:v59+s18+$0x0] =	vst.idx.msk $0xffff, v36  }
0x316: {  	v56 =	vor.u32 s2, v31;
	v32 =	vld.idx.msk [tilespmem:v61+s14+$0x0], $0xffff;
	[tilespmem:v48+s18+$0x0] =	vst.idx.msk $0xffff, v37  }
0x317: {  	v57 =	vor.u32 s0, v31;
	[tilespmem:v49+s18+$0x0] =	vst.idx.msk $0xffff, v0;
	v0 =	vld.idx.msk [tilespmem:v50+s14+$0x0], $0xffff  }
0x318: {  	v59 =	vor.u32 s11, v31;
	[tilespmem:v51+s18+$0x0] =	vst.idx.msk $0xffff, v35;
	v58 =	vld.idx.msk [tilespmem:v52+s14+$0x0], $0xffff  }
0x319: {  	v61 =	vor.u32 s7, v31;
	[tilespmem:v54+s18+$0x0] =	vst.idx.msk $0xffff, v53;
	v1 =	vld.idx.msk [tilespmem:v1+s14+$0x0], $0xffff  }
0x31a: {  	[tilespmem:v55+s18+$0x0] =	vst.idx.msk $0xffff, v34  }
0x31b: {  	[tilespmem:v56+s18+$0x0] =	vst.idx.msk $0xffff, v32  }
0x31c: {  	[tilespmem:v57+s18+$0x0] =	vst.idx.msk $0xffff, v0  }
0x31d: {  	s29 =	rddreg [dreg:$0x1];
	s28 =	sshll.u32 s22, $0xA;
	[tilespmem:v59+s18+$0x0] =	vst.idx.msk $0xffff, v58  }
0x31e: {  	s0 =	sadd.s32 s29, s28;
	[tilespmem:v61+s18+$0x0] =	vst.idx.msk $0xffff, v1  }
0x31f: {  	[hbm4b:s0+s4] =	stream.linear.scatter [tilespmem:s18], [sflag:$0x4], $0x2000, $0x38;
	[tilespmem:$0x8000] =	vst v63  }
0x320: {  	s30 =	rddreg [dreg:$0x7]  }
0x321: {  	s31 =	rddreg [dreg:$0xb]  }
.Ltmp8:
0x322: {  	s0 =	sadd.s32 s30, s31;
	(pc) =	sbr.rel .LBB2_10-.Ltmp8, $4  }
0x323: {  	p5 =	sgt.u32 s0, $0x1E84  }
0x324: {  	s1 =	rddreg [dreg:$0x0];
	s0 =	sshll.u32 @!p5 s0, $0x7;
	s2 =	simm.s32 @!p5 $0x7A1400  }
0x325: {  	v4 =	vmov v6;
	v52 =	vmov v2;
	s3 =	simm.s32 @!p5 $0x2000;
	s0 =	sadd.s32 @!p5 s1, s0;
	s1 =	simm.s32 @!p5 $0x400  }
0x326: {  	v2 =	vmovc v3;
	v3 =	vmovc v5;
	v61 =	vmov v7;
	v7 =	vmov v8;
	v8 =	vmov v9;
	[tilespmem:s3], [sflag:$0x2] =	stream.strided.gather @!p5 [hbm4b:s0+s1], $0x2000, s2, s1, $0x38;
	[tilespmem:$0x8000] =	vst v63  }
.LBB2_12:
0x327: {  	_ =	sfence.sel $0x180000  }
0x328: {  	[bflag:$0x0] =	sbarrier.arrive $0xFFFF  }
0x329: {  	_ =	strace $0x90000047  }
0x32a: {  	s0 =	stileid.u32;
	[bflag:$0x2] =	sbarrier.arrive $0xFFFF  }
0x32b: {  	p0 =	sne.s32 s0, $0x0;
	s0 =	rddreg [dreg:$0x2]  }
0x32c: {  	s0 =	sadd.s32 @!p0 $0x100000, s0  }
0x32d: {  	[sflag:s0] =	ssyncadd.tile.s32 @!p0 $0x1;
	_ =	shalt  }
.Lfunc_end2:
_tile_overlayer_lowered:
.L_overlay_start_2:
0x32e: {  	(tag) =	ssettag $0x2  }
0x32f: {  	s0 =	rddreg [dreg:$0x0];
	s2 =	stileid.u32  }
0x330: {  	s1 =	rddreg [dreg:$0x1];
	p0 =	sne.s32 s2, $0x0  }
0x331: {  	s3 =	rddreg [dreg:$0x2];
	[bflag:$0x3] =	sbarrier.arrive $0xFFFF;
	s2 =	simm.s32 @!p0 $0x1C05  }
0x332: {  	[timem:s3], [sflag:s2] =	dma.local @!p0 [hbm:s0], s1  }
0x333: {  	s0 =	simm.s32 @!p0 $0x5  }
0x334: {  	_ =	swait.ge @!p0 [sflag:s0], s1  }
0x335: {  	s1 =	ssub.s32 @!p0 $0x0, s1;
	[sflag:s0] =	ssyncset.done @!p0 $0x0  }
0x336: {  	[sflag:s0] =	ssyncadd.s32 @!p0 s1  }
0x337: {  	[bflag:$0x3] =	sbarrier.arrive $0xFFFF  }
0x338: {  	_ =	shalt  }

</sc_bundles>
